<compile_context>
chip_gen: v7x
topology: tpu7x:2x2x1
jax: 0.10.2.dev20260603
libtpu: 0.0.44.dev20260713+nightly
codegen_flags: <defaults>
</compile_context>

<pallas_src>
import functools

import jax
import jax.numpy as jnp
from jax import lax
from jax.experimental import pallas as pl
from jax.experimental.pallas import tpu as pltpu
from jax.experimental.pallas import tpu_sc as plsc

EPS = 1e-12
H = 128
LANES = 16
VPR = H // LANES
CH = 64


def _sc_dims():
    try:
        info = plsc.get_sparse_core_info()
        return info.num_cores, info.num_subcores
    except Exception:
        return 2, 16


_GATHER_DNUMS = lax.GatherDimensionNumbers(
    offset_dims=(), collapsed_slice_dims=(0,), start_index_map=(0,))


def _shuffle(x, perm):
    return lax.gather(
        x, perm[:, None], _GATHER_DNUMS, slice_sizes=(1,),
        mode=lax.GatherScatterMode.PROMISE_IN_BOUNDS)


def _lane_allreduce_sum(x):
    for k in (8, 4, 2, 1):
        perm = lax.iota(jnp.int32, LANES) ^ k
        x = x + _shuffle(x, perm)
    return x


def _rsqrt(x):
    i = plsc.bitcast(x, jnp.int32)
    y = plsc.bitcast(jnp.int32(0x5F3759DF) - (i >> 1), jnp.float32)
    h = x * jnp.float32(0.5)
    for _ in range(3):
        y = y * (jnp.float32(1.5) - h * y * y)
    return y


GBUF = 4
OBUF = 2


@functools.lru_cache(maxsize=None)
def _build(n):
    nc, ns = _sc_dims()
    nw = nc * ns
    per_w = n // nw
    assert per_w * nw == n and per_w % (GBUF * CH) == 0
    n_chunks = per_w // CH
    mesh = plsc.VectorSubcoreMesh(core_axis_name="c", subcore_axis_name="s")

    scratch = (
        [pltpu.VMEM((CH,), jnp.int32) for _ in range(3 * GBUF)]
        + [pltpu.VMEM((CH, H), jnp.float32) for _ in range(3 * GBUF)]
        + [pltpu.VMEM((CH, H), jnp.float32) for _ in range(OBUF)]
        + [pltpu.VMEM((H,), jnp.float32) for _ in range(2)]
        + [pltpu.SemaphoreType.DMA for _ in range(3 * GBUF + OBUF + GBUF)]
    )

    @functools.partial(
        pl.kernel,
        out_type=jax.ShapeDtypeStruct((n, H), jnp.float32),
        mesh=mesh,
        compiler_params=pltpu.CompilerParams(needs_layout_passes=False),
        scratch_types=scratch,
    )
    def enc(pos_ids, hop_ids, time_ids, pos_tab, hop_tab, gamma, beta, out,
            *scr):
        it = iter(scr)
        idx = [tuple(next(it) for _ in range(3)) for _ in range(GBUF)]
        rowb = [tuple(next(it) for _ in range(3)) for _ in range(GBUF)]
        outb = [next(it) for _ in range(OBUF)]
        gvb = next(it)
        bvb = next(it)
        gsem = [tuple(next(it) for _ in range(3)) for _ in range(GBUF)]
        osem = [next(it) for _ in range(OBUF)]
        isem = [next(it) for _ in range(GBUF)]
        ids = (pos_ids, hop_ids, time_ids)
        tabs = (pos_tab, hop_tab, hop_tab)

        wid = lax.axis_index("s") * nc + lax.axis_index("c")
        base = wid * per_w

        pltpu.sync_copy(gamma, gvb)
        pltpu.sync_copy(beta, bvb)
        gvals = [gvb[pl.ds(LANES * j, LANES)] for j in range(VPR)]
        bvals = [bvb[pl.ds(LANES * j, LANES)] for j in range(VPR)]

        def off(c):
            return pl.multiple_of(base + c * CH, CH)

        def fire_idx(c, s):
            o = off(c)
            for k in range(3):
                pltpu.async_copy(ids[k].at[pl.ds(o, CH)], idx[s][k], isem[s])

        def wait_idx(s):
            for k in range(3):
                pltpu.make_async_copy(
                    ids[k].at[pl.ds(0, CH)], idx[s][k], isem[s]).wait()

        def fire_gathers(s):
            for k in range(3):
                pltpu.async_copy(tabs[k].at[idx[s][k]], rowb[s][k], gsem[s][k])

        def wait_gathers(s):
            for k in range(3):
                pltpu.make_async_copy(
                    tabs[k].at[idx[s][k]], rowb[s][k], gsem[s][k]).wait()

        def fire_out(c, s):
            pltpu.async_copy(outb[s], out.at[pl.ds(off(c), CH)], osem[s])

        def wait_out(s):
            pltpu.make_async_copy(
                outb[s], out.at[pl.ds(0, CH)], osem[s]).wait()

        def compute(s, u):
            pb, hb, tb = rowb[s]
            ob = outb[u]

            def row_body(r, carry):
                sregs = [
                    pb[r, pl.ds(LANES * j, LANES)]
                    + hb[r, pl.ds(LANES * j, LANES)]
                    + tb[r, pl.ds(LANES * j, LANES)]
                    for j in range(VPR)
                ]
                s0, s1, s2, s3, s4, s5, s6, s7 = sregs
                sv = ((s0 + s1) + (s2 + s3)) + ((s4 + s5) + (s6 + s7))
                q = [x * x for x in sregs]
                qv = ((q[0] + q[1]) + (q[2] + q[3])) + ((q[4] + q[5]) + (q[6] + q[7]))
                mean = _lane_allreduce_sum(sv) * jnp.float32(1.0 / H)
                msq = _lane_allreduce_sum(qv) * jnp.float32(1.0 / H)
                rstd = _rsqrt(msq - mean * mean + jnp.float32(EPS))
                for j in range(VPR):
                    ob[r, pl.ds(LANES * j, LANES)] = (
                        (sregs[j] - mean) * rstd * gvals[j] + bvals[j])
                return carry

            lax.fori_loop(0, CH, row_body, 0)

        for k in range(GBUF):
            fire_idx(k, k)
        for k in range(GBUF - 1):
            wait_idx(k)
            fire_gathers(k)

        def group_body(i, carry):
            for b in range(GBUF):
                c = GBUF * i + b
                s = b
                ns = (b + GBUF - 1) % GBUF
                u = b % OBUF
                wait_gathers(s)

                @pl.when(c + GBUF - 1 < n_chunks)
                def _():
                    wait_idx(ns)
                    fire_gathers(ns)

                @pl.when(c + GBUF < n_chunks)
                def _():
                    fire_idx(c + GBUF, s)

                @pl.when(c >= OBUF)
                def _():
                    wait_out(u)

                compute(s, u)
                fire_out(c, u)
            return carry

        lax.fori_loop(0, n_chunks // GBUF, group_body, 0)
        for u in range(OBUF):
            wait_out(u)

    return enc


def kernel(init_pos_ids, hop_dis_ids, time_dis_ids, pos_table, hop_table,
           time_table, ln_gamma, ln_beta):
    b, l = init_pos_ids.shape
    n = b * l
    enc = _build(n)
    out = enc(
        init_pos_ids.reshape(n),
        hop_dis_ids.reshape(n),
        time_dis_ids.reshape(n),
        pos_table,
        hop_table,
        ln_gamma,
        ln_beta,
    )
    return out.reshape(b, l, H)

# --- scband reference (transcript-rebuilt; emitter-appended) ---
"""Pipeline reference for scband-edge-encoding-53721450938741 (READ-ONLY COPY).

The authoritative reference and input builder live on the scoring server;
editing this copy changes nothing except your own understanding.
"""

import jax, jax.numpy as jnp
import numpy as np

B, L = 4096, 200
VOCAB_POS = 100000
VOCAB_HOP = 100000
H = 128
EPS = 1e-12


def setup_inputs(seed: int = 0) -> dict:
    key = jax.random.key(seed)
    k1, k2, k3, k4, k5, k6 = jax.random.split(key, 6)
    init_pos_ids = jax.random.randint(k1, (B, L), 0, VOCAB_POS, dtype=jnp.int64 if jax.config.jax_enable_x64 else jnp.int32)
    hop_dis_ids = jax.random.randint(k2, (B, L), 0, VOCAB_HOP, dtype=jnp.int64 if jax.config.jax_enable_x64 else jnp.int32)
    time_dis_ids = jax.random.randint(k3, (B, L), 0, VOCAB_HOP, dtype=jnp.int64 if jax.config.jax_enable_x64 else jnp.int32)
    pos_table = jax.random.normal(k4, (VOCAB_POS, H), dtype=jnp.float32)
    hop_table = jax.random.normal(k5, (VOCAB_HOP, H), dtype=jnp.float32)
    time_table = jax.random.normal(k6, (VOCAB_HOP, H), dtype=jnp.float32)
    ln_gamma = jnp.ones((H,), dtype=jnp.float32)
    ln_beta = jnp.zeros((H,), dtype=jnp.float32)
    return {
        "init_pos_ids": init_pos_ids,
        "hop_dis_ids": hop_dis_ids,
        "time_dis_ids": time_dis_ids,
        "pos_table": pos_table,
        "hop_table": hop_table,
        "time_table": time_table,
        "ln_gamma": ln_gamma,
        "ln_beta": ln_beta,
    }


def _layer_norm(x, gamma, beta):
    mean = jnp.mean(x, axis=-1, keepdims=True)
    var = jnp.mean((x - mean) ** 2, axis=-1, keepdims=True)
    return (x - mean) / jnp.sqrt(var + EPS) * gamma + beta


def reference(init_pos_ids, hop_dis_ids, time_dis_ids, pos_table, hop_table, time_table, ln_gamma, ln_beta):
    # Note: the original torch module (faithfully) uses hop_dis_embeddings for
    # BOTH hop_dis_ids and time_dis_ids; time_dis_embeddings is unused.
    position_embeddings = jnp.take(pos_table, init_pos_ids, axis=0)
    hop_embeddings = jnp.take(hop_table, hop_dis_ids, axis=0)
    time_embeddings = jnp.take(hop_table, time_dis_ids, axis=0)
    embeddings = position_embeddings + hop_embeddings + time_embeddings
    embeddings = _layer_norm(embeddings, ln_gamma, ln_beta)
    # dropout in eval mode -> identity
    return embeddings

if __name__ == "__main__":
    import jax
    _d = setup_inputs()
    print(jax.jit(kernel)(*tuple(_d.values())))

</pallas_src>

<mosaic_0001>
#map = affine_map<(d0, d1) -> (0)>
#map1 = affine_map<(d0, d1) -> (0, 0)>
module attributes {stable_mosaic.version = 14 : i64} {
  func.func @enc(%arg0: i32, %arg1: i32, %arg2: memref<819200xi32, #tpu.memory_space<hbm>>, %arg3: memref<819200xi32, #tpu.memory_space<hbm>>, %arg4: memref<819200xi32, #tpu.memory_space<hbm>>, %arg5: memref<100000x128xf32, #tpu.memory_space<hbm>>, %arg6: memref<100000x128xf32, #tpu.memory_space<hbm>>, %arg7: memref<128xf32, #tpu.memory_space<hbm>>, %arg8: memref<128xf32, #tpu.memory_space<hbm>>, %arg9: memref<819200x128xf32, #tpu.memory_space<hbm>>, %arg10: memref<64xi32, #tpu.memory_space<vmem>>, %arg11: memref<64xi32, #tpu.memory_space<vmem>>, %arg12: memref<64xi32, #tpu.memory_space<vmem>>, %arg13: memref<64xi32, #tpu.memory_space<vmem>>, %arg14: memref<64xi32, #tpu.memory_space<vmem>>, %arg15: memref<64xi32, #tpu.memory_space<vmem>>, %arg16: memref<64xi32, #tpu.memory_space<vmem>>, %arg17: memref<64xi32, #tpu.memory_space<vmem>>, %arg18: memref<64xi32, #tpu.memory_space<vmem>>, %arg19: memref<64xi32, #tpu.memory_space<vmem>>, %arg20: memref<64xi32, #tpu.memory_space<vmem>>, %arg21: memref<64xi32, #tpu.memory_space<vmem>>, %arg22: memref<64x128xf32, #tpu.memory_space<vmem>>, %arg23: memref<64x128xf32, #tpu.memory_space<vmem>>, %arg24: memref<64x128xf32, #tpu.memory_space<vmem>>, %arg25: memref<64x128xf32, #tpu.memory_space<vmem>>, %arg26: memref<64x128xf32, #tpu.memory_space<vmem>>, %arg27: memref<64x128xf32, #tpu.memory_space<vmem>>, %arg28: memref<64x128xf32, #tpu.memory_space<vmem>>, %arg29: memref<64x128xf32, #tpu.memory_space<vmem>>, %arg30: memref<64x128xf32, #tpu.memory_space<vmem>>, %arg31: memref<64x128xf32, #tpu.memory_space<vmem>>, %arg32: memref<64x128xf32, #tpu.memory_space<vmem>>, %arg33: memref<64x128xf32, #tpu.memory_space<vmem>>, %arg34: memref<64x128xf32, #tpu.memory_space<vmem>>, %arg35: memref<64x128xf32, #tpu.memory_space<vmem>>, %arg36: memref<128xf32, #tpu.memory_space<vmem>>, %arg37: memref<128xf32, #tpu.memory_space<vmem>>, %arg38: memref<!tpu.dma_semaphore, #tpu.memory_space<semaphore_mem>>, %arg39: memref<!tpu.dma_semaphore, #tpu.memory_space<semaphore_mem>>, %arg40: memref<!tpu.dma_semaphore, #tpu.memory_space<semaphore_mem>>, %arg41: memref<!tpu.dma_semaphore, #tpu.memory_space<semaphore_mem>>, %arg42: memref<!tpu.dma_semaphore, #tpu.memory_space<semaphore_mem>>, %arg43: memref<!tpu.dma_semaphore, #tpu.memory_space<semaphore_mem>>, %arg44: memref<!tpu.dma_semaphore, #tpu.memory_space<semaphore_mem>>, %arg45: memref<!tpu.dma_semaphore, #tpu.memory_space<semaphore_mem>>, %arg46: memref<!tpu.dma_semaphore, #tpu.memory_space<semaphore_mem>>, %arg47: memref<!tpu.dma_semaphore, #tpu.memory_space<semaphore_mem>>, %arg48: memref<!tpu.dma_semaphore, #tpu.memory_space<semaphore_mem>>, %arg49: memref<!tpu.dma_semaphore, #tpu.memory_space<semaphore_mem>>, %arg50: memref<!tpu.dma_semaphore, #tpu.memory_space<semaphore_mem>>, %arg51: memref<!tpu.dma_semaphore, #tpu.memory_space<semaphore_mem>>, %arg52: memref<!tpu.dma_semaphore, #tpu.memory_space<semaphore_mem>>, %arg53: memref<!tpu.dma_semaphore, #tpu.memory_space<semaphore_mem>>, %arg54: memref<!tpu.dma_semaphore, #tpu.memory_space<semaphore_mem>>, %arg55: memref<!tpu.dma_semaphore, #tpu.memory_space<semaphore_mem>>) attributes {dimension_semantics = [#tpu.dimension_semantics<core_parallel>, #tpu.dimension_semantics<subcore_parallel>], iteration_bounds = array<i64: 2, 16>, scalar_prefetch = 0 : i64, scratch_operands = 46 : i64, tpu.core_type = #tpu.core_type<sc_vector_subcore>, window_params = [{transform_indices = #map}, {transform_indices = #map}, {transform_indices = #map}, {transform_indices = #map1}, {transform_indices = #map1}, {transform_indices = #map}, {transform_indices = #map}, {transform_indices = #map1}]} {
    %mul3A = arith.constant 2 : i32
    %mul3A_0 = arith.muli %arg1, %mul3A : i32
    %add3A = arith.addi %mul3A_0, %arg0 : i32
    %mul3A_1 = arith.constant 25600 : i32
    %mul3A_2 = arith.muli %add3A, %mul3A_1 : i32
    "tpu.region"() ({
      %run_scoped3A = tpu.sem_alloc : memref<!tpu.dma_semaphore, #tpu.memory_space<semaphore_mem>>
      tpu.enqueue_dma source(%arg7 : memref<128xf32, #tpu.memory_space<hbm>>) target(%arg36 : memref<128xf32, #tpu.memory_space<vmem>>) target_semaphore(%run_scoped3A : memref<!tpu.dma_semaphore, #tpu.memory_space<semaphore_mem>>)
      tpu.wait_dma2 semaphore(%run_scoped3A : memref<!tpu.dma_semaphore, #tpu.memory_space<semaphore_mem>>) src(%arg7 : memref<128xf32, #tpu.memory_space<hbm>>) dst(%arg36 : memref<128xf32, #tpu.memory_space<vmem>>)
      tpu.yield
    }) : () -> ()
    "tpu.region"() ({
      %run_scoped3A = tpu.sem_alloc : memref<!tpu.dma_semaphore, #tpu.memory_space<semaphore_mem>>
      tpu.enqueue_dma source(%arg8 : memref<128xf32, #tpu.memory_space<hbm>>) target(%arg37 : memref<128xf32, #tpu.memory_space<vmem>>) target_semaphore(%run_scoped3A : memref<!tpu.dma_semaphore, #tpu.memory_space<semaphore_mem>>)
      tpu.wait_dma2 semaphore(%run_scoped3A : memref<!tpu.dma_semaphore, #tpu.memory_space<semaphore_mem>>) src(%arg8 : memref<128xf32, #tpu.memory_space<hbm>>) dst(%arg37 : memref<128xf32, #tpu.memory_space<vmem>>)
      tpu.yield
    }) : () -> ()
    %get3A = arith.constant 0 : index
    %get3A_3 = tpu.vector_load %arg36[%get3A] {strides = array<i32>} : memref<128xf32, #tpu.memory_space<vmem>>, vector<16xf32>,
    %get3A_4 = arith.constant 16 : index
    %get3A_5 = tpu.vector_load %arg36[%get3A_4] {strides = array<i32>} : memref<128xf32, #tpu.memory_space<vmem>>, vector<16xf32>,
    %get3A_6 = arith.constant 32 : index
    %get3A_7 = tpu.vector_load %arg36[%get3A_6] {strides = array<i32>} : memref<128xf32, #tpu.memory_space<vmem>>, vector<16xf32>,
    %get3A_8 = arith.constant 48 : index
    %get3A_9 = tpu.vector_load %arg36[%get3A_8] {strides = array<i32>} : memref<128xf32, #tpu.memory_space<vmem>>, vector<16xf32>,
    %get3A_10 = arith.constant 64 : index
    %get3A_11 = tpu.vector_load %arg36[%get3A_10] {strides = array<i32>} : memref<128xf32, #tpu.memory_space<vmem>>, vector<16xf32>,
    %get3A_12 = arith.constant 80 : index
    %get3A_13 = tpu.vector_load %arg36[%get3A_12] {strides = array<i32>} : memref<128xf32, #tpu.memory_space<vmem>>, vector<16xf32>,
    %get3A_14 = arith.constant 96 : index
    %get3A_15 = tpu.vector_load %arg36[%get3A_14] {strides = array<i32>} : memref<128xf32, #tpu.memory_space<vmem>>, vector<16xf32>,
    %get3A_16 = arith.constant 112 : index
    %get3A_17 = tpu.vector_load %arg36[%get3A_16] {strides = array<i32>} : memref<128xf32, #tpu.memory_space<vmem>>, vector<16xf32>,
    %get3A_18 = arith.constant 0 : index
    %get3A_19 = tpu.vector_load %arg37[%get3A_18] {strides = array<i32>} : memref<128xf32, #tpu.memory_space<vmem>>, vector<16xf32>,
    %get3A_20 = arith.constant 16 : index
    %get3A_21 = tpu.vector_load %arg37[%get3A_20] {strides = array<i32>} : memref<128xf32, #tpu.memory_space<vmem>>, vector<16xf32>,
    %get3A_22 = arith.constant 32 : index
    %get3A_23 = tpu.vector_load %arg37[%get3A_22] {strides = array<i32>} : memref<128xf32, #tpu.memory_space<vmem>>, vector<16xf32>,
    %get3A_24 = arith.constant 48 : index
    %get3A_25 = tpu.vector_load %arg37[%get3A_24] {strides = array<i32>} : memref<128xf32, #tpu.memory_space<vmem>>, vector<16xf32>,
    %get3A_26 = arith.constant 64 : index
    %get3A_27 = tpu.vector_load %arg37[%get3A_26] {strides = array<i32>} : memref<128xf32, #tpu.memory_space<vmem>>, vector<16xf32>,
    %get3A_28 = arith.constant 80 : index
    %get3A_29 = tpu.vector_load %arg37[%get3A_28] {strides = array<i32>} : memref<128xf32, #tpu.memory_space<vmem>>, vector<16xf32>,
    %get3A_30 = arith.constant 96 : index
    %get3A_31 = tpu.vector_load %arg37[%get3A_30] {strides = array<i32>} : memref<128xf32, #tpu.memory_space<vmem>>, vector<16xf32>,
    %get3A_32 = arith.constant 112 : index
    %get3A_33 = tpu.vector_load %arg37[%get3A_32] {strides = array<i32>} : memref<128xf32, #tpu.memory_space<vmem>>, vector<16xf32>,
    %add3A_34 = arith.constant 0 : i32
    %add3A_35 = arith.addi %mul3A_2, %add3A_34 : i32
    %multiple_of3A = tpu.assume_multiple %add3A_35, 64 : i32
    %dma_start3A = tpu.memref_slice %arg2[%multiple_of3A] : memref<819200xi32, #tpu.memory_space<hbm>> -> memref<64xi32, #tpu.memory_space<hbm>>
    %dma_start3A_36 = tpu.memref_slice %arg2[%multiple_of3A] : memref<819200xi32, #tpu.memory_space<hbm>> -> memref<64xi32, #tpu.memory_space<hbm>>
    tpu.enqueue_dma source(%dma_start3A_36 : memref<64xi32, #tpu.memory_space<hbm>>) target(%arg10 : memref<64xi32, #tpu.memory_space<vmem>>) target_semaphore(%arg52 : memref<!tpu.dma_semaphore, #tpu.memory_space<semaphore_mem>>)
    %dma_start3A_37 = tpu.memref_slice %arg3[%multiple_of3A] : memref<819200xi32, #tpu.memory_space<hbm>> -> memref<64xi32, #tpu.memory_space<hbm>>
    %dma_start3A_38 = tpu.memref_slice %arg3[%multiple_of3A] : memref<819200xi32, #tpu.memory_space<hbm>> -> memref<64xi32, #tpu.memory_space<hbm>>
    tpu.enqueue_dma source(%dma_start3A_38 : memref<64xi32, #tpu.memory_space<hbm>>) target(%arg11 : memref<64xi32, #tpu.memory_space<vmem>>) target_semaphore(%arg52 : memref<!tpu.dma_semaphore, #tpu.memory_space<semaphore_mem>>)
    %dma_start3A_39 = tpu.memref_slice %arg4[%multiple_of3A] : memref<819200xi32, #tpu.memory_space<hbm>> -> memref<64xi32, #tpu.memory_space<hbm>>
    %dma_start3A_40 = tpu.memref_slice %arg4[%multiple_of3A] : memref<819200xi32, #tpu.memory_space<hbm>> -> memref<64xi32, #tpu.memory_space<hbm>>
    tpu.enqueue_dma source(%dma_start3A_40 : memref<64xi32, #tpu.memory_space<hbm>>) target(%arg12 : memref<64xi32, #tpu.memory_space<vmem>>) target_semaphore(%arg52 : memref<!tpu.dma_semaphore, #tpu.memory_space<semaphore_mem>>)
    %add3A_41 = arith.constant 64 : i32
    %add3A_42 = arith.addi %mul3A_2, %add3A_41 : i32
    %multiple_of3A_43 = tpu.assume_multiple %add3A_42, 64 : i32
    %dma_start3A_44 = tpu.memref_slice %arg2[%multiple_of3A_43] : memref<819200xi32, #tpu.memory_space<hbm>> -> memref<64xi32, #tpu.memory_space<hbm>>
    %dma_start3A_45 = tpu.memref_slice %arg2[%multiple_of3A_43] : memref<819200xi32, #tpu.memory_space<hbm>> -> memref<64xi32, #tpu.memory_space<hbm>>
    tpu.enqueue_dma source(%dma_start3A_45 : memref<64xi32, #tpu.memory_space<hbm>>) target(%arg13 : memref<64xi32, #tpu.memory_space<vmem>>) target_semaphore(%arg53 : memref<!tpu.dma_semaphore, #tpu.memory_space<semaphore_mem>>)
    %dma_start3A_46 = tpu.memref_slice %arg3[%multiple_of3A_43] : memref<819200xi32, #tpu.memory_space<hbm>> -> memref<64xi32, #tpu.memory_space<hbm>>
    %dma_start3A_47 = tpu.memref_slice %arg3[%multiple_of3A_43] : memref<819200xi32, #tpu.memory_space<hbm>> -> memref<64xi32, #tpu.memory_space<hbm>>
    tpu.enqueue_dma source(%dma_start3A_47 : memref<64xi32, #tpu.memory_space<hbm>>) target(%arg14 : memref<64xi32, #tpu.memory_space<vmem>>) target_semaphore(%arg53 : memref<!tpu.dma_semaphore, #tpu.memory_space<semaphore_mem>>)
    %dma_start3A_48 = tpu.memref_slice %arg4[%multiple_of3A_43] : memref<819200xi32, #tpu.memory_space<hbm>> -> memref<64xi32, #tpu.memory_space<hbm>>
    %dma_start3A_49 = tpu.memref_slice %arg4[%multiple_of3A_43] : memref<819200xi32, #tpu.memory_space<hbm>> -> memref<64xi32, #tpu.memory_space<hbm>>
    tpu.enqueue_dma source(%dma_start3A_49 : memref<64xi32, #tpu.memory_space<hbm>>) target(%arg15 : memref<64xi32, #tpu.memory_space<vmem>>) target_semaphore(%arg53 : memref<!tpu.dma_semaphore, #tpu.memory_space<semaphore_mem>>)
    %add3A_50 = arith.constant 128 : i32
    %add3A_51 = arith.addi %mul3A_2, %add3A_50 : i32
    %multiple_of3A_52 = tpu.assume_multiple %add3A_51, 64 : i32
    %dma_start3A_53 = tpu.memref_slice %arg2[%multiple_of3A_52] : memref<819200xi32, #tpu.memory_space<hbm>> -> memref<64xi32, #tpu.memory_space<hbm>>
    %dma_start3A_54 = tpu.memref_slice %arg2[%multiple_of3A_52] : memref<819200xi32, #tpu.memory_space<hbm>> -> memref<64xi32, #tpu.memory_space<hbm>>
    tpu.enqueue_dma source(%dma_start3A_54 : memref<64xi32, #tpu.memory_space<hbm>>) target(%arg16 : memref<64xi32, #tpu.memory_space<vmem>>) target_semaphore(%arg54 : memref<!tpu.dma_semaphore, #tpu.memory_space<semaphore_mem>>)
    %dma_start3A_55 = tpu.memref_slice %arg3[%multiple_of3A_52] : memref<819200xi32, #tpu.memory_space<hbm>> -> memref<64xi32, #tpu.memory_space<hbm>>
    %dma_start3A_56 = tpu.memref_slice %arg3[%multiple_of3A_52] : memref<819200xi32, #tpu.memory_space<hbm>> -> memref<64xi32, #tpu.memory_space<hbm>>
    tpu.enqueue_dma source(%dma_start3A_56 : memref<64xi32, #tpu.memory_space<hbm>>) target(%arg17 : memref<64xi32, #tpu.memory_space<vmem>>) target_semaphore(%arg54 : memref<!tpu.dma_semaphore, #tpu.memory_space<semaphore_mem>>)
    %dma_start3A_57 = tpu.memref_slice %arg4[%multiple_of3A_52] : memref<819200xi32, #tpu.memory_space<hbm>> -> memref<64xi32, #tpu.memory_space<hbm>>
    %dma_start3A_58 = tpu.memref_slice %arg4[%multiple_of3A_52] : memref<819200xi32, #tpu.memory_space<hbm>> -> memref<64xi32, #tpu.memory_space<hbm>>
    tpu.enqueue_dma source(%dma_start3A_58 : memref<64xi32, #tpu.memory_space<hbm>>) target(%arg18 : memref<64xi32, #tpu.memory_space<vmem>>) target_semaphore(%arg54 : memref<!tpu.dma_semaphore, #tpu.memory_space<semaphore_mem>>)
    %add3A_59 = arith.constant 192 : i32
    %add3A_60 = arith.addi %mul3A_2, %add3A_59 : i32
    %multiple_of3A_61 = tpu.assume_multiple %add3A_60, 64 : i32
    %dma_start3A_62 = tpu.memref_slice %arg2[%multiple_of3A_61] : memref<819200xi32, #tpu.memory_space<hbm>> -> memref<64xi32, #tpu.memory_space<hbm>>
    %dma_start3A_63 = tpu.memref_slice %arg2[%multiple_of3A_61] : memref<819200xi32, #tpu.memory_space<hbm>> -> memref<64xi32, #tpu.memory_space<hbm>>
    tpu.enqueue_dma source(%dma_start3A_63 : memref<64xi32, #tpu.memory_space<hbm>>) target(%arg19 : memref<64xi32, #tpu.memory_space<vmem>>) target_semaphore(%arg55 : memref<!tpu.dma_semaphore, #tpu.memory_space<semaphore_mem>>)
    %dma_start3A_64 = tpu.memref_slice %arg3[%multiple_of3A_61] : memref<819200xi32, #tpu.memory_space<hbm>> -> memref<64xi32, #tpu.memory_space<hbm>>
    %dma_start3A_65 = tpu.memref_slice %arg3[%multiple_of3A_61] : memref<819200xi32, #tpu.memory_space<hbm>> -> memref<64xi32, #tpu.memory_space<hbm>>
    tpu.enqueue_dma source(%dma_start3A_65 : memref<64xi32, #tpu.memory_space<hbm>>) target(%arg20 : memref<64xi32, #tpu.memory_space<vmem>>) target_semaphore(%arg55 : memref<!tpu.dma_semaphore, #tpu.memory_space<semaphore_mem>>)
    %dma_start3A_66 = tpu.memref_slice %arg4[%multiple_of3A_61] : memref<819200xi32, #tpu.memory_space<hbm>> -> memref<64xi32, #tpu.memory_space<hbm>>
    %dma_start3A_67 = tpu.memref_slice %arg4[%multiple_of3A_61] : memref<819200xi32, #tpu.memory_space<hbm>> -> memref<64xi32, #tpu.memory_space<hbm>>
    tpu.enqueue_dma source(%dma_start3A_67 : memref<64xi32, #tpu.memory_space<hbm>>) target(%arg21 : memref<64xi32, #tpu.memory_space<vmem>>) target_semaphore(%arg55 : memref<!tpu.dma_semaphore, #tpu.memory_space<semaphore_mem>>)
    %dma_wait3A = arith.constant 0 : i32
    %dma_wait3A_68 = tpu.memref_slice %arg2[%dma_wait3A] : memref<819200xi32, #tpu.memory_space<hbm>> -> memref<64xi32, #tpu.memory_space<hbm>>
    %dma_wait3A_69 = arith.constant 0 : i32
    %dma_wait3A_70 = tpu.memref_slice %arg2[%dma_wait3A_69] : memref<819200xi32, #tpu.memory_space<hbm>> -> memref<64xi32, #tpu.memory_space<hbm>>
    tpu.wait_dma2 semaphore(%arg52 : memref<!tpu.dma_semaphore, #tpu.memory_space<semaphore_mem>>) src(%dma_wait3A_70 : memref<64xi32, #tpu.memory_space<hbm>>) dst(%arg10 : memref<64xi32, #tpu.memory_space<vmem>>)
    %dma_wait3A_71 = arith.constant 0 : i32
    %dma_wait3A_72 = tpu.memref_slice %arg3[%dma_wait3A_71] : memref<819200xi32, #tpu.memory_space<hbm>> -> memref<64xi32, #tpu.memory_space<hbm>>
    %dma_wait3A_73 = arith.constant 0 : i32
    %dma_wait3A_74 = tpu.memref_slice %arg3[%dma_wait3A_73] : memref<819200xi32, #tpu.memory_space<hbm>> -> memref<64xi32, #tpu.memory_space<hbm>>
    tpu.wait_dma2 semaphore(%arg52 : memref<!tpu.dma_semaphore, #tpu.memory_space<semaphore_mem>>) src(%dma_wait3A_74 : memref<64xi32, #tpu.memory_space<hbm>>) dst(%arg11 : memref<64xi32, #tpu.memory_space<vmem>>)
    %dma_wait3A_75 = arith.constant 0 : i32
    %dma_wait3A_76 = tpu.memref_slice %arg4[%dma_wait3A_75] : memref<819200xi32, #tpu.memory_space<hbm>> -> memref<64xi32, #tpu.memory_space<hbm>>
    %dma_wait3A_77 = arith.constant 0 : i32
    %dma_wait3A_78 = tpu.memref_slice %arg4[%dma_wait3A_77] : memref<819200xi32, #tpu.memory_space<hbm>> -> memref<64xi32, #tpu.memory_space<hbm>>
    tpu.wait_dma2 semaphore(%arg52 : memref<!tpu.dma_semaphore, #tpu.memory_space<semaphore_mem>>) src(%dma_wait3A_78 : memref<64xi32, #tpu.memory_space<hbm>>) dst(%arg12 : memref<64xi32, #tpu.memory_space<vmem>>)
    %dma_start3A_79 = arith.constant 0 : i32
    %dma_start3A_80 = arith.constant 0 : i32
    %dma_start3A_81 = tpu.memref_slice %arg5[%dma_start3A_79, %dma_start3A_80] : memref<100000x128xf32, #tpu.memory_space<hbm>> -> memref<100000x128xf32, #tpu.memory_space<hbm>>
    tpu.enqueue_indirect_dma source(%dma_start3A_81 : memref<100000x128xf32, #tpu.memory_space<hbm>>) target(%arg22 : memref<64x128xf32, #tpu.memory_space<vmem>>) offsets(%arg10 : memref<64xi32, #tpu.memory_space<vmem>>) semaphore(%arg38 : memref<!tpu.dma_semaphore, #tpu.memory_space<semaphore_mem>>)
    %dma_start3A_82 = arith.constant 0 : i32
    %dma_start3A_83 = arith.constant 0 : i32
    %dma_start3A_84 = tpu.memref_slice %arg6[%dma_start3A_82, %dma_start3A_83] : memref<100000x128xf32, #tpu.memory_space<hbm>> -> memref<100000x128xf32, #tpu.memory_space<hbm>>
    tpu.enqueue_indirect_dma source(%dma_start3A_84 : memref<100000x128xf32, #tpu.memory_space<hbm>>) target(%arg23 : memref<64x128xf32, #tpu.memory_space<vmem>>) offsets(%arg11 : memref<64xi32, #tpu.memory_space<vmem>>) semaphore(%arg39 : memref<!tpu.dma_semaphore, #tpu.memory_space<semaphore_mem>>)
    %dma_start3A_85 = arith.constant 0 : i32
    %dma_start3A_86 = arith.constant 0 : i32
    %dma_start3A_87 = tpu.memref_slice %arg6[%dma_start3A_85, %dma_start3A_86] : memref<100000x128xf32, #tpu.memory_space<hbm>> -> memref<100000x128xf32, #tpu.memory_space<hbm>>
    tpu.enqueue_indirect_dma source(%dma_start3A_87 : memref<100000x128xf32, #tpu.memory_space<hbm>>) target(%arg24 : memref<64x128xf32, #tpu.memory_space<vmem>>) offsets(%arg12 : memref<64xi32, #tpu.memory_space<vmem>>) semaphore(%arg40 : memref<!tpu.dma_semaphore, #tpu.memory_space<semaphore_mem>>)
    %dma_wait3A_88 = arith.constant 0 : i32
    %dma_wait3A_89 = tpu.memref_slice %arg2[%dma_wait3A_88] : memref<819200xi32, #tpu.memory_space<hbm>> -> memref<64xi32, #tpu.memory_space<hbm>>
    %dma_wait3A_90 = arith.constant 0 : i32
    %dma_wait3A_91 = tpu.memref_slice %arg2[%dma_wait3A_90] : memref<819200xi32, #tpu.memory_space<hbm>> -> memref<64xi32, #tpu.memory_space<hbm>>
    tpu.wait_dma2 semaphore(%arg53 : memref<!tpu.dma_semaphore, #tpu.memory_space<semaphore_mem>>) src(%dma_wait3A_91 : memref<64xi32, #tpu.memory_space<hbm>>) dst(%arg13 : memref<64xi32, #tpu.memory_space<vmem>>)
    %dma_wait3A_92 = arith.constant 0 : i32
    %dma_wait3A_93 = tpu.memref_slice %arg3[%dma_wait3A_92] : memref<819200xi32, #tpu.memory_space<hbm>> -> memref<64xi32, #tpu.memory_space<hbm>>
    %dma_wait3A_94 = arith.constant 0 : i32
    %dma_wait3A_95 = tpu.memref_slice %arg3[%dma_wait3A_94] : memref<819200xi32, #tpu.memory_space<hbm>> -> memref<64xi32, #tpu.memory_space<hbm>>
    tpu.wait_dma2 semaphore(%arg53 : memref<!tpu.dma_semaphore, #tpu.memory_space<semaphore_mem>>) src(%dma_wait3A_95 : memref<64xi32, #tpu.memory_space<hbm>>) dst(%arg14 : memref<64xi32, #tpu.memory_space<vmem>>)
    %dma_wait3A_96 = arith.constant 0 : i32
    %dma_wait3A_97 = tpu.memref_slice %arg4[%dma_wait3A_96] : memref<819200xi32, #tpu.memory_space<hbm>> -> memref<64xi32, #tpu.memory_space<hbm>>
    %dma_wait3A_98 = arith.constant 0 : i32
    %dma_wait3A_99 = tpu.memref_slice %arg4[%dma_wait3A_98] : memref<819200xi32, #tpu.memory_space<hbm>> -> memref<64xi32, #tpu.memory_space<hbm>>
    tpu.wait_dma2 semaphore(%arg53 : memref<!tpu.dma_semaphore, #tpu.memory_space<semaphore_mem>>) src(%dma_wait3A_99 : memref<64xi32, #tpu.memory_space<hbm>>) dst(%arg15 : memref<64xi32, #tpu.memory_space<vmem>>)
    %dma_start3A_100 = arith.constant 0 : i32
    %dma_start3A_101 = arith.constant 0 : i32
    %dma_start3A_102 = tpu.memref_slice %arg5[%dma_start3A_100, %dma_start3A_101] : memref<100000x128xf32, #tpu.memory_space<hbm>> -> memref<100000x128xf32, #tpu.memory_space<hbm>>
    tpu.enqueue_indirect_dma source(%dma_start3A_102 : memref<100000x128xf32, #tpu.memory_space<hbm>>) target(%arg25 : memref<64x128xf32, #tpu.memory_space<vmem>>) offsets(%arg13 : memref<64xi32, #tpu.memory_space<vmem>>) semaphore(%arg41 : memref<!tpu.dma_semaphore, #tpu.memory_space<semaphore_mem>>)
    %dma_start3A_103 = arith.constant 0 : i32
    %dma_start3A_104 = arith.constant 0 : i32
    %dma_start3A_105 = tpu.memref_slice %arg6[%dma_start3A_103, %dma_start3A_104] : memref<100000x128xf32, #tpu.memory_space<hbm>> -> memref<100000x128xf32, #tpu.memory_space<hbm>>
    tpu.enqueue_indirect_dma source(%dma_start3A_105 : memref<100000x128xf32, #tpu.memory_space<hbm>>) target(%arg26 : memref<64x128xf32, #tpu.memory_space<vmem>>) offsets(%arg14 : memref<64xi32, #tpu.memory_space<vmem>>) semaphore(%arg42 : memref<!tpu.dma_semaphore, #tpu.memory_space<semaphore_mem>>)
    %dma_start3A_106 = arith.constant 0 : i32
    %dma_start3A_107 = arith.constant 0 : i32
    %dma_start3A_108 = tpu.memref_slice %arg6[%dma_start3A_106, %dma_start3A_107] : memref<100000x128xf32, #tpu.memory_space<hbm>> -> memref<100000x128xf32, #tpu.memory_space<hbm>>
    tpu.enqueue_indirect_dma source(%dma_start3A_108 : memref<100000x128xf32, #tpu.memory_space<hbm>>) target(%arg27 : memref<64x128xf32, #tpu.memory_space<vmem>>) offsets(%arg15 : memref<64xi32, #tpu.memory_space<vmem>>) semaphore(%arg43 : memref<!tpu.dma_semaphore, #tpu.memory_space<semaphore_mem>>)
    %dma_wait3A_109 = arith.constant 0 : i32
    %dma_wait3A_110 = tpu.memref_slice %arg2[%dma_wait3A_109] : memref<819200xi32, #tpu.memory_space<hbm>> -> memref<64xi32, #tpu.memory_space<hbm>>
    %dma_wait3A_111 = arith.constant 0 : i32
    %dma_wait3A_112 = tpu.memref_slice %arg2[%dma_wait3A_111] : memref<819200xi32, #tpu.memory_space<hbm>> -> memref<64xi32, #tpu.memory_space<hbm>>
    tpu.wait_dma2 semaphore(%arg54 : memref<!tpu.dma_semaphore, #tpu.memory_space<semaphore_mem>>) src(%dma_wait3A_112 : memref<64xi32, #tpu.memory_space<hbm>>) dst(%arg16 : memref<64xi32, #tpu.memory_space<vmem>>)
    %dma_wait3A_113 = arith.constant 0 : i32
    %dma_wait3A_114 = tpu.memref_slice %arg3[%dma_wait3A_113] : memref<819200xi32, #tpu.memory_space<hbm>> -> memref<64xi32, #tpu.memory_space<hbm>>
    %dma_wait3A_115 = arith.constant 0 : i32
    %dma_wait3A_116 = tpu.memref_slice %arg3[%dma_wait3A_115] : memref<819200xi32, #tpu.memory_space<hbm>> -> memref<64xi32, #tpu.memory_space<hbm>>
    tpu.wait_dma2 semaphore(%arg54 : memref<!tpu.dma_semaphore, #tpu.memory_space<semaphore_mem>>) src(%dma_wait3A_116 : memref<64xi32, #tpu.memory_space<hbm>>) dst(%arg17 : memref<64xi32, #tpu.memory_space<vmem>>)
    %dma_wait3A_117 = arith.constant 0 : i32
    %dma_wait3A_118 = tpu.memref_slice %arg4[%dma_wait3A_117] : memref<819200xi32, #tpu.memory_space<hbm>> -> memref<64xi32, #tpu.memory_space<hbm>>
    %dma_wait3A_119 = arith.constant 0 : i32
    %dma_wait3A_120 = tpu.memref_slice %arg4[%dma_wait3A_119] : memref<819200xi32, #tpu.memory_space<hbm>> -> memref<64xi32, #tpu.memory_space<hbm>>
    tpu.wait_dma2 semaphore(%arg54 : memref<!tpu.dma_semaphore, #tpu.memory_space<semaphore_mem>>) src(%dma_wait3A_120 : memref<64xi32, #tpu.memory_space<hbm>>) dst(%arg18 : memref<64xi32, #tpu.memory_space<vmem>>)
    %dma_start3A_121 = arith.constant 0 : i32
    %dma_start3A_122 = arith.constant 0 : i32
    %dma_start3A_123 = tpu.memref_slice %arg5[%dma_start3A_121, %dma_start3A_122] : memref<100000x128xf32, #tpu.memory_space<hbm>> -> memref<100000x128xf32, #tpu.memory_space<hbm>>
    tpu.enqueue_indirect_dma source(%dma_start3A_123 : memref<100000x128xf32, #tpu.memory_space<hbm>>) target(%arg28 : memref<64x128xf32, #tpu.memory_space<vmem>>) offsets(%arg16 : memref<64xi32, #tpu.memory_space<vmem>>) semaphore(%arg44 : memref<!tpu.dma_semaphore, #tpu.memory_space<semaphore_mem>>)
    %dma_start3A_124 = arith.constant 0 : i32
    %dma_start3A_125 = arith.constant 0 : i32
    %dma_start3A_126 = tpu.memref_slice %arg6[%dma_start3A_124, %dma_start3A_125] : memref<100000x128xf32, #tpu.memory_space<hbm>> -> memref<100000x128xf32, #tpu.memory_space<hbm>>
    tpu.enqueue_indirect_dma source(%dma_start3A_126 : memref<100000x128xf32, #tpu.memory_space<hbm>>) target(%arg29 : memref<64x128xf32, #tpu.memory_space<vmem>>) offsets(%arg17 : memref<64xi32, #tpu.memory_space<vmem>>) semaphore(%arg45 : memref<!tpu.dma_semaphore, #tpu.memory_space<semaphore_mem>>)
    %dma_start3A_127 = arith.constant 0 : i32
    %dma_start3A_128 = arith.constant 0 : i32
    %dma_start3A_129 = tpu.memref_slice %arg6[%dma_start3A_127, %dma_start3A_128] : memref<100000x128xf32, #tpu.memory_space<hbm>> -> memref<100000x128xf32, #tpu.memory_space<hbm>>
    tpu.enqueue_indirect_dma source(%dma_start3A_129 : memref<100000x128xf32, #tpu.memory_space<hbm>>) target(%arg30 : memref<64x128xf32, #tpu.memory_space<vmem>>) offsets(%arg18 : memref<64xi32, #tpu.memory_space<vmem>>) semaphore(%arg46 : memref<!tpu.dma_semaphore, #tpu.memory_space<semaphore_mem>>)
    %scan3A = arith.constant 0 : i32
    %scan3A_130 = arith.constant 0 : i32
    %scan3A_131 = arith.constant 100 : i32
    %scan3A_132 = arith.addi %scan3A_130, %scan3A_131 : i32
    %scan3A_133 = arith.constant 1 : i32
    scf.for %scan3A_147 = %scan3A_130 to %scan3A_132 step %scan3A_133  : i32 {
      %mul3A_148 = arith.constant 4 : i32
      %mul3A_149 = arith.muli %mul3A_148, %scan3A_147 : i32
      %add3A_150 = arith.constant 0 : i32
      %add3A_151 = arith.addi %mul3A_149, %add3A_150 : i32
      %dma_wait3A_152 = arith.constant 0 : i32
      %dma_wait3A_153 = arith.constant 0 : i32
      %dma_wait3A_154 = tpu.memref_slice %arg5[%dma_wait3A_152, %dma_wait3A_153] : memref<100000x128xf32, #tpu.memory_space<hbm>> -> memref<100000x128xf32, #tpu.memory_space<hbm>>
      tpu.wait_indirect_dma semaphore(%arg38 : memref<!tpu.dma_semaphore, #tpu.memory_space<semaphore_mem>>) src(%dma_wait3A_154 : memref<100000x128xf32, #tpu.memory_space<hbm>>) dst(%arg22 : memref<64x128xf32, #tpu.memory_space<vmem>>)
      %dma_wait3A_155 = arith.constant 0 : i32
      %dma_wait3A_156 = arith.constant 0 : i32
      %dma_wait3A_157 = tpu.memref_slice %arg6[%dma_wait3A_155, %dma_wait3A_156] : memref<100000x128xf32, #tpu.memory_space<hbm>> -> memref<100000x128xf32, #tpu.memory_space<hbm>>
      tpu.wait_indirect_dma semaphore(%arg39 : memref<!tpu.dma_semaphore, #tpu.memory_space<semaphore_mem>>) src(%dma_wait3A_157 : memref<100000x128xf32, #tpu.memory_space<hbm>>) dst(%arg23 : memref<64x128xf32, #tpu.memory_space<vmem>>)
      %dma_wait3A_158 = arith.constant 0 : i32
      %dma_wait3A_159 = arith.constant 0 : i32
      %dma_wait3A_160 = tpu.memref_slice %arg6[%dma_wait3A_158, %dma_wait3A_159] : memref<100000x128xf32, #tpu.memory_space<hbm>> -> memref<100000x128xf32, #tpu.memory_space<hbm>>
      tpu.wait_indirect_dma semaphore(%arg40 : memref<!tpu.dma_semaphore, #tpu.memory_space<semaphore_mem>>) src(%dma_wait3A_160 : memref<100000x128xf32, #tpu.memory_space<hbm>>) dst(%arg24 : memref<64x128xf32, #tpu.memory_space<vmem>>)
      %add3A_161 = arith.constant 4 : i32
      %add3A_162 = arith.addi %add3A_151, %add3A_161 : i32
      %sub3A = arith.constant 1 : i32
      %sub3A_163 = arith.subi %add3A_162, %sub3A : i32
      %lt3A = arith.constant 400 : i32
      %lt3A_164 = arith.cmpi slt, %sub3A_163, %lt3A : i32
      %convert_element_type3A = arith.extui %lt3A_164 : i1 to i32
      %cond3A = arith.constant 0 : i32
      %cond3A_165 = arith.cmpi ne, %convert_element_type3A, %cond3A : i32
      scf.if %cond3A_165 {
        %dma_wait3A_335 = arith.constant 0 : i32
        %dma_wait3A_336 = tpu.memref_slice %arg2[%dma_wait3A_335] : memref<819200xi32, #tpu.memory_space<hbm>> -> memref<64xi32, #tpu.memory_space<hbm>>
        %dma_wait3A_337 = arith.constant 0 : i32
        %dma_wait3A_338 = tpu.memref_slice %arg2[%dma_wait3A_337] : memref<819200xi32, #tpu.memory_space<hbm>> -> memref<64xi32, #tpu.memory_space<hbm>>
        tpu.wait_dma2 semaphore(%arg55 : memref<!tpu.dma_semaphore, #tpu.memory_space<semaphore_mem>>) src(%dma_wait3A_338 : memref<64xi32, #tpu.memory_space<hbm>>) dst(%arg19 : memref<64xi32, #tpu.memory_space<vmem>>)
        %dma_wait3A_339 = arith.constant 0 : i32
        %dma_wait3A_340 = tpu.memref_slice %arg3[%dma_wait3A_339] : memref<819200xi32, #tpu.memory_space<hbm>> -> memref<64xi32, #tpu.memory_space<hbm>>
        %dma_wait3A_341 = arith.constant 0 : i32
        %dma_wait3A_342 = tpu.memref_slice %arg3[%dma_wait3A_341] : memref<819200xi32, #tpu.memory_space<hbm>> -> memref<64xi32, #tpu.memory_space<hbm>>
        tpu.wait_dma2 semaphore(%arg55 : memref<!tpu.dma_semaphore, #tpu.memory_space<semaphore_mem>>) src(%dma_wait3A_342 : memref<64xi32, #tpu.memory_space<hbm>>) dst(%arg20 : memref<64xi32, #tpu.memory_space<vmem>>)
        %dma_wait3A_343 = arith.constant 0 : i32
        %dma_wait3A_344 = tpu.memref_slice %arg4[%dma_wait3A_343] : memref<819200xi32, #tpu.memory_space<hbm>> -> memref<64xi32, #tpu.memory_space<hbm>>
        %dma_wait3A_345 = arith.constant 0 : i32
        %dma_wait3A_346 = tpu.memref_slice %arg4[%dma_wait3A_345] : memref<819200xi32, #tpu.memory_space<hbm>> -> memref<64xi32, #tpu.memory_space<hbm>>
        tpu.wait_dma2 semaphore(%arg55 : memref<!tpu.dma_semaphore, #tpu.memory_space<semaphore_mem>>) src(%dma_wait3A_346 : memref<64xi32, #tpu.memory_space<hbm>>) dst(%arg21 : memref<64xi32, #tpu.memory_space<vmem>>)
        %dma_start3A_347 = arith.constant 0 : i32
        %dma_start3A_348 = arith.constant 0 : i32
        %dma_start3A_349 = tpu.memref_slice %arg5[%dma_start3A_347, %dma_start3A_348] : memref<100000x128xf32, #tpu.memory_space<hbm>> -> memref<100000x128xf32, #tpu.memory_space<hbm>>
        tpu.enqueue_indirect_dma source(%dma_start3A_349 : memref<100000x128xf32, #tpu.memory_space<hbm>>) target(%arg31 : memref<64x128xf32, #tpu.memory_space<vmem>>) offsets(%arg19 : memref<64xi32, #tpu.memory_space<vmem>>) semaphore(%arg47 : memref<!tpu.dma_semaphore, #tpu.memory_space<semaphore_mem>>)
        %dma_start3A_350 = arith.constant 0 : i32
        %dma_start3A_351 = arith.constant 0 : i32
        %dma_start3A_352 = tpu.memref_slice %arg6[%dma_start3A_350, %dma_start3A_351] : memref<100000x128xf32, #tpu.memory_space<hbm>> -> memref<100000x128xf32, #tpu.memory_space<hbm>>
        tpu.enqueue_indirect_dma source(%dma_start3A_352 : memref<100000x128xf32, #tpu.memory_space<hbm>>) target(%arg32 : memref<64x128xf32, #tpu.memory_space<vmem>>) offsets(%arg20 : memref<64xi32, #tpu.memory_space<vmem>>) semaphore(%arg48 : memref<!tpu.dma_semaphore, #tpu.memory_space<semaphore_mem>>)
        %dma_start3A_353 = arith.constant 0 : i32
        %dma_start3A_354 = arith.constant 0 : i32
        %dma_start3A_355 = tpu.memref_slice %arg6[%dma_start3A_353, %dma_start3A_354] : memref<100000x128xf32, #tpu.memory_space<hbm>> -> memref<100000x128xf32, #tpu.memory_space<hbm>>
        tpu.enqueue_indirect_dma source(%dma_start3A_355 : memref<100000x128xf32, #tpu.memory_space<hbm>>) target(%arg33 : memref<64x128xf32, #tpu.memory_space<vmem>>) offsets(%arg21 : memref<64xi32, #tpu.memory_space<vmem>>) semaphore(%arg49 : memref<!tpu.dma_semaphore, #tpu.memory_space<semaphore_mem>>)
      } else {
      }
      %add3A_166 = arith.constant 4 : i32
      %add3A_167 = arith.addi %add3A_151, %add3A_166 : i32
      %lt3A_168 = arith.constant 400 : i32
      %lt3A_169 = arith.cmpi slt, %add3A_167, %lt3A_168 : i32
      %convert_element_type3A_170 = arith.extui %lt3A_169 : i1 to i32
      %cond3A_171 = arith.constant 0 : i32
      %cond3A_172 = arith.cmpi ne, %convert_element_type3A_170, %cond3A_171 : i32
      scf.if %cond3A_172 {
        %add3A_335 = arith.constant 4 : i32
        %add3A_336 = arith.addi %add3A_151, %add3A_335 : i32
        %mul3A_337 = arith.constant 64 : i32
        %mul3A_338 = arith.muli %add3A_336, %mul3A_337 : i32
        %add3A_339 = arith.addi %mul3A_2, %mul3A_338 : i32
        %multiple_of3A_340 = tpu.assume_multiple %add3A_339, 64 : i32
        %dma_start3A_341 = tpu.memref_slice %arg2[%multiple_of3A_340] : memref<819200xi32, #tpu.memory_space<hbm>> -> memref<64xi32, #tpu.memory_space<hbm>>
        %dma_start3A_342 = tpu.memref_slice %arg2[%multiple_of3A_340] : memref<819200xi32, #tpu.memory_space<hbm>> -> memref<64xi32, #tpu.memory_space<hbm>>
        tpu.enqueue_dma source(%dma_start3A_342 : memref<64xi32, #tpu.memory_space<hbm>>) target(%arg10 : memref<64xi32, #tpu.memory_space<vmem>>) target_semaphore(%arg52 : memref<!tpu.dma_semaphore, #tpu.memory_space<semaphore_mem>>)
        %dma_start3A_343 = tpu.memref_slice %arg3[%multiple_of3A_340] : memref<819200xi32, #tpu.memory_space<hbm>> -> memref<64xi32, #tpu.memory_space<hbm>>
        %dma_start3A_344 = tpu.memref_slice %arg3[%multiple_of3A_340] : memref<819200xi32, #tpu.memory_space<hbm>> -> memref<64xi32, #tpu.memory_space<hbm>>
        tpu.enqueue_dma source(%dma_start3A_344 : memref<64xi32, #tpu.memory_space<hbm>>) target(%arg11 : memref<64xi32, #tpu.memory_space<vmem>>) target_semaphore(%arg52 : memref<!tpu.dma_semaphore, #tpu.memory_space<semaphore_mem>>)
        %dma_start3A_345 = tpu.memref_slice %arg4[%multiple_of3A_340] : memref<819200xi32, #tpu.memory_space<hbm>> -> memref<64xi32, #tpu.memory_space<hbm>>
        %dma_start3A_346 = tpu.memref_slice %arg4[%multiple_of3A_340] : memref<819200xi32, #tpu.memory_space<hbm>> -> memref<64xi32, #tpu.memory_space<hbm>>
        tpu.enqueue_dma source(%dma_start3A_346 : memref<64xi32, #tpu.memory_space<hbm>>) target(%arg12 : memref<64xi32, #tpu.memory_space<vmem>>) target_semaphore(%arg52 : memref<!tpu.dma_semaphore, #tpu.memory_space<semaphore_mem>>)
      } else {
      }
      %ge3A = arith.constant 2 : i32
      %ge3A_173 = arith.cmpi sge, %add3A_151, %ge3A : i32
      %convert_element_type3A_174 = arith.extui %ge3A_173 : i1 to i32
      %cond3A_175 = arith.constant 0 : i32
      %cond3A_176 = arith.cmpi ne, %convert_element_type3A_174, %cond3A_175 : i32
      scf.if %cond3A_176 {
        %dma_wait3A_335 = arith.constant 0 : i32
        %dma_wait3A_336 = arith.constant 0 : i32
        %dma_wait3A_337 = tpu.memref_slice %arg9[%dma_wait3A_335, %dma_wait3A_336] : memref<819200x128xf32, #tpu.memory_space<hbm>> -> memref<64x128xf32, #tpu.memory_space<hbm>>
        %dma_wait3A_338 = arith.constant 0 : i32
        %dma_wait3A_339 = arith.constant 0 : i32
        %dma_wait3A_340 = tpu.memref_slice %arg9[%dma_wait3A_338, %dma_wait3A_339] : memref<819200x128xf32, #tpu.memory_space<hbm>> -> memref<64x128xf32, #tpu.memory_space<hbm>>
        tpu.wait_dma2 semaphore(%arg50 : memref<!tpu.dma_semaphore, #tpu.memory_space<semaphore_mem>>) src(%arg34 : memref<64x128xf32, #tpu.memory_space<vmem>>) dst(%dma_wait3A_340 : memref<64x128xf32, #tpu.memory_space<hbm>>)
      } else {
      }
      %scan3A_177 = arith.constant 0 : i32
      %scan3A_178 = arith.constant 0 : i32
      %scan3A_179 = arith.constant 64 : i32
      %scan3A_180 = arith.addi %scan3A_178, %scan3A_179 : i32
      %scan3A_181 = arith.constant 1 : i32
      scf.for %scan3A_335 = %scan3A_178 to %scan3A_180 step %scan3A_181  : i32 {
        %get3A_336 = arith.index_cast %scan3A_335 : i32 to index
        %get3A_337 = arith.constant 0 : index
        %get3A_338 = tpu.vector_load %arg22[%get3A_336, %get3A_337] {strides = array<i32>} : memref<64x128xf32, #tpu.memory_space<vmem>>, vector<16xf32>,
        %get3A_339 = arith.index_cast %scan3A_335 : i32 to index
        %get3A_340 = arith.constant 0 : index
        %get3A_341 = tpu.vector_load %arg23[%get3A_339, %get3A_340] {strides = array<i32>} : memref<64x128xf32, #tpu.memory_space<vmem>>, vector<16xf32>,
        %add3A_342 = arith.addf %get3A_338, %get3A_341 : vector<16xf32>
        %get3A_343 = arith.index_cast %scan3A_335 : i32 to index
        %get3A_344 = arith.constant 0 : index
        %get3A_345 = tpu.vector_load %arg24[%get3A_343, %get3A_344] {strides = array<i32>} : memref<64x128xf32, #tpu.memory_space<vmem>>, vector<16xf32>,
        %add3A_346 = arith.addf %add3A_342, %get3A_345 : vector<16xf32>
        %get3A_347 = arith.index_cast %scan3A_335 : i32 to index
        %get3A_348 = arith.constant 16 : index
        %get3A_349 = tpu.vector_load %arg22[%get3A_347, %get3A_348] {strides = array<i32>} : memref<64x128xf32, #tpu.memory_space<vmem>>, vector<16xf32>,
        %get3A_350 = arith.index_cast %scan3A_335 : i32 to index
        %get3A_351 = arith.constant 16 : index
        %get3A_352 = tpu.vector_load %arg23[%get3A_350, %get3A_351] {strides = array<i32>} : memref<64x128xf32, #tpu.memory_space<vmem>>, vector<16xf32>,
        %add3A_353 = arith.addf %get3A_349, %get3A_352 : vector<16xf32>
        %get3A_354 = arith.index_cast %scan3A_335 : i32 to index
        %get3A_355 = arith.constant 16 : index
        %get3A_356 = tpu.vector_load %arg24[%get3A_354, %get3A_355] {strides = array<i32>} : memref<64x128xf32, #tpu.memory_space<vmem>>, vector<16xf32>,
        %add3A_357 = arith.addf %add3A_353, %get3A_356 : vector<16xf32>
        %get3A_358 = arith.index_cast %scan3A_335 : i32 to index
        %get3A_359 = arith.constant 32 : index
        %get3A_360 = tpu.vector_load %arg22[%get3A_358, %get3A_359] {strides = array<i32>} : memref<64x128xf32, #tpu.memory_space<vmem>>, vector<16xf32>,
        %get3A_361 = arith.index_cast %scan3A_335 : i32 to index
        %get3A_362 = arith.constant 32 : index
        %get3A_363 = tpu.vector_load %arg23[%get3A_361, %get3A_362] {strides = array<i32>} : memref<64x128xf32, #tpu.memory_space<vmem>>, vector<16xf32>,
        %add3A_364 = arith.addf %get3A_360, %get3A_363 : vector<16xf32>
        %get3A_365 = arith.index_cast %scan3A_335 : i32 to index
        %get3A_366 = arith.constant 32 : index
        %get3A_367 = tpu.vector_load %arg24[%get3A_365, %get3A_366] {strides = array<i32>} : memref<64x128xf32, #tpu.memory_space<vmem>>, vector<16xf32>,
        %add3A_368 = arith.addf %add3A_364, %get3A_367 : vector<16xf32>
        %get3A_369 = arith.index_cast %scan3A_335 : i32 to index
        %get3A_370 = arith.constant 48 : index
        %get3A_371 = tpu.vector_load %arg22[%get3A_369, %get3A_370] {strides = array<i32>} : memref<64x128xf32, #tpu.memory_space<vmem>>, vector<16xf32>,
        %get3A_372 = arith.index_cast %scan3A_335 : i32 to index
        %get3A_373 = arith.constant 48 : index
        %get3A_374 = tpu.vector_load %arg23[%get3A_372, %get3A_373] {strides = array<i32>} : memref<64x128xf32, #tpu.memory_space<vmem>>, vector<16xf32>,
        %add3A_375 = arith.addf %get3A_371, %get3A_374 : vector<16xf32>
        %get3A_376 = arith.index_cast %scan3A_335 : i32 to index
        %get3A_377 = arith.constant 48 : index
        %get3A_378 = tpu.vector_load %arg24[%get3A_376, %get3A_377] {strides = array<i32>} : memref<64x128xf32, #tpu.memory_space<vmem>>, vector<16xf32>,
        %add3A_379 = arith.addf %add3A_375, %get3A_378 : vector<16xf32>
        %get3A_380 = arith.index_cast %scan3A_335 : i32 to index
        %get3A_381 = arith.constant 64 : index
        %get3A_382 = tpu.vector_load %arg22[%get3A_380, %get3A_381] {strides = array<i32>} : memref<64x128xf32, #tpu.memory_space<vmem>>, vector<16xf32>,
        %get3A_383 = arith.index_cast %scan3A_335 : i32 to index
        %get3A_384 = arith.constant 64 : index
        %get3A_385 = tpu.vector_load %arg23[%get3A_383, %get3A_384] {strides = array<i32>} : memref<64x128xf32, #tpu.memory_space<vmem>>, vector<16xf32>,
        %add3A_386 = arith.addf %get3A_382, %get3A_385 : vector<16xf32>
        %get3A_387 = arith.index_cast %scan3A_335 : i32 to index
        %get3A_388 = arith.constant 64 : index
        %get3A_389 = tpu.vector_load %arg24[%get3A_387, %get3A_388] {strides = array<i32>} : memref<64x128xf32, #tpu.memory_space<vmem>>, vector<16xf32>,
        %add3A_390 = arith.addf %add3A_386, %get3A_389 : vector<16xf32>
        %get3A_391 = arith.index_cast %scan3A_335 : i32 to index
        %get3A_392 = arith.constant 80 : index
        %get3A_393 = tpu.vector_load %arg22[%get3A_391, %get3A_392] {strides = array<i32>} : memref<64x128xf32, #tpu.memory_space<vmem>>, vector<16xf32>,
        %get3A_394 = arith.index_cast %scan3A_335 : i32 to index
        %get3A_395 = arith.constant 80 : index
        %get3A_396 = tpu.vector_load %arg23[%get3A_394, %get3A_395] {strides = array<i32>} : memref<64x128xf32, #tpu.memory_space<vmem>>, vector<16xf32>,
        %add3A_397 = arith.addf %get3A_393, %get3A_396 : vector<16xf32>
        %get3A_398 = arith.index_cast %scan3A_335 : i32 to index
        %get3A_399 = arith.constant 80 : index
        %get3A_400 = tpu.vector_load %arg24[%get3A_398, %get3A_399] {strides = array<i32>} : memref<64x128xf32, #tpu.memory_space<vmem>>, vector<16xf32>,
        %add3A_401 = arith.addf %add3A_397, %get3A_400 : vector<16xf32>
        %get3A_402 = arith.index_cast %scan3A_335 : i32 to index
        %get3A_403 = arith.constant 96 : index
        %get3A_404 = tpu.vector_load %arg22[%get3A_402, %get3A_403] {strides = array<i32>} : memref<64x128xf32, #tpu.memory_space<vmem>>, vector<16xf32>,
        %get3A_405 = arith.index_cast %scan3A_335 : i32 to index
        %get3A_406 = arith.constant 96 : index
        %get3A_407 = tpu.vector_load %arg23[%get3A_405, %get3A_406] {strides = array<i32>} : memref<64x128xf32, #tpu.memory_space<vmem>>, vector<16xf32>,
        %add3A_408 = arith.addf %get3A_404, %get3A_407 : vector<16xf32>
        %get3A_409 = arith.index_cast %scan3A_335 : i32 to index
        %get3A_410 = arith.constant 96 : index
        %get3A_411 = tpu.vector_load %arg24[%get3A_409, %get3A_410] {strides = array<i32>} : memref<64x128xf32, #tpu.memory_space<vmem>>, vector<16xf32>,
        %add3A_412 = arith.addf %add3A_408, %get3A_411 : vector<16xf32>
        %get3A_413 = arith.index_cast %scan3A_335 : i32 to index
        %get3A_414 = arith.constant 112 : index
        %get3A_415 = tpu.vector_load %arg22[%get3A_413, %get3A_414] {strides = array<i32>} : memref<64x128xf32, #tpu.memory_space<vmem>>, vector<16xf32>,
        %get3A_416 = arith.index_cast %scan3A_335 : i32 to index
        %get3A_417 = arith.constant 112 : index
        %get3A_418 = tpu.vector_load %arg23[%get3A_416, %get3A_417] {strides = array<i32>} : memref<64x128xf32, #tpu.memory_space<vmem>>, vector<16xf32>,
        %add3A_419 = arith.addf %get3A_415, %get3A_418 : vector<16xf32>
        %get3A_420 = arith.index_cast %scan3A_335 : i32 to index
        %get3A_421 = arith.constant 112 : index
        %get3A_422 = tpu.vector_load %arg24[%get3A_420, %get3A_421] {strides = array<i32>} : memref<64x128xf32, #tpu.memory_space<vmem>>, vector<16xf32>,
        %add3A_423 = arith.addf %add3A_419, %get3A_422 : vector<16xf32>
        %add3A_424 = arith.addf %add3A_346, %add3A_357 : vector<16xf32>
        %add3A_425 = arith.addf %add3A_368, %add3A_379 : vector<16xf32>
        %add3A_426 = arith.addf %add3A_424, %add3A_425 : vector<16xf32>
        %add3A_427 = arith.addf %add3A_390, %add3A_401 : vector<16xf32>
        %add3A_428 = arith.addf %add3A_412, %add3A_423 : vector<16xf32>
        %add3A_429 = arith.addf %add3A_427, %add3A_428 : vector<16xf32>
        %add3A_430 = arith.addf %add3A_426, %add3A_429 : vector<16xf32>
        %mul3A_431 = arith.mulf %add3A_346, %add3A_346 : vector<16xf32>
        %mul3A_432 = arith.mulf %add3A_357, %add3A_357 : vector<16xf32>
        %mul3A_433 = arith.mulf %add3A_368, %add3A_368 : vector<16xf32>
        %mul3A_434 = arith.mulf %add3A_379, %add3A_379 : vector<16xf32>
        %mul3A_435 = arith.mulf %add3A_390, %add3A_390 : vector<16xf32>
        %mul3A_436 = arith.mulf %add3A_401, %add3A_401 : vector<16xf32>
        %mul3A_437 = arith.mulf %add3A_412, %add3A_412 : vector<16xf32>
        %mul3A_438 = arith.mulf %add3A_423, %add3A_423 : vector<16xf32>
        %add3A_439 = arith.addf %mul3A_431, %mul3A_432 : vector<16xf32>
        %add3A_440 = arith.addf %mul3A_433, %mul3A_434 : vector<16xf32>
        %add3A_441 = arith.addf %add3A_439, %add3A_440 : vector<16xf32>
        %add3A_442 = arith.addf %mul3A_435, %mul3A_436 : vector<16xf32>
        %add3A_443 = arith.addf %mul3A_437, %mul3A_438 : vector<16xf32>
        %add3A_444 = arith.addf %add3A_442, %add3A_443 : vector<16xf32>
        %add3A_445 = arith.addf %add3A_441, %add3A_444 : vector<16xf32>
        %iota3A = tpu.iota {dimensions = array<i32: 0>} : vector<16xi32>
        %xor3A = arith.constant 8 : i32
        %xor3A_446 = vector.broadcast %xor3A : i32 to vector<16xi32>
        %xor3A_447 = arith.xori %iota3A, %xor3A_446 : vector<16xi32>
        %broadcast_in_dim3A = vector.shape_cast %xor3A_447 : vector<16xi32> to vector<16x1xi32>
        %gather3A = vector.shape_cast %broadcast_in_dim3A : vector<16x1xi32> to vector<16xi32>
        %gather3A_448 = tpu.dynamic_gather %add3A_430[%gather3A] in [0] : vector<16xf32>, vector<16xi32> -> vector<16xf32>
        %add3A_449 = arith.addf %add3A_430, %gather3A_448 : vector<16xf32>
        %iota3A_450 = tpu.iota {dimensions = array<i32: 0>} : vector<16xi32>
        %xor3A_451 = arith.constant 4 : i32
        %xor3A_452 = vector.broadcast %xor3A_451 : i32 to vector<16xi32>
        %xor3A_453 = arith.xori %iota3A_450, %xor3A_452 : vector<16xi32>
        %broadcast_in_dim3A_454 = vector.shape_cast %xor3A_453 : vector<16xi32> to vector<16x1xi32>
        %gather3A_455 = vector.shape_cast %broadcast_in_dim3A_454 : vector<16x1xi32> to vector<16xi32>
        %gather3A_456 = tpu.dynamic_gather %add3A_449[%gather3A_455] in [0] : vector<16xf32>, vector<16xi32> -> vector<16xf32>
        %add3A_457 = arith.addf %add3A_449, %gather3A_456 : vector<16xf32>
        %iota3A_458 = tpu.iota {dimensions = array<i32: 0>} : vector<16xi32>
        %xor3A_459 = arith.constant 2 : i32
        %xor3A_460 = vector.broadcast %xor3A_459 : i32 to vector<16xi32>
        %xor3A_461 = arith.xori %iota3A_458, %xor3A_460 : vector<16xi32>
        %broadcast_in_dim3A_462 = vector.shape_cast %xor3A_461 : vector<16xi32> to vector<16x1xi32>
        %gather3A_463 = vector.shape_cast %broadcast_in_dim3A_462 : vector<16x1xi32> to vector<16xi32>
        %gather3A_464 = tpu.dynamic_gather %add3A_457[%gather3A_463] in [0] : vector<16xf32>, vector<16xi32> -> vector<16xf32>
        %add3A_465 = arith.addf %add3A_457, %gather3A_464 : vector<16xf32>
        %iota3A_466 = tpu.iota {dimensions = array<i32: 0>} : vector<16xi32>
        %xor3A_467 = arith.constant 1 : i32
        %xor3A_468 = vector.broadcast %xor3A_467 : i32 to vector<16xi32>
        %xor3A_469 = arith.xori %iota3A_466, %xor3A_468 : vector<16xi32>
        %broadcast_in_dim3A_470 = vector.shape_cast %xor3A_469 : vector<16xi32> to vector<16x1xi32>
        %gather3A_471 = vector.shape_cast %broadcast_in_dim3A_470 : vector<16x1xi32> to vector<16xi32>
        %gather3A_472 = tpu.dynamic_gather %add3A_465[%gather3A_471] in [0] : vector<16xf32>, vector<16xi32> -> vector<16xf32>
        %add3A_473 = arith.addf %add3A_465, %gather3A_472 : vector<16xf32>
        %mul3A_474 = arith.constant 7.812500e-03 : f32
        %mul3A_475 = vector.broadcast %mul3A_474 : f32 to vector<16xf32>
        %mul3A_476 = arith.mulf %add3A_473, %mul3A_475 : vector<16xf32>
        %iota3A_477 = tpu.iota {dimensions = array<i32: 0>} : vector<16xi32>
        %xor3A_478 = arith.constant 8 : i32
        %xor3A_479 = vector.broadcast %xor3A_478 : i32 to vector<16xi32>
        %xor3A_480 = arith.xori %iota3A_477, %xor3A_479 : vector<16xi32>
        %broadcast_in_dim3A_481 = vector.shape_cast %xor3A_480 : vector<16xi32> to vector<16x1xi32>
        %gather3A_482 = vector.shape_cast %broadcast_in_dim3A_481 : vector<16x1xi32> to vector<16xi32>
        %gather3A_483 = tpu.dynamic_gather %add3A_445[%gather3A_482] in [0] : vector<16xf32>, vector<16xi32> -> vector<16xf32>
        %add3A_484 = arith.addf %add3A_445, %gather3A_483 : vector<16xf32>
        %iota3A_485 = tpu.iota {dimensions = array<i32: 0>} : vector<16xi32>
        %xor3A_486 = arith.constant 4 : i32
        %xor3A_487 = vector.broadcast %xor3A_486 : i32 to vector<16xi32>
        %xor3A_488 = arith.xori %iota3A_485, %xor3A_487 : vector<16xi32>
        %broadcast_in_dim3A_489 = vector.shape_cast %xor3A_488 : vector<16xi32> to vector<16x1xi32>
        %gather3A_490 = vector.shape_cast %broadcast_in_dim3A_489 : vector<16x1xi32> to vector<16xi32>
        %gather3A_491 = tpu.dynamic_gather %add3A_484[%gather3A_490] in [0] : vector<16xf32>, vector<16xi32> -> vector<16xf32>
        %add3A_492 = arith.addf %add3A_484, %gather3A_491 : vector<16xf32>
        %iota3A_493 = tpu.iota {dimensions = array<i32: 0>} : vector<16xi32>
        %xor3A_494 = arith.constant 2 : i32
        %xor3A_495 = vector.broadcast %xor3A_494 : i32 to vector<16xi32>
        %xor3A_496 = arith.xori %iota3A_493, %xor3A_495 : vector<16xi32>
        %broadcast_in_dim3A_497 = vector.shape_cast %xor3A_496 : vector<16xi32> to vector<16x1xi32>
        %gather3A_498 = vector.shape_cast %broadcast_in_dim3A_497 : vector<16x1xi32> to vector<16xi32>
        %gather3A_499 = tpu.dynamic_gather %add3A_492[%gather3A_498] in [0] : vector<16xf32>, vector<16xi32> -> vector<16xf32>
        %add3A_500 = arith.addf %add3A_492, %gather3A_499 : vector<16xf32>
        %iota3A_501 = tpu.iota {dimensions = array<i32: 0>} : vector<16xi32>
        %xor3A_502 = arith.constant 1 : i32
        %xor3A_503 = vector.broadcast %xor3A_502 : i32 to vector<16xi32>
        %xor3A_504 = arith.xori %iota3A_501, %xor3A_503 : vector<16xi32>
        %broadcast_in_dim3A_505 = vector.shape_cast %xor3A_504 : vector<16xi32> to vector<16x1xi32>
        %gather3A_506 = vector.shape_cast %broadcast_in_dim3A_505 : vector<16x1xi32> to vector<16xi32>
        %gather3A_507 = tpu.dynamic_gather %add3A_500[%gather3A_506] in [0] : vector<16xf32>, vector<16xi32> -> vector<16xf32>
        %add3A_508 = arith.addf %add3A_500, %gather3A_507 : vector<16xf32>
        %mul3A_509 = arith.constant 7.812500e-03 : f32
        %mul3A_510 = vector.broadcast %mul3A_509 : f32 to vector<16xf32>
        %mul3A_511 = arith.mulf %add3A_508, %mul3A_510 : vector<16xf32>
        %mul3A_512 = arith.mulf %mul3A_476, %mul3A_476 : vector<16xf32>
        %sub3A_513 = arith.subf %mul3A_511, %mul3A_512 : vector<16xf32>
        %add3A_514 = arith.constant 9.99999996E-13 : f32
        %add3A_515 = vector.broadcast %add3A_514 : f32 to vector<16xf32>
        %add3A_516 = arith.addf %sub3A_513, %add3A_515 : vector<16xf32>
        %bitcast3A = vector.bitcast %add3A_516 : vector<16xf32> to vector<16xi32>
        %shift_right_arithmetic3A = arith.constant 1 : i32
        %shift_right_arithmetic3A_517 = vector.broadcast %shift_right_arithmetic3A : i32 to vector<16xi32>
        %shift_right_arithmetic3A_518 = arith.shrsi %bitcast3A, %shift_right_arithmetic3A_517 : vector<16xi32>
        %sub3A_519 = arith.constant 1597463007 : i32
        %sub3A_520 = vector.broadcast %sub3A_519 : i32 to vector<16xi32>
        %sub3A_521 = arith.subi %sub3A_520, %shift_right_arithmetic3A_518 : vector<16xi32>
        %bitcast3A_522 = vector.bitcast %sub3A_521 : vector<16xi32> to vector<16xf32>
        %mul3A_523 = arith.constant 5.000000e-01 : f32
        %mul3A_524 = vector.broadcast %mul3A_523 : f32 to vector<16xf32>
        %mul3A_525 = arith.mulf %add3A_516, %mul3A_524 : vector<16xf32>
        %mul3A_526 = arith.mulf %mul3A_525, %bitcast3A_522 : vector<16xf32>
        %mul3A_527 = arith.mulf %mul3A_526, %bitcast3A_522 : vector<16xf32>
        %sub3A_528 = arith.constant 1.500000e+00 : f32
        %sub3A_529 = vector.broadcast %sub3A_528 : f32 to vector<16xf32>
        %sub3A_530 = arith.subf %sub3A_529, %mul3A_527 : vector<16xf32>
        %mul3A_531 = arith.mulf %bitcast3A_522, %sub3A_530 : vector<16xf32>
        %mul3A_532 = arith.mulf %mul3A_525, %mul3A_531 : vector<16xf32>
        %mul3A_533 = arith.mulf %mul3A_532, %mul3A_531 : vector<16xf32>
        %sub3A_534 = arith.constant 1.500000e+00 : f32
        %sub3A_535 = vector.broadcast %sub3A_534 : f32 to vector<16xf32>
        %sub3A_536 = arith.subf %sub3A_535, %mul3A_533 : vector<16xf32>
        %mul3A_537 = arith.mulf %mul3A_531, %sub3A_536 : vector<16xf32>
        %mul3A_538 = arith.mulf %mul3A_525, %mul3A_537 : vector<16xf32>
        %mul3A_539 = arith.mulf %mul3A_538, %mul3A_537 : vector<16xf32>
        %sub3A_540 = arith.constant 1.500000e+00 : f32
        %sub3A_541 = vector.broadcast %sub3A_540 : f32 to vector<16xf32>
        %sub3A_542 = arith.subf %sub3A_541, %mul3A_539 : vector<16xf32>
        %mul3A_543 = arith.mulf %mul3A_537, %sub3A_542 : vector<16xf32>
        %sub3A_544 = arith.subf %add3A_346, %mul3A_476 : vector<16xf32>
        %mul3A_545 = arith.mulf %sub3A_544, %mul3A_543 : vector<16xf32>
        %mul3A_546 = arith.mulf %mul3A_545, %get3A_3 : vector<16xf32>
        %add3A_547 = arith.addf %mul3A_546, %get3A_19 : vector<16xf32>
        %swap3A = arith.index_cast %scan3A_335 : i32 to index
        %swap3A_548 = arith.constant 0 : index
        %swap3A_549 = tpu.vector_load %arg34[%swap3A, %swap3A_548] {strides = array<i32>} : memref<64x128xf32, #tpu.memory_space<vmem>>, vector<16xf32>,
        tpu.vector_store %arg34[%swap3A, %swap3A_548], %add3A_547 {strides = array<i32>} : memref<64x128xf32, #tpu.memory_space<vmem>>, vector<16xf32>,
        %sub3A_550 = arith.subf %add3A_357, %mul3A_476 : vector<16xf32>
        %mul3A_551 = arith.mulf %sub3A_550, %mul3A_543 : vector<16xf32>
        %mul3A_552 = arith.mulf %mul3A_551, %get3A_5 : vector<16xf32>
        %add3A_553 = arith.addf %mul3A_552, %get3A_21 : vector<16xf32>
        %swap3A_554 = arith.index_cast %scan3A_335 : i32 to index
        %swap3A_555 = arith.constant 16 : index
        %swap3A_556 = tpu.vector_load %arg34[%swap3A_554, %swap3A_555] {strides = array<i32>} : memref<64x128xf32, #tpu.memory_space<vmem>>, vector<16xf32>,
        tpu.vector_store %arg34[%swap3A_554, %swap3A_555], %add3A_553 {strides = array<i32>} : memref<64x128xf32, #tpu.memory_space<vmem>>, vector<16xf32>,
        %sub3A_557 = arith.subf %add3A_368, %mul3A_476 : vector<16xf32>
        %mul3A_558 = arith.mulf %sub3A_557, %mul3A_543 : vector<16xf32>
        %mul3A_559 = arith.mulf %mul3A_558, %get3A_7 : vector<16xf32>
        %add3A_560 = arith.addf %mul3A_559, %get3A_23 : vector<16xf32>
        %swap3A_561 = arith.index_cast %scan3A_335 : i32 to index
        %swap3A_562 = arith.constant 32 : index
        %swap3A_563 = tpu.vector_load %arg34[%swap3A_561, %swap3A_562] {strides = array<i32>} : memref<64x128xf32, #tpu.memory_space<vmem>>, vector<16xf32>,
        tpu.vector_store %arg34[%swap3A_561, %swap3A_562], %add3A_560 {strides = array<i32>} : memref<64x128xf32, #tpu.memory_space<vmem>>, vector<16xf32>,
        %sub3A_564 = arith.subf %add3A_379, %mul3A_476 : vector<16xf32>
        %mul3A_565 = arith.mulf %sub3A_564, %mul3A_543 : vector<16xf32>
        %mul3A_566 = arith.mulf %mul3A_565, %get3A_9 : vector<16xf32>
        %add3A_567 = arith.addf %mul3A_566, %get3A_25 : vector<16xf32>
        %swap3A_568 = arith.index_cast %scan3A_335 : i32 to index
        %swap3A_569 = arith.constant 48 : index
        %swap3A_570 = tpu.vector_load %arg34[%swap3A_568, %swap3A_569] {strides = array<i32>} : memref<64x128xf32, #tpu.memory_space<vmem>>, vector<16xf32>,
        tpu.vector_store %arg34[%swap3A_568, %swap3A_569], %add3A_567 {strides = array<i32>} : memref<64x128xf32, #tpu.memory_space<vmem>>, vector<16xf32>,
        %sub3A_571 = arith.subf %add3A_390, %mul3A_476 : vector<16xf32>
        %mul3A_572 = arith.mulf %sub3A_571, %mul3A_543 : vector<16xf32>
        %mul3A_573 = arith.mulf %mul3A_572, %get3A_11 : vector<16xf32>
        %add3A_574 = arith.addf %mul3A_573, %get3A_27 : vector<16xf32>
        %swap3A_575 = arith.index_cast %scan3A_335 : i32 to index
        %swap3A_576 = arith.constant 64 : index
        %swap3A_577 = tpu.vector_load %arg34[%swap3A_575, %swap3A_576] {strides = array<i32>} : memref<64x128xf32, #tpu.memory_space<vmem>>, vector<16xf32>,
        tpu.vector_store %arg34[%swap3A_575, %swap3A_576], %add3A_574 {strides = array<i32>} : memref<64x128xf32, #tpu.memory_space<vmem>>, vector<16xf32>,
        %sub3A_578 = arith.subf %add3A_401, %mul3A_476 : vector<16xf32>
        %mul3A_579 = arith.mulf %sub3A_578, %mul3A_543 : vector<16xf32>
        %mul3A_580 = arith.mulf %mul3A_579, %get3A_13 : vector<16xf32>
        %add3A_581 = arith.addf %mul3A_580, %get3A_29 : vector<16xf32>
        %swap3A_582 = arith.index_cast %scan3A_335 : i32 to index
        %swap3A_583 = arith.constant 80 : index
        %swap3A_584 = tpu.vector_load %arg34[%swap3A_582, %swap3A_583] {strides = array<i32>} : memref<64x128xf32, #tpu.memory_space<vmem>>, vector<16xf32>,
        tpu.vector_store %arg34[%swap3A_582, %swap3A_583], %add3A_581 {strides = array<i32>} : memref<64x128xf32, #tpu.memory_space<vmem>>, vector<16xf32>,
        %sub3A_585 = arith.subf %add3A_412, %mul3A_476 : vector<16xf32>
        %mul3A_586 = arith.mulf %sub3A_585, %mul3A_543 : vector<16xf32>
        %mul3A_587 = arith.mulf %mul3A_586, %get3A_15 : vector<16xf32>
        %add3A_588 = arith.addf %mul3A_587, %get3A_31 : vector<16xf32>
        %swap3A_589 = arith.index_cast %scan3A_335 : i32 to index
        %swap3A_590 = arith.constant 96 : index
        %swap3A_591 = tpu.vector_load %arg34[%swap3A_589, %swap3A_590] {strides = array<i32>} : memref<64x128xf32, #tpu.memory_space<vmem>>, vector<16xf32>,
        tpu.vector_store %arg34[%swap3A_589, %swap3A_590], %add3A_588 {strides = array<i32>} : memref<64x128xf32, #tpu.memory_space<vmem>>, vector<16xf32>,
        %sub3A_592 = arith.subf %add3A_423, %mul3A_476 : vector<16xf32>
        %mul3A_593 = arith.mulf %sub3A_592, %mul3A_543 : vector<16xf32>
        %mul3A_594 = arith.mulf %mul3A_593, %get3A_17 : vector<16xf32>
        %add3A_595 = arith.addf %mul3A_594, %get3A_33 : vector<16xf32>
        %swap3A_596 = arith.index_cast %scan3A_335 : i32 to index
        %swap3A_597 = arith.constant 112 : index
        %swap3A_598 = tpu.vector_load %arg34[%swap3A_596, %swap3A_597] {strides = array<i32>} : memref<64x128xf32, #tpu.memory_space<vmem>>, vector<16xf32>,
        tpu.vector_store %arg34[%swap3A_596, %swap3A_597], %add3A_595 {strides = array<i32>} : memref<64x128xf32, #tpu.memory_space<vmem>>, vector<16xf32>,
      }
      %scan3A_182 = arith.constant 64 : i32
      %mul3A_183 = arith.constant 64 : i32
      %mul3A_184 = arith.muli %add3A_151, %mul3A_183 : i32
      %add3A_185 = arith.addi %mul3A_2, %mul3A_184 : i32
      %multiple_of3A_186 = tpu.assume_multiple %add3A_185, 64 : i32
      %dma_start3A_187 = arith.constant 0 : i32
      %dma_start3A_188 = tpu.memref_slice %arg9[%multiple_of3A_186, %dma_start3A_187] : memref<819200x128xf32, #tpu.memory_space<hbm>> -> memref<64x128xf32, #tpu.memory_space<hbm>>
      %dma_start3A_189 = arith.constant 0 : i32
      %dma_start3A_190 = tpu.memref_slice %arg9[%multiple_of3A_186, %dma_start3A_189] : memref<819200x128xf32, #tpu.memory_space<hbm>> -> memref<64x128xf32, #tpu.memory_space<hbm>>
      tpu.enqueue_dma source(%arg34 : memref<64x128xf32, #tpu.memory_space<vmem>>) target(%dma_start3A_190 : memref<64x128xf32, #tpu.memory_space<hbm>>) target_semaphore(%arg50 : memref<!tpu.dma_semaphore, #tpu.memory_space<semaphore_mem>>)
      %mul3A_191 = arith.constant 4 : i32
      %mul3A_192 = arith.muli %mul3A_191, %scan3A_147 : i32
      %add3A_193 = arith.constant 1 : i32
      %add3A_194 = arith.addi %mul3A_192, %add3A_193 : i32
      %dma_wait3A_195 = arith.constant 0 : i32
      %dma_wait3A_196 = arith.constant 0 : i32
      %dma_wait3A_197 = tpu.memref_slice %arg5[%dma_wait3A_195, %dma_wait3A_196] : memref<100000x128xf32, #tpu.memory_space<hbm>> -> memref<100000x128xf32, #tpu.memory_space<hbm>>
      tpu.wait_indirect_dma semaphore(%arg41 : memref<!tpu.dma_semaphore, #tpu.memory_space<semaphore_mem>>) src(%dma_wait3A_197 : memref<100000x128xf32, #tpu.memory_space<hbm>>) dst(%arg25 : memref<64x128xf32, #tpu.memory_space<vmem>>)
      %dma_wait3A_198 = arith.constant 0 : i32
      %dma_wait3A_199 = arith.constant 0 : i32
      %dma_wait3A_200 = tpu.memref_slice %arg6[%dma_wait3A_198, %dma_wait3A_199] : memref<100000x128xf32, #tpu.memory_space<hbm>> -> memref<100000x128xf32, #tpu.memory_space<hbm>>
      tpu.wait_indirect_dma semaphore(%arg42 : memref<!tpu.dma_semaphore, #tpu.memory_space<semaphore_mem>>) src(%dma_wait3A_200 : memref<100000x128xf32, #tpu.memory_space<hbm>>) dst(%arg26 : memref<64x128xf32, #tpu.memory_space<vmem>>)
      %dma_wait3A_201 = arith.constant 0 : i32
      %dma_wait3A_202 = arith.constant 0 : i32
      %dma_wait3A_203 = tpu.memref_slice %arg6[%dma_wait3A_201, %dma_wait3A_202] : memref<100000x128xf32, #tpu.memory_space<hbm>> -> memref<100000x128xf32, #tpu.memory_space<hbm>>
      tpu.wait_indirect_dma semaphore(%arg43 : memref<!tpu.dma_semaphore, #tpu.memory_space<semaphore_mem>>) src(%dma_wait3A_203 : memref<100000x128xf32, #tpu.memory_space<hbm>>) dst(%arg27 : memref<64x128xf32, #tpu.memory_space<vmem>>)
      %add3A_204 = arith.constant 4 : i32
      %add3A_205 = arith.addi %add3A_194, %add3A_204 : i32
      %sub3A_206 = arith.constant 1 : i32
      %sub3A_207 = arith.subi %add3A_205, %sub3A_206 : i32
      %lt3A_208 = arith.constant 400 : i32
      %lt3A_209 = arith.cmpi slt, %sub3A_207, %lt3A_208 : i32
      %convert_element_type3A_210 = arith.extui %lt3A_209 : i1 to i32
      %cond3A_211 = arith.constant 0 : i32
      %cond3A_212 = arith.cmpi ne, %convert_element_type3A_210, %cond3A_211 : i32
      scf.if %cond3A_212 {
        %dma_wait3A_335 = arith.constant 0 : i32
        %dma_wait3A_336 = tpu.memref_slice %arg2[%dma_wait3A_335] : memref<819200xi32, #tpu.memory_space<hbm>> -> memref<64xi32, #tpu.memory_space<hbm>>
        %dma_wait3A_337 = arith.constant 0 : i32
        %dma_wait3A_338 = tpu.memref_slice %arg2[%dma_wait3A_337] : memref<819200xi32, #tpu.memory_space<hbm>> -> memref<64xi32, #tpu.memory_space<hbm>>
        tpu.wait_dma2 semaphore(%arg52 : memref<!tpu.dma_semaphore, #tpu.memory_space<semaphore_mem>>) src(%dma_wait3A_338 : memref<64xi32, #tpu.memory_space<hbm>>) dst(%arg10 : memref<64xi32, #tpu.memory_space<vmem>>)
        %dma_wait3A_339 = arith.constant 0 : i32
        %dma_wait3A_340 = tpu.memref_slice %arg3[%dma_wait3A_339] : memref<819200xi32, #tpu.memory_space<hbm>> -> memref<64xi32, #tpu.memory_space<hbm>>
        %dma_wait3A_341 = arith.constant 0 : i32
        %dma_wait3A_342 = tpu.memref_slice %arg3[%dma_wait3A_341] : memref<819200xi32, #tpu.memory_space<hbm>> -> memref<64xi32, #tpu.memory_space<hbm>>
        tpu.wait_dma2 semaphore(%arg52 : memref<!tpu.dma_semaphore, #tpu.memory_space<semaphore_mem>>) src(%dma_wait3A_342 : memref<64xi32, #tpu.memory_space<hbm>>) dst(%arg11 : memref<64xi32, #tpu.memory_space<vmem>>)
        %dma_wait3A_343 = arith.constant 0 : i32
        %dma_wait3A_344 = tpu.memref_slice %arg4[%dma_wait3A_343] : memref<819200xi32, #tpu.memory_space<hbm>> -> memref<64xi32, #tpu.memory_space<hbm>>
        %dma_wait3A_345 = arith.constant 0 : i32
        %dma_wait3A_346 = tpu.memref_slice %arg4[%dma_wait3A_345] : memref<819200xi32, #tpu.memory_space<hbm>> -> memref<64xi32, #tpu.memory_space<hbm>>
        tpu.wait_dma2 semaphore(%arg52 : memref<!tpu.dma_semaphore, #tpu.memory_space<semaphore_mem>>) src(%dma_wait3A_346 : memref<64xi32, #tpu.memory_space<hbm>>) dst(%arg12 : memref<64xi32, #tpu.memory_space<vmem>>)
        %dma_start3A_347 = arith.constant 0 : i32
        %dma_start3A_348 = arith.constant 0 : i32
        %dma_start3A_349 = tpu.memref_slice %arg5[%dma_start3A_347, %dma_start3A_348] : memref<100000x128xf32, #tpu.memory_space<hbm>> -> memref<100000x128xf32, #tpu.memory_space<hbm>>
        tpu.enqueue_indirect_dma source(%dma_start3A_349 : memref<100000x128xf32, #tpu.memory_space<hbm>>) target(%arg22 : memref<64x128xf32, #tpu.memory_space<vmem>>) offsets(%arg10 : memref<64xi32, #tpu.memory_space<vmem>>) semaphore(%arg38 : memref<!tpu.dma_semaphore, #tpu.memory_space<semaphore_mem>>)
        %dma_start3A_350 = arith.constant 0 : i32
        %dma_start3A_351 = arith.constant 0 : i32
        %dma_start3A_352 = tpu.memref_slice %arg6[%dma_start3A_350, %dma_start3A_351] : memref<100000x128xf32, #tpu.memory_space<hbm>> -> memref<100000x128xf32, #tpu.memory_space<hbm>>
        tpu.enqueue_indirect_dma source(%dma_start3A_352 : memref<100000x128xf32, #tpu.memory_space<hbm>>) target(%arg23 : memref<64x128xf32, #tpu.memory_space<vmem>>) offsets(%arg11 : memref<64xi32, #tpu.memory_space<vmem>>) semaphore(%arg39 : memref<!tpu.dma_semaphore, #tpu.memory_space<semaphore_mem>>)
        %dma_start3A_353 = arith.constant 0 : i32
        %dma_start3A_354 = arith.constant 0 : i32
        %dma_start3A_355 = tpu.memref_slice %arg6[%dma_start3A_353, %dma_start3A_354] : memref<100000x128xf32, #tpu.memory_space<hbm>> -> memref<100000x128xf32, #tpu.memory_space<hbm>>
        tpu.enqueue_indirect_dma source(%dma_start3A_355 : memref<100000x128xf32, #tpu.memory_space<hbm>>) target(%arg24 : memref<64x128xf32, #tpu.memory_space<vmem>>) offsets(%arg12 : memref<64xi32, #tpu.memory_space<vmem>>) semaphore(%arg40 : memref<!tpu.dma_semaphore, #tpu.memory_space<semaphore_mem>>)
      } else {
      }
      %add3A_213 = arith.constant 4 : i32
      %add3A_214 = arith.addi %add3A_194, %add3A_213 : i32
      %lt3A_215 = arith.constant 400 : i32
      %lt3A_216 = arith.cmpi slt, %add3A_214, %lt3A_215 : i32
      %convert_element_type3A_217 = arith.extui %lt3A_216 : i1 to i32
      %cond3A_218 = arith.constant 0 : i32
      %cond3A_219 = arith.cmpi ne, %convert_element_type3A_217, %cond3A_218 : i32
      scf.if %cond3A_219 {
        %add3A_335 = arith.constant 4 : i32
        %add3A_336 = arith.addi %add3A_194, %add3A_335 : i32
        %mul3A_337 = arith.constant 64 : i32
        %mul3A_338 = arith.muli %add3A_336, %mul3A_337 : i32
        %add3A_339 = arith.addi %mul3A_2, %mul3A_338 : i32
        %multiple_of3A_340 = tpu.assume_multiple %add3A_339, 64 : i32
        %dma_start3A_341 = tpu.memref_slice %arg2[%multiple_of3A_340] : memref<819200xi32, #tpu.memory_space<hbm>> -> memref<64xi32, #tpu.memory_space<hbm>>
        %dma_start3A_342 = tpu.memref_slice %arg2[%multiple_of3A_340] : memref<819200xi32, #tpu.memory_space<hbm>> -> memref<64xi32, #tpu.memory_space<hbm>>
        tpu.enqueue_dma source(%dma_start3A_342 : memref<64xi32, #tpu.memory_space<hbm>>) target(%arg13 : memref<64xi32, #tpu.memory_space<vmem>>) target_semaphore(%arg53 : memref<!tpu.dma_semaphore, #tpu.memory_space<semaphore_mem>>)
        %dma_start3A_343 = tpu.memref_slice %arg3[%multiple_of3A_340] : memref<819200xi32, #tpu.memory_space<hbm>> -> memref<64xi32, #tpu.memory_space<hbm>>
        %dma_start3A_344 = tpu.memref_slice %arg3[%multiple_of3A_340] : memref<819200xi32, #tpu.memory_space<hbm>> -> memref<64xi32, #tpu.memory_space<hbm>>
        tpu.enqueue_dma source(%dma_start3A_344 : memref<64xi32, #tpu.memory_space<hbm>>) target(%arg14 : memref<64xi32, #tpu.memory_space<vmem>>) target_semaphore(%arg53 : memref<!tpu.dma_semaphore, #tpu.memory_space<semaphore_mem>>)
        %dma_start3A_345 = tpu.memref_slice %arg4[%multiple_of3A_340] : memref<819200xi32, #tpu.memory_space<hbm>> -> memref<64xi32, #tpu.memory_space<hbm>>
        %dma_start3A_346 = tpu.memref_slice %arg4[%multiple_of3A_340] : memref<819200xi32, #tpu.memory_space<hbm>> -> memref<64xi32, #tpu.memory_space<hbm>>
        tpu.enqueue_dma source(%dma_start3A_346 : memref<64xi32, #tpu.memory_space<hbm>>) target(%arg15 : memref<64xi32, #tpu.memory_space<vmem>>) target_semaphore(%arg53 : memref<!tpu.dma_semaphore, #tpu.memory_space<semaphore_mem>>)
      } else {
      }
      %ge3A_220 = arith.constant 2 : i32
      %ge3A_221 = arith.cmpi sge, %add3A_194, %ge3A_220 : i32
      %convert_element_type3A_222 = arith.extui %ge3A_221 : i1 to i32
      %cond3A_223 = arith.constant 0 : i32
      %cond3A_224 = arith.cmpi ne, %convert_element_type3A_222, %cond3A_223 : i32
      scf.if %cond3A_224 {
        %dma_wait3A_335 = arith.constant 0 : i32
        %dma_wait3A_336 = arith.constant 0 : i32
        %dma_wait3A_337 = tpu.memref_slice %arg9[%dma_wait3A_335, %dma_wait3A_336] : memref<819200x128xf32, #tpu.memory_space<hbm>> -> memref<64x128xf32, #tpu.memory_space<hbm>>
        %dma_wait3A_338 = arith.constant 0 : i32
        %dma_wait3A_339 = arith.constant 0 : i32
        %dma_wait3A_340 = tpu.memref_slice %arg9[%dma_wait3A_338, %dma_wait3A_339] : memref<819200x128xf32, #tpu.memory_space<hbm>> -> memref<64x128xf32, #tpu.memory_space<hbm>>
        tpu.wait_dma2 semaphore(%arg51 : memref<!tpu.dma_semaphore, #tpu.memory_space<semaphore_mem>>) src(%arg35 : memref<64x128xf32, #tpu.memory_space<vmem>>) dst(%dma_wait3A_340 : memref<64x128xf32, #tpu.memory_space<hbm>>)
      } else {
      }
      %scan3A_225 = arith.constant 0 : i32
      %scan3A_226 = arith.constant 0 : i32
      %scan3A_227 = arith.constant 64 : i32
      %scan3A_228 = arith.addi %scan3A_226, %scan3A_227 : i32
      %scan3A_229 = arith.constant 1 : i32
      scf.for %scan3A_335 = %scan3A_226 to %scan3A_228 step %scan3A_229  : i32 {
        %get3A_336 = arith.index_cast %scan3A_335 : i32 to index
        %get3A_337 = arith.constant 0 : index
        %get3A_338 = tpu.vector_load %arg25[%get3A_336, %get3A_337] {strides = array<i32>} : memref<64x128xf32, #tpu.memory_space<vmem>>, vector<16xf32>,
        %get3A_339 = arith.index_cast %scan3A_335 : i32 to index
        %get3A_340 = arith.constant 0 : index
        %get3A_341 = tpu.vector_load %arg26[%get3A_339, %get3A_340] {strides = array<i32>} : memref<64x128xf32, #tpu.memory_space<vmem>>, vector<16xf32>,
        %add3A_342 = arith.addf %get3A_338, %get3A_341 : vector<16xf32>
        %get3A_343 = arith.index_cast %scan3A_335 : i32 to index
        %get3A_344 = arith.constant 0 : index
        %get3A_345 = tpu.vector_load %arg27[%get3A_343, %get3A_344] {strides = array<i32>} : memref<64x128xf32, #tpu.memory_space<vmem>>, vector<16xf32>,
        %add3A_346 = arith.addf %add3A_342, %get3A_345 : vector<16xf32>
        %get3A_347 = arith.index_cast %scan3A_335 : i32 to index
        %get3A_348 = arith.constant 16 : index
        %get3A_349 = tpu.vector_load %arg25[%get3A_347, %get3A_348] {strides = array<i32>} : memref<64x128xf32, #tpu.memory_space<vmem>>, vector<16xf32>,
        %get3A_350 = arith.index_cast %scan3A_335 : i32 to index
        %get3A_351 = arith.constant 16 : index
        %get3A_352 = tpu.vector_load %arg26[%get3A_350, %get3A_351] {strides = array<i32>} : memref<64x128xf32, #tpu.memory_space<vmem>>, vector<16xf32>,
        %add3A_353 = arith.addf %get3A_349, %get3A_352 : vector<16xf32>
        %get3A_354 = arith.index_cast %scan3A_335 : i32 to index
        %get3A_355 = arith.constant 16 : index
        %get3A_356 = tpu.vector_load %arg27[%get3A_354, %get3A_355] {strides = array<i32>} : memref<64x128xf32, #tpu.memory_space<vmem>>, vector<16xf32>,
        %add3A_357 = arith.addf %add3A_353, %get3A_356 : vector<16xf32>
        %get3A_358 = arith.index_cast %scan3A_335 : i32 to index
        %get3A_359 = arith.constant 32 : index
        %get3A_360 = tpu.vector_load %arg25[%get3A_358, %get3A_359] {strides = array<i32>} : memref<64x128xf32, #tpu.memory_space<vmem>>, vector<16xf32>,
        %get3A_361 = arith.index_cast %scan3A_335 : i32 to index
        %get3A_362 = arith.constant 32 : index
        %get3A_363 = tpu.vector_load %arg26[%get3A_361, %get3A_362] {strides = array<i32>} : memref<64x128xf32, #tpu.memory_space<vmem>>, vector<16xf32>,
        %add3A_364 = arith.addf %get3A_360, %get3A_363 : vector<16xf32>
        %get3A_365 = arith.index_cast %scan3A_335 : i32 to index
        %get3A_366 = arith.constant 32 : index
        %get3A_367 = tpu.vector_load %arg27[%get3A_365, %get3A_366] {strides = array<i32>} : memref<64x128xf32, #tpu.memory_space<vmem>>, vector<16xf32>,
        %add3A_368 = arith.addf %add3A_364, %get3A_367 : vector<16xf32>
        %get3A_369 = arith.index_cast %scan3A_335 : i32 to index
        %get3A_370 = arith.constant 48 : index
        %get3A_371 = tpu.vector_load %arg25[%get3A_369, %get3A_370] {strides = array<i32>} : memref<64x128xf32, #tpu.memory_space<vmem>>, vector<16xf32>,
        %get3A_372 = arith.index_cast %scan3A_335 : i32 to index
        %get3A_373 = arith.constant 48 : index
        %get3A_374 = tpu.vector_load %arg26[%get3A_372, %get3A_373] {strides = array<i32>} : memref<64x128xf32, #tpu.memory_space<vmem>>, vector<16xf32>,
        %add3A_375 = arith.addf %get3A_371, %get3A_374 : vector<16xf32>
        %get3A_376 = arith.index_cast %scan3A_335 : i32 to index
        %get3A_377 = arith.constant 48 : index
        %get3A_378 = tpu.vector_load %arg27[%get3A_376, %get3A_377] {strides = array<i32>} : memref<64x128xf32, #tpu.memory_space<vmem>>, vector<16xf32>,
        %add3A_379 = arith.addf %add3A_375, %get3A_378 : vector<16xf32>
        %get3A_380 = arith.index_cast %scan3A_335 : i32 to index
        %get3A_381 = arith.constant 64 : index
        %get3A_382 = tpu.vector_load %arg25[%get3A_380, %get3A_381] {strides = array<i32>} : memref<64x128xf32, #tpu.memory_space<vmem>>, vector<16xf32>,
        %get3A_383 = arith.index_cast %scan3A_335 : i32 to index
        %get3A_384 = arith.constant 64 : index
        %get3A_385 = tpu.vector_load %arg26[%get3A_383, %get3A_384] {strides = array<i32>} : memref<64x128xf32, #tpu.memory_space<vmem>>, vector<16xf32>,
        %add3A_386 = arith.addf %get3A_382, %get3A_385 : vector<16xf32>
        %get3A_387 = arith.index_cast %scan3A_335 : i32 to index
        %get3A_388 = arith.constant 64 : index
        %get3A_389 = tpu.vector_load %arg27[%get3A_387, %get3A_388] {strides = array<i32>} : memref<64x128xf32, #tpu.memory_space<vmem>>, vector<16xf32>,
        %add3A_390 = arith.addf %add3A_386, %get3A_389 : vector<16xf32>
        %get3A_391 = arith.index_cast %scan3A_335 : i32 to index
        %get3A_392 = arith.constant 80 : index
        %get3A_393 = tpu.vector_load %arg25[%get3A_391, %get3A_392] {strides = array<i32>} : memref<64x128xf32, #tpu.memory_space<vmem>>, vector<16xf32>,
        %get3A_394 = arith.index_cast %scan3A_335 : i32 to index
        %get3A_395 = arith.constant 80 : index
        %get3A_396 = tpu.vector_load %arg26[%get3A_394, %get3A_395] {strides = array<i32>} : memref<64x128xf32, #tpu.memory_space<vmem>>, vector<16xf32>,
        %add3A_397 = arith.addf %get3A_393, %get3A_396 : vector<16xf32>
        %get3A_398 = arith.index_cast %scan3A_335 : i32 to index
        %get3A_399 = arith.constant 80 : index
        %get3A_400 = tpu.vector_load %arg27[%get3A_398, %get3A_399] {strides = array<i32>} : memref<64x128xf32, #tpu.memory_space<vmem>>, vector<16xf32>,
        %add3A_401 = arith.addf %add3A_397, %get3A_400 : vector<16xf32>
        %get3A_402 = arith.index_cast %scan3A_335 : i32 to index
        %get3A_403 = arith.constant 96 : index
        %get3A_404 = tpu.vector_load %arg25[%get3A_402, %get3A_403] {strides = array<i32>} : memref<64x128xf32, #tpu.memory_space<vmem>>, vector<16xf32>,
        %get3A_405 = arith.index_cast %scan3A_335 : i32 to index
        %get3A_406 = arith.constant 96 : index
        %get3A_407 = tpu.vector_load %arg26[%get3A_405, %get3A_406] {strides = array<i32>} : memref<64x128xf32, #tpu.memory_space<vmem>>, vector<16xf32>,
        %add3A_408 = arith.addf %get3A_404, %get3A_407 : vector<16xf32>
        %get3A_409 = arith.index_cast %scan3A_335 : i32 to index
        %get3A_410 = arith.constant 96 : index
        %get3A_411 = tpu.vector_load %arg27[%get3A_409, %get3A_410] {strides = array<i32>} : memref<64x128xf32, #tpu.memory_space<vmem>>, vector<16xf32>,
        %add3A_412 = arith.addf %add3A_408, %get3A_411 : vector<16xf32>
        %get3A_413 = arith.index_cast %scan3A_335 : i32 to index
        %get3A_414 = arith.constant 112 : index
        %get3A_415 = tpu.vector_load %arg25[%get3A_413, %get3A_414] {strides = array<i32>} : memref<64x128xf32, #tpu.memory_space<vmem>>, vector<16xf32>,
        %get3A_416 = arith.index_cast %scan3A_335 : i32 to index
        %get3A_417 = arith.constant 112 : index
        %get3A_418 = tpu.vector_load %arg26[%get3A_416, %get3A_417] {strides = array<i32>} : memref<64x128xf32, #tpu.memory_space<vmem>>, vector<16xf32>,
        %add3A_419 = arith.addf %get3A_415, %get3A_418 : vector<16xf32>
        %get3A_420 = arith.index_cast %scan3A_335 : i32 to index
        %get3A_421 = arith.constant 112 : index
        %get3A_422 = tpu.vector_load %arg27[%get3A_420, %get3A_421] {strides = array<i32>} : memref<64x128xf32, #tpu.memory_space<vmem>>, vector<16xf32>,
        %add3A_423 = arith.addf %add3A_419, %get3A_422 : vector<16xf32>
        %add3A_424 = arith.addf %add3A_346, %add3A_357 : vector<16xf32>
        %add3A_425 = arith.addf %add3A_368, %add3A_379 : vector<16xf32>
        %add3A_426 = arith.addf %add3A_424, %add3A_425 : vector<16xf32>
        %add3A_427 = arith.addf %add3A_390, %add3A_401 : vector<16xf32>
        %add3A_428 = arith.addf %add3A_412, %add3A_423 : vector<16xf32>
        %add3A_429 = arith.addf %add3A_427, %add3A_428 : vector<16xf32>
        %add3A_430 = arith.addf %add3A_426, %add3A_429 : vector<16xf32>
        %mul3A_431 = arith.mulf %add3A_346, %add3A_346 : vector<16xf32>
        %mul3A_432 = arith.mulf %add3A_357, %add3A_357 : vector<16xf32>
        %mul3A_433 = arith.mulf %add3A_368, %add3A_368 : vector<16xf32>
        %mul3A_434 = arith.mulf %add3A_379, %add3A_379 : vector<16xf32>
        %mul3A_435 = arith.mulf %add3A_390, %add3A_390 : vector<16xf32>
        %mul3A_436 = arith.mulf %add3A_401, %add3A_401 : vector<16xf32>
        %mul3A_437 = arith.mulf %add3A_412, %add3A_412 : vector<16xf32>
        %mul3A_438 = arith.mulf %add3A_423, %add3A_423 : vector<16xf32>
        %add3A_439 = arith.addf %mul3A_431, %mul3A_432 : vector<16xf32>
        %add3A_440 = arith.addf %mul3A_433, %mul3A_434 : vector<16xf32>
        %add3A_441 = arith.addf %add3A_439, %add3A_440 : vector<16xf32>
        %add3A_442 = arith.addf %mul3A_435, %mul3A_436 : vector<16xf32>
        %add3A_443 = arith.addf %mul3A_437, %mul3A_438 : vector<16xf32>
        %add3A_444 = arith.addf %add3A_442, %add3A_443 : vector<16xf32>
        %add3A_445 = arith.addf %add3A_441, %add3A_444 : vector<16xf32>
        %iota3A = tpu.iota {dimensions = array<i32: 0>} : vector<16xi32>
        %xor3A = arith.constant 8 : i32
        %xor3A_446 = vector.broadcast %xor3A : i32 to vector<16xi32>
        %xor3A_447 = arith.xori %iota3A, %xor3A_446 : vector<16xi32>
        %broadcast_in_dim3A = vector.shape_cast %xor3A_447 : vector<16xi32> to vector<16x1xi32>
        %gather3A = vector.shape_cast %broadcast_in_dim3A : vector<16x1xi32> to vector<16xi32>
        %gather3A_448 = tpu.dynamic_gather %add3A_430[%gather3A] in [0] : vector<16xf32>, vector<16xi32> -> vector<16xf32>
        %add3A_449 = arith.addf %add3A_430, %gather3A_448 : vector<16xf32>
        %iota3A_450 = tpu.iota {dimensions = array<i32: 0>} : vector<16xi32>
        %xor3A_451 = arith.constant 4 : i32
        %xor3A_452 = vector.broadcast %xor3A_451 : i32 to vector<16xi32>
        %xor3A_453 = arith.xori %iota3A_450, %xor3A_452 : vector<16xi32>
        %broadcast_in_dim3A_454 = vector.shape_cast %xor3A_453 : vector<16xi32> to vector<16x1xi32>
        %gather3A_455 = vector.shape_cast %broadcast_in_dim3A_454 : vector<16x1xi32> to vector<16xi32>
        %gather3A_456 = tpu.dynamic_gather %add3A_449[%gather3A_455] in [0] : vector<16xf32>, vector<16xi32> -> vector<16xf32>
        %add3A_457 = arith.addf %add3A_449, %gather3A_456 : vector<16xf32>
        %iota3A_458 = tpu.iota {dimensions = array<i32: 0>} : vector<16xi32>
        %xor3A_459 = arith.constant 2 : i32
        %xor3A_460 = vector.broadcast %xor3A_459 : i32 to vector<16xi32>
        %xor3A_461 = arith.xori %iota3A_458, %xor3A_460 : vector<16xi32>
        %broadcast_in_dim3A_462 = vector.shape_cast %xor3A_461 : vector<16xi32> to vector<16x1xi32>
        %gather3A_463 = vector.shape_cast %broadcast_in_dim3A_462 : vector<16x1xi32> to vector<16xi32>
        %gather3A_464 = tpu.dynamic_gather %add3A_457[%gather3A_463] in [0] : vector<16xf32>, vector<16xi32> -> vector<16xf32>
        %add3A_465 = arith.addf %add3A_457, %gather3A_464 : vector<16xf32>
        %iota3A_466 = tpu.iota {dimensions = array<i32: 0>} : vector<16xi32>
        %xor3A_467 = arith.constant 1 : i32
        %xor3A_468 = vector.broadcast %xor3A_467 : i32 to vector<16xi32>
        %xor3A_469 = arith.xori %iota3A_466, %xor3A_468 : vector<16xi32>
        %broadcast_in_dim3A_470 = vector.shape_cast %xor3A_469 : vector<16xi32> to vector<16x1xi32>
        %gather3A_471 = vector.shape_cast %broadcast_in_dim3A_470 : vector<16x1xi32> to vector<16xi32>
        %gather3A_472 = tpu.dynamic_gather %add3A_465[%gather3A_471] in [0] : vector<16xf32>, vector<16xi32> -> vector<16xf32>
        %add3A_473 = arith.addf %add3A_465, %gather3A_472 : vector<16xf32>
        %mul3A_474 = arith.constant 7.812500e-03 : f32
        %mul3A_475 = vector.broadcast %mul3A_474 : f32 to vector<16xf32>
        %mul3A_476 = arith.mulf %add3A_473, %mul3A_475 : vector<16xf32>
        %iota3A_477 = tpu.iota {dimensions = array<i32: 0>} : vector<16xi32>
        %xor3A_478 = arith.constant 8 : i32
        %xor3A_479 = vector.broadcast %xor3A_478 : i32 to vector<16xi32>
        %xor3A_480 = arith.xori %iota3A_477, %xor3A_479 : vector<16xi32>
        %broadcast_in_dim3A_481 = vector.shape_cast %xor3A_480 : vector<16xi32> to vector<16x1xi32>
        %gather3A_482 = vector.shape_cast %broadcast_in_dim3A_481 : vector<16x1xi32> to vector<16xi32>
        %gather3A_483 = tpu.dynamic_gather %add3A_445[%gather3A_482] in [0] : vector<16xf32>, vector<16xi32> -> vector<16xf32>
        %add3A_484 = arith.addf %add3A_445, %gather3A_483 : vector<16xf32>
        %iota3A_485 = tpu.iota {dimensions = array<i32: 0>} : vector<16xi32>
        %xor3A_486 = arith.constant 4 : i32
        %xor3A_487 = vector.broadcast %xor3A_486 : i32 to vector<16xi32>
        %xor3A_488 = arith.xori %iota3A_485, %xor3A_487 : vector<16xi32>
        %broadcast_in_dim3A_489 = vector.shape_cast %xor3A_488 : vector<16xi32> to vector<16x1xi32>
        %gather3A_490 = vector.shape_cast %broadcast_in_dim3A_489 : vector<16x1xi32> to vector<16xi32>
        %gather3A_491 = tpu.dynamic_gather %add3A_484[%gather3A_490] in [0] : vector<16xf32>, vector<16xi32> -> vector<16xf32>
        %add3A_492 = arith.addf %add3A_484, %gather3A_491 : vector<16xf32>
        %iota3A_493 = tpu.iota {dimensions = array<i32: 0>} : vector<16xi32>
        %xor3A_494 = arith.constant 2 : i32
        %xor3A_495 = vector.broadcast %xor3A_494 : i32 to vector<16xi32>
        %xor3A_496 = arith.xori %iota3A_493, %xor3A_495 : vector<16xi32>
        %broadcast_in_dim3A_497 = vector.shape_cast %xor3A_496 : vector<16xi32> to vector<16x1xi32>
        %gather3A_498 = vector.shape_cast %broadcast_in_dim3A_497 : vector<16x1xi32> to vector<16xi32>
        %gather3A_499 = tpu.dynamic_gather %add3A_492[%gather3A_498] in [0] : vector<16xf32>, vector<16xi32> -> vector<16xf32>
        %add3A_500 = arith.addf %add3A_492, %gather3A_499 : vector<16xf32>
        %iota3A_501 = tpu.iota {dimensions = array<i32: 0>} : vector<16xi32>
        %xor3A_502 = arith.constant 1 : i32
        %xor3A_503 = vector.broadcast %xor3A_502 : i32 to vector<16xi32>
        %xor3A_504 = arith.xori %iota3A_501, %xor3A_503 : vector<16xi32>
        %broadcast_in_dim3A_505 = vector.shape_cast %xor3A_504 : vector<16xi32> to vector<16x1xi32>
        %gather3A_506 = vector.shape_cast %broadcast_in_dim3A_505 : vector<16x1xi32> to vector<16xi32>
        %gather3A_507 = tpu.dynamic_gather %add3A_500[%gather3A_506] in [0] : vector<16xf32>, vector<16xi32> -> vector<16xf32>
        %add3A_508 = arith.addf %add3A_500, %gather3A_507 : vector<16xf32>
        %mul3A_509 = arith.constant 7.812500e-03 : f32
        %mul3A_510 = vector.broadcast %mul3A_509 : f32 to vector<16xf32>
        %mul3A_511 = arith.mulf %add3A_508, %mul3A_510 : vector<16xf32>
        %mul3A_512 = arith.mulf %mul3A_476, %mul3A_476 : vector<16xf32>
        %sub3A_513 = arith.subf %mul3A_511, %mul3A_512 : vector<16xf32>
        %add3A_514 = arith.constant 9.99999996E-13 : f32
        %add3A_515 = vector.broadcast %add3A_514 : f32 to vector<16xf32>
        %add3A_516 = arith.addf %sub3A_513, %add3A_515 : vector<16xf32>
        %bitcast3A = vector.bitcast %add3A_516 : vector<16xf32> to vector<16xi32>
        %shift_right_arithmetic3A = arith.constant 1 : i32
        %shift_right_arithmetic3A_517 = vector.broadcast %shift_right_arithmetic3A : i32 to vector<16xi32>
        %shift_right_arithmetic3A_518 = arith.shrsi %bitcast3A, %shift_right_arithmetic3A_517 : vector<16xi32>
        %sub3A_519 = arith.constant 1597463007 : i32
        %sub3A_520 = vector.broadcast %sub3A_519 : i32 to vector<16xi32>
        %sub3A_521 = arith.subi %sub3A_520, %shift_right_arithmetic3A_518 : vector<16xi32>
        %bitcast3A_522 = vector.bitcast %sub3A_521 : vector<16xi32> to vector<16xf32>
        %mul3A_523 = arith.constant 5.000000e-01 : f32
        %mul3A_524 = vector.broadcast %mul3A_523 : f32 to vector<16xf32>
        %mul3A_525 = arith.mulf %add3A_516, %mul3A_524 : vector<16xf32>
        %mul3A_526 = arith.mulf %mul3A_525, %bitcast3A_522 : vector<16xf32>
        %mul3A_527 = arith.mulf %mul3A_526, %bitcast3A_522 : vector<16xf32>
        %sub3A_528 = arith.constant 1.500000e+00 : f32
        %sub3A_529 = vector.broadcast %sub3A_528 : f32 to vector<16xf32>
        %sub3A_530 = arith.subf %sub3A_529, %mul3A_527 : vector<16xf32>
        %mul3A_531 = arith.mulf %bitcast3A_522, %sub3A_530 : vector<16xf32>
        %mul3A_532 = arith.mulf %mul3A_525, %mul3A_531 : vector<16xf32>
        %mul3A_533 = arith.mulf %mul3A_532, %mul3A_531 : vector<16xf32>
        %sub3A_534 = arith.constant 1.500000e+00 : f32
        %sub3A_535 = vector.broadcast %sub3A_534 : f32 to vector<16xf32>
        %sub3A_536 = arith.subf %sub3A_535, %mul3A_533 : vector<16xf32>
        %mul3A_537 = arith.mulf %mul3A_531, %sub3A_536 : vector<16xf32>
        %mul3A_538 = arith.mulf %mul3A_525, %mul3A_537 : vector<16xf32>
        %mul3A_539 = arith.mulf %mul3A_538, %mul3A_537 : vector<16xf32>
        %sub3A_540 = arith.constant 1.500000e+00 : f32
        %sub3A_541 = vector.broadcast %sub3A_540 : f32 to vector<16xf32>
        %sub3A_542 = arith.subf %sub3A_541, %mul3A_539 : vector<16xf32>
        %mul3A_543 = arith.mulf %mul3A_537, %sub3A_542 : vector<16xf32>
        %sub3A_544 = arith.subf %add3A_346, %mul3A_476 : vector<16xf32>
        %mul3A_545 = arith.mulf %sub3A_544, %mul3A_543 : vector<16xf32>
        %mul3A_546 = arith.mulf %mul3A_545, %get3A_3 : vector<16xf32>
        %add3A_547 = arith.addf %mul3A_546, %get3A_19 : vector<16xf32>
        %swap3A = arith.index_cast %scan3A_335 : i32 to index
        %swap3A_548 = arith.constant 0 : index
        %swap3A_549 = tpu.vector_load %arg35[%swap3A, %swap3A_548] {strides = array<i32>} : memref<64x128xf32, #tpu.memory_space<vmem>>, vector<16xf32>,
        tpu.vector_store %arg35[%swap3A, %swap3A_548], %add3A_547 {strides = array<i32>} : memref<64x128xf32, #tpu.memory_space<vmem>>, vector<16xf32>,
        %sub3A_550 = arith.subf %add3A_357, %mul3A_476 : vector<16xf32>
        %mul3A_551 = arith.mulf %sub3A_550, %mul3A_543 : vector<16xf32>
        %mul3A_552 = arith.mulf %mul3A_551, %get3A_5 : vector<16xf32>
        %add3A_553 = arith.addf %mul3A_552, %get3A_21 : vector<16xf32>
        %swap3A_554 = arith.index_cast %scan3A_335 : i32 to index
        %swap3A_555 = arith.constant 16 : index
        %swap3A_556 = tpu.vector_load %arg35[%swap3A_554, %swap3A_555] {strides = array<i32>} : memref<64x128xf32, #tpu.memory_space<vmem>>, vector<16xf32>,
        tpu.vector_store %arg35[%swap3A_554, %swap3A_555], %add3A_553 {strides = array<i32>} : memref<64x128xf32, #tpu.memory_space<vmem>>, vector<16xf32>,
        %sub3A_557 = arith.subf %add3A_368, %mul3A_476 : vector<16xf32>
        %mul3A_558 = arith.mulf %sub3A_557, %mul3A_543 : vector<16xf32>
        %mul3A_559 = arith.mulf %mul3A_558, %get3A_7 : vector<16xf32>
        %add3A_560 = arith.addf %mul3A_559, %get3A_23 : vector<16xf32>
        %swap3A_561 = arith.index_cast %scan3A_335 : i32 to index
        %swap3A_562 = arith.constant 32 : index
        %swap3A_563 = tpu.vector_load %arg35[%swap3A_561, %swap3A_562] {strides = array<i32>} : memref<64x128xf32, #tpu.memory_space<vmem>>, vector<16xf32>,
        tpu.vector_store %arg35[%swap3A_561, %swap3A_562], %add3A_560 {strides = array<i32>} : memref<64x128xf32, #tpu.memory_space<vmem>>, vector<16xf32>,
        %sub3A_564 = arith.subf %add3A_379, %mul3A_476 : vector<16xf32>
        %mul3A_565 = arith.mulf %sub3A_564, %mul3A_543 : vector<16xf32>
        %mul3A_566 = arith.mulf %mul3A_565, %get3A_9 : vector<16xf32>
        %add3A_567 = arith.addf %mul3A_566, %get3A_25 : vector<16xf32>
        %swap3A_568 = arith.index_cast %scan3A_335 : i32 to index
        %swap3A_569 = arith.constant 48 : index
        %swap3A_570 = tpu.vector_load %arg35[%swap3A_568, %swap3A_569] {strides = array<i32>} : memref<64x128xf32, #tpu.memory_space<vmem>>, vector<16xf32>,
        tpu.vector_store %arg35[%swap3A_568, %swap3A_569], %add3A_567 {strides = array<i32>} : memref<64x128xf32, #tpu.memory_space<vmem>>, vector<16xf32>,
        %sub3A_571 = arith.subf %add3A_390, %mul3A_476 : vector<16xf32>
        %mul3A_572 = arith.mulf %sub3A_571, %mul3A_543 : vector<16xf32>
        %mul3A_573 = arith.mulf %mul3A_572, %get3A_11 : vector<16xf32>
        %add3A_574 = arith.addf %mul3A_573, %get3A_27 : vector<16xf32>
        %swap3A_575 = arith.index_cast %scan3A_335 : i32 to index
        %swap3A_576 = arith.constant 64 : index
        %swap3A_577 = tpu.vector_load %arg35[%swap3A_575, %swap3A_576] {strides = array<i32>} : memref<64x128xf32, #tpu.memory_space<vmem>>, vector<16xf32>,
        tpu.vector_store %arg35[%swap3A_575, %swap3A_576], %add3A_574 {strides = array<i32>} : memref<64x128xf32, #tpu.memory_space<vmem>>, vector<16xf32>,
        %sub3A_578 = arith.subf %add3A_401, %mul3A_476 : vector<16xf32>
        %mul3A_579 = arith.mulf %sub3A_578, %mul3A_543 : vector<16xf32>
        %mul3A_580 = arith.mulf %mul3A_579, %get3A_13 : vector<16xf32>
        %add3A_581 = arith.addf %mul3A_580, %get3A_29 : vector<16xf32>
        %swap3A_582 = arith.index_cast %scan3A_335 : i32 to index
        %swap3A_583 = arith.constant 80 : index
        %swap3A_584 = tpu.vector_load %arg35[%swap3A_582, %swap3A_583] {strides = array<i32>} : memref<64x128xf32, #tpu.memory_space<vmem>>, vector<16xf32>,
        tpu.vector_store %arg35[%swap3A_582, %swap3A_583], %add3A_581 {strides = array<i32>} : memref<64x128xf32, #tpu.memory_space<vmem>>, vector<16xf32>,
        %sub3A_585 = arith.subf %add3A_412, %mul3A_476 : vector<16xf32>
        %mul3A_586 = arith.mulf %sub3A_585, %mul3A_543 : vector<16xf32>
        %mul3A_587 = arith.mulf %mul3A_586, %get3A_15 : vector<16xf32>
        %add3A_588 = arith.addf %mul3A_587, %get3A_31 : vector<16xf32>
        %swap3A_589 = arith.index_cast %scan3A_335 : i32 to index
        %swap3A_590 = arith.constant 96 : index
        %swap3A_591 = tpu.vector_load %arg35[%swap3A_589, %swap3A_590] {strides = array<i32>} : memref<64x128xf32, #tpu.memory_space<vmem>>, vector<16xf32>,
        tpu.vector_store %arg35[%swap3A_589, %swap3A_590], %add3A_588 {strides = array<i32>} : memref<64x128xf32, #tpu.memory_space<vmem>>, vector<16xf32>,
        %sub3A_592 = arith.subf %add3A_423, %mul3A_476 : vector<16xf32>
        %mul3A_593 = arith.mulf %sub3A_592, %mul3A_543 : vector<16xf32>
        %mul3A_594 = arith.mulf %mul3A_593, %get3A_17 : vector<16xf32>
        %add3A_595 = arith.addf %mul3A_594, %get3A_33 : vector<16xf32>
        %swap3A_596 = arith.index_cast %scan3A_335 : i32 to index
        %swap3A_597 = arith.constant 112 : index
        %swap3A_598 = tpu.vector_load %arg35[%swap3A_596, %swap3A_597] {strides = array<i32>} : memref<64x128xf32, #tpu.memory_space<vmem>>, vector<16xf32>,
        tpu.vector_store %arg35[%swap3A_596, %swap3A_597], %add3A_595 {strides = array<i32>} : memref<64x128xf32, #tpu.memory_space<vmem>>, vector<16xf32>,
      }
      %scan3A_230 = arith.constant 64 : i32
      %mul3A_231 = arith.constant 64 : i32
      %mul3A_232 = arith.muli %add3A_194, %mul3A_231 : i32
      %add3A_233 = arith.addi %mul3A_2, %mul3A_232 : i32
      %multiple_of3A_234 = tpu.assume_multiple %add3A_233, 64 : i32
      %dma_start3A_235 = arith.constant 0 : i32
      %dma_start3A_236 = tpu.memref_slice %arg9[%multiple_of3A_234, %dma_start3A_235] : memref<819200x128xf32, #tpu.memory_space<hbm>> -> memref<64x128xf32, #tpu.memory_space<hbm>>
      %dma_start3A_237 = arith.constant 0 : i32
      %dma_start3A_238 = tpu.memref_slice %arg9[%multiple_of3A_234, %dma_start3A_237] : memref<819200x128xf32, #tpu.memory_space<hbm>> -> memref<64x128xf32, #tpu.memory_space<hbm>>
      tpu.enqueue_dma source(%arg35 : memref<64x128xf32, #tpu.memory_space<vmem>>) target(%dma_start3A_238 : memref<64x128xf32, #tpu.memory_space<hbm>>) target_semaphore(%arg51 : memref<!tpu.dma_semaphore, #tpu.memory_space<semaphore_mem>>)
      %mul3A_239 = arith.constant 4 : i32
      %mul3A_240 = arith.muli %mul3A_239, %scan3A_147 : i32
      %add3A_241 = arith.constant 2 : i32
      %add3A_242 = arith.addi %mul3A_240, %add3A_241 : i32
      %dma_wait3A_243 = arith.constant 0 : i32
      %dma_wait3A_244 = arith.constant 0 : i32
      %dma_wait3A_245 = tpu.memref_slice %arg5[%dma_wait3A_243, %dma_wait3A_244] : memref<100000x128xf32, #tpu.memory_space<hbm>> -> memref<100000x128xf32, #tpu.memory_space<hbm>>
      tpu.wait_indirect_dma semaphore(%arg44 : memref<!tpu.dma_semaphore, #tpu.memory_space<semaphore_mem>>) src(%dma_wait3A_245 : memref<100000x128xf32, #tpu.memory_space<hbm>>) dst(%arg28 : memref<64x128xf32, #tpu.memory_space<vmem>>)
      %dma_wait3A_246 = arith.constant 0 : i32
      %dma_wait3A_247 = arith.constant 0 : i32
      %dma_wait3A_248 = tpu.memref_slice %arg6[%dma_wait3A_246, %dma_wait3A_247] : memref<100000x128xf32, #tpu.memory_space<hbm>> -> memref<100000x128xf32, #tpu.memory_space<hbm>>
      tpu.wait_indirect_dma semaphore(%arg45 : memref<!tpu.dma_semaphore, #tpu.memory_space<semaphore_mem>>) src(%dma_wait3A_248 : memref<100000x128xf32, #tpu.memory_space<hbm>>) dst(%arg29 : memref<64x128xf32, #tpu.memory_space<vmem>>)
      %dma_wait3A_249 = arith.constant 0 : i32
      %dma_wait3A_250 = arith.constant 0 : i32
      %dma_wait3A_251 = tpu.memref_slice %arg6[%dma_wait3A_249, %dma_wait3A_250] : memref<100000x128xf32, #tpu.memory_space<hbm>> -> memref<100000x128xf32, #tpu.memory_space<hbm>>
      tpu.wait_indirect_dma semaphore(%arg46 : memref<!tpu.dma_semaphore, #tpu.memory_space<semaphore_mem>>) src(%dma_wait3A_251 : memref<100000x128xf32, #tpu.memory_space<hbm>>) dst(%arg30 : memref<64x128xf32, #tpu.memory_space<vmem>>)
      %add3A_252 = arith.constant 4 : i32
      %add3A_253 = arith.addi %add3A_242, %add3A_252 : i32
      %sub3A_254 = arith.constant 1 : i32
      %sub3A_255 = arith.subi %add3A_253, %sub3A_254 : i32
      %lt3A_256 = arith.constant 400 : i32
      %lt3A_257 = arith.cmpi slt, %sub3A_255, %lt3A_256 : i32
      %convert_element_type3A_258 = arith.extui %lt3A_257 : i1 to i32
      %cond3A_259 = arith.constant 0 : i32
      %cond3A_260 = arith.cmpi ne, %convert_element_type3A_258, %cond3A_259 : i32
      scf.if %cond3A_260 {
        %dma_wait3A_335 = arith.constant 0 : i32
        %dma_wait3A_336 = tpu.memref_slice %arg2[%dma_wait3A_335] : memref<819200xi32, #tpu.memory_space<hbm>> -> memref<64xi32, #tpu.memory_space<hbm>>
        %dma_wait3A_337 = arith.constant 0 : i32
        %dma_wait3A_338 = tpu.memref_slice %arg2[%dma_wait3A_337] : memref<819200xi32, #tpu.memory_space<hbm>> -> memref<64xi32, #tpu.memory_space<hbm>>
        tpu.wait_dma2 semaphore(%arg53 : memref<!tpu.dma_semaphore, #tpu.memory_space<semaphore_mem>>) src(%dma_wait3A_338 : memref<64xi32, #tpu.memory_space<hbm>>) dst(%arg13 : memref<64xi32, #tpu.memory_space<vmem>>)
        %dma_wait3A_339 = arith.constant 0 : i32
        %dma_wait3A_340 = tpu.memref_slice %arg3[%dma_wait3A_339] : memref<819200xi32, #tpu.memory_space<hbm>> -> memref<64xi32, #tpu.memory_space<hbm>>
        %dma_wait3A_341 = arith.constant 0 : i32
        %dma_wait3A_342 = tpu.memref_slice %arg3[%dma_wait3A_341] : memref<819200xi32, #tpu.memory_space<hbm>> -> memref<64xi32, #tpu.memory_space<hbm>>
        tpu.wait_dma2 semaphore(%arg53 : memref<!tpu.dma_semaphore, #tpu.memory_space<semaphore_mem>>) src(%dma_wait3A_342 : memref<64xi32, #tpu.memory_space<hbm>>) dst(%arg14 : memref<64xi32, #tpu.memory_space<vmem>>)
        %dma_wait3A_343 = arith.constant 0 : i32
        %dma_wait3A_344 = tpu.memref_slice %arg4[%dma_wait3A_343] : memref<819200xi32, #tpu.memory_space<hbm>> -> memref<64xi32, #tpu.memory_space<hbm>>
        %dma_wait3A_345 = arith.constant 0 : i32
        %dma_wait3A_346 = tpu.memref_slice %arg4[%dma_wait3A_345] : memref<819200xi32, #tpu.memory_space<hbm>> -> memref<64xi32, #tpu.memory_space<hbm>>
        tpu.wait_dma2 semaphore(%arg53 : memref<!tpu.dma_semaphore, #tpu.memory_space<semaphore_mem>>) src(%dma_wait3A_346 : memref<64xi32, #tpu.memory_space<hbm>>) dst(%arg15 : memref<64xi32, #tpu.memory_space<vmem>>)
        %dma_start3A_347 = arith.constant 0 : i32
        %dma_start3A_348 = arith.constant 0 : i32
        %dma_start3A_349 = tpu.memref_slice %arg5[%dma_start3A_347, %dma_start3A_348] : memref<100000x128xf32, #tpu.memory_space<hbm>> -> memref<100000x128xf32, #tpu.memory_space<hbm>>
        tpu.enqueue_indirect_dma source(%dma_start3A_349 : memref<100000x128xf32, #tpu.memory_space<hbm>>) target(%arg25 : memref<64x128xf32, #tpu.memory_space<vmem>>) offsets(%arg13 : memref<64xi32, #tpu.memory_space<vmem>>) semaphore(%arg41 : memref<!tpu.dma_semaphore, #tpu.memory_space<semaphore_mem>>)
        %dma_start3A_350 = arith.constant 0 : i32
        %dma_start3A_351 = arith.constant 0 : i32
        %dma_start3A_352 = tpu.memref_slice %arg6[%dma_start3A_350, %dma_start3A_351] : memref<100000x128xf32, #tpu.memory_space<hbm>> -> memref<100000x128xf32, #tpu.memory_space<hbm>>
        tpu.enqueue_indirect_dma source(%dma_start3A_352 : memref<100000x128xf32, #tpu.memory_space<hbm>>) target(%arg26 : memref<64x128xf32, #tpu.memory_space<vmem>>) offsets(%arg14 : memref<64xi32, #tpu.memory_space<vmem>>) semaphore(%arg42 : memref<!tpu.dma_semaphore, #tpu.memory_space<semaphore_mem>>)
        %dma_start3A_353 = arith.constant 0 : i32
        %dma_start3A_354 = arith.constant 0 : i32
        %dma_start3A_355 = tpu.memref_slice %arg6[%dma_start3A_353, %dma_start3A_354] : memref<100000x128xf32, #tpu.memory_space<hbm>> -> memref<100000x128xf32, #tpu.memory_space<hbm>>
        tpu.enqueue_indirect_dma source(%dma_start3A_355 : memref<100000x128xf32, #tpu.memory_space<hbm>>) target(%arg27 : memref<64x128xf32, #tpu.memory_space<vmem>>) offsets(%arg15 : memref<64xi32, #tpu.memory_space<vmem>>) semaphore(%arg43 : memref<!tpu.dma_semaphore, #tpu.memory_space<semaphore_mem>>)
      } else {
      }
      %add3A_261 = arith.constant 4 : i32
      %add3A_262 = arith.addi %add3A_242, %add3A_261 : i32
      %lt3A_263 = arith.constant 400 : i32
      %lt3A_264 = arith.cmpi slt, %add3A_262, %lt3A_263 : i32
      %convert_element_type3A_265 = arith.extui %lt3A_264 : i1 to i32
      %cond3A_266 = arith.constant 0 : i32
      %cond3A_267 = arith.cmpi ne, %convert_element_type3A_265, %cond3A_266 : i32
      scf.if %cond3A_267 {
        %add3A_335 = arith.constant 4 : i32
        %add3A_336 = arith.addi %add3A_242, %add3A_335 : i32
        %mul3A_337 = arith.constant 64 : i32
        %mul3A_338 = arith.muli %add3A_336, %mul3A_337 : i32
        %add3A_339 = arith.addi %mul3A_2, %mul3A_338 : i32
        %multiple_of3A_340 = tpu.assume_multiple %add3A_339, 64 : i32
        %dma_start3A_341 = tpu.memref_slice %arg2[%multiple_of3A_340] : memref<819200xi32, #tpu.memory_space<hbm>> -> memref<64xi32, #tpu.memory_space<hbm>>
        %dma_start3A_342 = tpu.memref_slice %arg2[%multiple_of3A_340] : memref<819200xi32, #tpu.memory_space<hbm>> -> memref<64xi32, #tpu.memory_space<hbm>>
        tpu.enqueue_dma source(%dma_start3A_342 : memref<64xi32, #tpu.memory_space<hbm>>) target(%arg16 : memref<64xi32, #tpu.memory_space<vmem>>) target_semaphore(%arg54 : memref<!tpu.dma_semaphore, #tpu.memory_space<semaphore_mem>>)
        %dma_start3A_343 = tpu.memref_slice %arg3[%multiple_of3A_340] : memref<819200xi32, #tpu.memory_space<hbm>> -> memref<64xi32, #tpu.memory_space<hbm>>
        %dma_start3A_344 = tpu.memref_slice %arg3[%multiple_of3A_340] : memref<819200xi32, #tpu.memory_space<hbm>> -> memref<64xi32, #tpu.memory_space<hbm>>
        tpu.enqueue_dma source(%dma_start3A_344 : memref<64xi32, #tpu.memory_space<hbm>>) target(%arg17 : memref<64xi32, #tpu.memory_space<vmem>>) target_semaphore(%arg54 : memref<!tpu.dma_semaphore, #tpu.memory_space<semaphore_mem>>)
        %dma_start3A_345 = tpu.memref_slice %arg4[%multiple_of3A_340] : memref<819200xi32, #tpu.memory_space<hbm>> -> memref<64xi32, #tpu.memory_space<hbm>>
        %dma_start3A_346 = tpu.memref_slice %arg4[%multiple_of3A_340] : memref<819200xi32, #tpu.memory_space<hbm>> -> memref<64xi32, #tpu.memory_space<hbm>>
        tpu.enqueue_dma source(%dma_start3A_346 : memref<64xi32, #tpu.memory_space<hbm>>) target(%arg18 : memref<64xi32, #tpu.memory_space<vmem>>) target_semaphore(%arg54 : memref<!tpu.dma_semaphore, #tpu.memory_space<semaphore_mem>>)
      } else {
      }
      %ge3A_268 = arith.constant 2 : i32
      %ge3A_269 = arith.cmpi sge, %add3A_242, %ge3A_268 : i32
      %convert_element_type3A_270 = arith.extui %ge3A_269 : i1 to i32
      %cond3A_271 = arith.constant 0 : i32
      %cond3A_272 = arith.cmpi ne, %convert_element_type3A_270, %cond3A_271 : i32
      scf.if %cond3A_272 {
        %dma_wait3A_335 = arith.constant 0 : i32
        %dma_wait3A_336 = arith.constant 0 : i32
        %dma_wait3A_337 = tpu.memref_slice %arg9[%dma_wait3A_335, %dma_wait3A_336] : memref<819200x128xf32, #tpu.memory_space<hbm>> -> memref<64x128xf32, #tpu.memory_space<hbm>>
        %dma_wait3A_338 = arith.constant 0 : i32
        %dma_wait3A_339 = arith.constant 0 : i32
        %dma_wait3A_340 = tpu.memref_slice %arg9[%dma_wait3A_338, %dma_wait3A_339] : memref<819200x128xf32, #tpu.memory_space<hbm>> -> memref<64x128xf32, #tpu.memory_space<hbm>>
        tpu.wait_dma2 semaphore(%arg50 : memref<!tpu.dma_semaphore, #tpu.memory_space<semaphore_mem>>) src(%arg34 : memref<64x128xf32, #tpu.memory_space<vmem>>) dst(%dma_wait3A_340 : memref<64x128xf32, #tpu.memory_space<hbm>>)
      } else {
      }
      %scan3A_273 = arith.constant 0 : i32
      %scan3A_274 = arith.constant 0 : i32
      %scan3A_275 = arith.constant 64 : i32
      %scan3A_276 = arith.addi %scan3A_274, %scan3A_275 : i32
      %scan3A_277 = arith.constant 1 : i32
      scf.for %scan3A_335 = %scan3A_274 to %scan3A_276 step %scan3A_277  : i32 {
        %get3A_336 = arith.index_cast %scan3A_335 : i32 to index
        %get3A_337 = arith.constant 0 : index
        %get3A_338 = tpu.vector_load %arg28[%get3A_336, %get3A_337] {strides = array<i32>} : memref<64x128xf32, #tpu.memory_space<vmem>>, vector<16xf32>,
        %get3A_339 = arith.index_cast %scan3A_335 : i32 to index
        %get3A_340 = arith.constant 0 : index
        %get3A_341 = tpu.vector_load %arg29[%get3A_339, %get3A_340] {strides = array<i32>} : memref<64x128xf32, #tpu.memory_space<vmem>>, vector<16xf32>,
        %add3A_342 = arith.addf %get3A_338, %get3A_341 : vector<16xf32>
        %get3A_343 = arith.index_cast %scan3A_335 : i32 to index
        %get3A_344 = arith.constant 0 : index
        %get3A_345 = tpu.vector_load %arg30[%get3A_343, %get3A_344] {strides = array<i32>} : memref<64x128xf32, #tpu.memory_space<vmem>>, vector<16xf32>,
        %add3A_346 = arith.addf %add3A_342, %get3A_345 : vector<16xf32>
        %get3A_347 = arith.index_cast %scan3A_335 : i32 to index
        %get3A_348 = arith.constant 16 : index
        %get3A_349 = tpu.vector_load %arg28[%get3A_347, %get3A_348] {strides = array<i32>} : memref<64x128xf32, #tpu.memory_space<vmem>>, vector<16xf32>,
        %get3A_350 = arith.index_cast %scan3A_335 : i32 to index
        %get3A_351 = arith.constant 16 : index
        %get3A_352 = tpu.vector_load %arg29[%get3A_350, %get3A_351] {strides = array<i32>} : memref<64x128xf32, #tpu.memory_space<vmem>>, vector<16xf32>,
        %add3A_353 = arith.addf %get3A_349, %get3A_352 : vector<16xf32>
        %get3A_354 = arith.index_cast %scan3A_335 : i32 to index
        %get3A_355 = arith.constant 16 : index
        %get3A_356 = tpu.vector_load %arg30[%get3A_354, %get3A_355] {strides = array<i32>} : memref<64x128xf32, #tpu.memory_space<vmem>>, vector<16xf32>,
        %add3A_357 = arith.addf %add3A_353, %get3A_356 : vector<16xf32>
        %get3A_358 = arith.index_cast %scan3A_335 : i32 to index
        %get3A_359 = arith.constant 32 : index
        %get3A_360 = tpu.vector_load %arg28[%get3A_358, %get3A_359] {strides = array<i32>} : memref<64x128xf32, #tpu.memory_space<vmem>>, vector<16xf32>,
        %get3A_361 = arith.index_cast %scan3A_335 : i32 to index
        %get3A_362 = arith.constant 32 : index
        %get3A_363 = tpu.vector_load %arg29[%get3A_361, %get3A_362] {strides = array<i32>} : memref<64x128xf32, #tpu.memory_space<vmem>>, vector<16xf32>,
        %add3A_364 = arith.addf %get3A_360, %get3A_363 : vector<16xf32>
        %get3A_365 = arith.index_cast %scan3A_335 : i32 to index
        %get3A_366 = arith.constant 32 : index
        %get3A_367 = tpu.vector_load %arg30[%get3A_365, %get3A_366] {strides = array<i32>} : memref<64x128xf32, #tpu.memory_space<vmem>>, vector<16xf32>,
        %add3A_368 = arith.addf %add3A_364, %get3A_367 : vector<16xf32>
        %get3A_369 = arith.index_cast %scan3A_335 : i32 to index
        %get3A_370 = arith.constant 48 : index
        %get3A_371 = tpu.vector_load %arg28[%get3A_369, %get3A_370] {strides = array<i32>} : memref<64x128xf32, #tpu.memory_space<vmem>>, vector<16xf32>,
        %get3A_372 = arith.index_cast %scan3A_335 : i32 to index
        %get3A_373 = arith.constant 48 : index
        %get3A_374 = tpu.vector_load %arg29[%get3A_372, %get3A_373] {strides = array<i32>} : memref<64x128xf32, #tpu.memory_space<vmem>>, vector<16xf32>,
        %add3A_375 = arith.addf %get3A_371, %get3A_374 : vector<16xf32>
        %get3A_376 = arith.index_cast %scan3A_335 : i32 to index
        %get3A_377 = arith.constant 48 : index
        %get3A_378 = tpu.vector_load %arg30[%get3A_376, %get3A_377] {strides = array<i32>} : memref<64x128xf32, #tpu.memory_space<vmem>>, vector<16xf32>,
        %add3A_379 = arith.addf %add3A_375, %get3A_378 : vector<16xf32>
        %get3A_380 = arith.index_cast %scan3A_335 : i32 to index
        %get3A_381 = arith.constant 64 : index
        %get3A_382 = tpu.vector_load %arg28[%get3A_380, %get3A_381] {strides = array<i32>} : memref<64x128xf32, #tpu.memory_space<vmem>>, vector<16xf32>,
        %get3A_383 = arith.index_cast %scan3A_335 : i32 to index
        %get3A_384 = arith.constant 64 : index
        %get3A_385 = tpu.vector_load %arg29[%get3A_383, %get3A_384] {strides = array<i32>} : memref<64x128xf32, #tpu.memory_space<vmem>>, vector<16xf32>,
        %add3A_386 = arith.addf %get3A_382, %get3A_385 : vector<16xf32>
        %get3A_387 = arith.index_cast %scan3A_335 : i32 to index
        %get3A_388 = arith.constant 64 : index
        %get3A_389 = tpu.vector_load %arg30[%get3A_387, %get3A_388] {strides = array<i32>} : memref<64x128xf32, #tpu.memory_space<vmem>>, vector<16xf32>,
        %add3A_390 = arith.addf %add3A_386, %get3A_389 : vector<16xf32>
        %get3A_391 = arith.index_cast %scan3A_335 : i32 to index
        %get3A_392 = arith.constant 80 : index
        %get3A_393 = tpu.vector_load %arg28[%get3A_391, %get3A_392] {strides = array<i32>} : memref<64x128xf32, #tpu.memory_space<vmem>>, vector<16xf32>,
        %get3A_394 = arith.index_cast %scan3A_335 : i32 to index
        %get3A_395 = arith.constant 80 : index
        %get3A_396 = tpu.vector_load %arg29[%get3A_394, %get3A_395] {strides = array<i32>} : memref<64x128xf32, #tpu.memory_space<vmem>>, vector<16xf32>,
        %add3A_397 = arith.addf %get3A_393, %get3A_396 : vector<16xf32>
        %get3A_398 = arith.index_cast %scan3A_335 : i32 to index
        %get3A_399 = arith.constant 80 : index
        %get3A_400 = tpu.vector_load %arg30[%get3A_398, %get3A_399] {strides = array<i32>} : memref<64x128xf32, #tpu.memory_space<vmem>>, vector<16xf32>,
        %add3A_401 = arith.addf %add3A_397, %get3A_400 : vector<16xf32>
        %get3A_402 = arith.index_cast %scan3A_335 : i32 to index
        %get3A_403 = arith.constant 96 : index
        %get3A_404 = tpu.vector_load %arg28[%get3A_402, %get3A_403] {strides = array<i32>} : memref<64x128xf32, #tpu.memory_space<vmem>>, vector<16xf32>,
        %get3A_405 = arith.index_cast %scan3A_335 : i32 to index
        %get3A_406 = arith.constant 96 : index
        %get3A_407 = tpu.vector_load %arg29[%get3A_405, %get3A_406] {strides = array<i32>} : memref<64x128xf32, #tpu.memory_space<vmem>>, vector<16xf32>,
        %add3A_408 = arith.addf %get3A_404, %get3A_407 : vector<16xf32>
        %get3A_409 = arith.index_cast %scan3A_335 : i32 to index
        %get3A_410 = arith.constant 96 : index
        %get3A_411 = tpu.vector_load %arg30[%get3A_409, %get3A_410] {strides = array<i32>} : memref<64x128xf32, #tpu.memory_space<vmem>>, vector<16xf32>,
        %add3A_412 = arith.addf %add3A_408, %get3A_411 : vector<16xf32>
        %get3A_413 = arith.index_cast %scan3A_335 : i32 to index
        %get3A_414 = arith.constant 112 : index
        %get3A_415 = tpu.vector_load %arg28[%get3A_413, %get3A_414] {strides = array<i32>} : memref<64x128xf32, #tpu.memory_space<vmem>>, vector<16xf32>,
        %get3A_416 = arith.index_cast %scan3A_335 : i32 to index
        %get3A_417 = arith.constant 112 : index
        %get3A_418 = tpu.vector_load %arg29[%get3A_416, %get3A_417] {strides = array<i32>} : memref<64x128xf32, #tpu.memory_space<vmem>>, vector<16xf32>,
        %add3A_419 = arith.addf %get3A_415, %get3A_418 : vector<16xf32>
        %get3A_420 = arith.index_cast %scan3A_335 : i32 to index
        %get3A_421 = arith.constant 112 : index
        %get3A_422 = tpu.vector_load %arg30[%get3A_420, %get3A_421] {strides = array<i32>} : memref<64x128xf32, #tpu.memory_space<vmem>>, vector<16xf32>,
        %add3A_423 = arith.addf %add3A_419, %get3A_422 : vector<16xf32>
        %add3A_424 = arith.addf %add3A_346, %add3A_357 : vector<16xf32>
        %add3A_425 = arith.addf %add3A_368, %add3A_379 : vector<16xf32>
        %add3A_426 = arith.addf %add3A_424, %add3A_425 : vector<16xf32>
        %add3A_427 = arith.addf %add3A_390, %add3A_401 : vector<16xf32>
        %add3A_428 = arith.addf %add3A_412, %add3A_423 : vector<16xf32>
        %add3A_429 = arith.addf %add3A_427, %add3A_428 : vector<16xf32>
        %add3A_430 = arith.addf %add3A_426, %add3A_429 : vector<16xf32>
        %mul3A_431 = arith.mulf %add3A_346, %add3A_346 : vector<16xf32>
        %mul3A_432 = arith.mulf %add3A_357, %add3A_357 : vector<16xf32>
        %mul3A_433 = arith.mulf %add3A_368, %add3A_368 : vector<16xf32>
        %mul3A_434 = arith.mulf %add3A_379, %add3A_379 : vector<16xf32>
        %mul3A_435 = arith.mulf %add3A_390, %add3A_390 : vector<16xf32>
        %mul3A_436 = arith.mulf %add3A_401, %add3A_401 : vector<16xf32>
        %mul3A_437 = arith.mulf %add3A_412, %add3A_412 : vector<16xf32>
        %mul3A_438 = arith.mulf %add3A_423, %add3A_423 : vector<16xf32>
        %add3A_439 = arith.addf %mul3A_431, %mul3A_432 : vector<16xf32>
        %add3A_440 = arith.addf %mul3A_433, %mul3A_434 : vector<16xf32>
        %add3A_441 = arith.addf %add3A_439, %add3A_440 : vector<16xf32>
        %add3A_442 = arith.addf %mul3A_435, %mul3A_436 : vector<16xf32>
        %add3A_443 = arith.addf %mul3A_437, %mul3A_438 : vector<16xf32>
        %add3A_444 = arith.addf %add3A_442, %add3A_443 : vector<16xf32>
        %add3A_445 = arith.addf %add3A_441, %add3A_444 : vector<16xf32>
        %iota3A = tpu.iota {dimensions = array<i32: 0>} : vector<16xi32>
        %xor3A = arith.constant 8 : i32
        %xor3A_446 = vector.broadcast %xor3A : i32 to vector<16xi32>
        %xor3A_447 = arith.xori %iota3A, %xor3A_446 : vector<16xi32>
        %broadcast_in_dim3A = vector.shape_cast %xor3A_447 : vector<16xi32> to vector<16x1xi32>
        %gather3A = vector.shape_cast %broadcast_in_dim3A : vector<16x1xi32> to vector<16xi32>
        %gather3A_448 = tpu.dynamic_gather %add3A_430[%gather3A] in [0] : vector<16xf32>, vector<16xi32> -> vector<16xf32>
        %add3A_449 = arith.addf %add3A_430, %gather3A_448 : vector<16xf32>
        %iota3A_450 = tpu.iota {dimensions = array<i32: 0>} : vector<16xi32>
        %xor3A_451 = arith.constant 4 : i32
        %xor3A_452 = vector.broadcast %xor3A_451 : i32 to vector<16xi32>
        %xor3A_453 = arith.xori %iota3A_450, %xor3A_452 : vector<16xi32>
        %broadcast_in_dim3A_454 = vector.shape_cast %xor3A_453 : vector<16xi32> to vector<16x1xi32>
        %gather3A_455 = vector.shape_cast %broadcast_in_dim3A_454 : vector<16x1xi32> to vector<16xi32>
        %gather3A_456 = tpu.dynamic_gather %add3A_449[%gather3A_455] in [0] : vector<16xf32>, vector<16xi32> -> vector<16xf32>
        %add3A_457 = arith.addf %add3A_449, %gather3A_456 : vector<16xf32>
        %iota3A_458 = tpu.iota {dimensions = array<i32: 0>} : vector<16xi32>
        %xor3A_459 = arith.constant 2 : i32
        %xor3A_460 = vector.broadcast %xor3A_459 : i32 to vector<16xi32>
        %xor3A_461 = arith.xori %iota3A_458, %xor3A_460 : vector<16xi32>
        %broadcast_in_dim3A_462 = vector.shape_cast %xor3A_461 : vector<16xi32> to vector<16x1xi32>
        %gather3A_463 = vector.shape_cast %broadcast_in_dim3A_462 : vector<16x1xi32> to vector<16xi32>
        %gather3A_464 = tpu.dynamic_gather %add3A_457[%gather3A_463] in [0] : vector<16xf32>, vector<16xi32> -> vector<16xf32>
        %add3A_465 = arith.addf %add3A_457, %gather3A_464 : vector<16xf32>
        %iota3A_466 = tpu.iota {dimensions = array<i32: 0>} : vector<16xi32>
        %xor3A_467 = arith.constant 1 : i32
        %xor3A_468 = vector.broadcast %xor3A_467 : i32 to vector<16xi32>
        %xor3A_469 = arith.xori %iota3A_466, %xor3A_468 : vector<16xi32>
        %broadcast_in_dim3A_470 = vector.shape_cast %xor3A_469 : vector<16xi32> to vector<16x1xi32>
        %gather3A_471 = vector.shape_cast %broadcast_in_dim3A_470 : vector<16x1xi32> to vector<16xi32>
        %gather3A_472 = tpu.dynamic_gather %add3A_465[%gather3A_471] in [0] : vector<16xf32>, vector<16xi32> -> vector<16xf32>
        %add3A_473 = arith.addf %add3A_465, %gather3A_472 : vector<16xf32>
        %mul3A_474 = arith.constant 7.812500e-03 : f32
        %mul3A_475 = vector.broadcast %mul3A_474 : f32 to vector<16xf32>
        %mul3A_476 = arith.mulf %add3A_473, %mul3A_475 : vector<16xf32>
        %iota3A_477 = tpu.iota {dimensions = array<i32: 0>} : vector<16xi32>
        %xor3A_478 = arith.constant 8 : i32
        %xor3A_479 = vector.broadcast %xor3A_478 : i32 to vector<16xi32>
        %xor3A_480 = arith.xori %iota3A_477, %xor3A_479 : vector<16xi32>
        %broadcast_in_dim3A_481 = vector.shape_cast %xor3A_480 : vector<16xi32> to vector<16x1xi32>
        %gather3A_482 = vector.shape_cast %broadcast_in_dim3A_481 : vector<16x1xi32> to vector<16xi32>
        %gather3A_483 = tpu.dynamic_gather %add3A_445[%gather3A_482] in [0] : vector<16xf32>, vector<16xi32> -> vector<16xf32>
        %add3A_484 = arith.addf %add3A_445, %gather3A_483 : vector<16xf32>
        %iota3A_485 = tpu.iota {dimensions = array<i32: 0>} : vector<16xi32>
        %xor3A_486 = arith.constant 4 : i32
        %xor3A_487 = vector.broadcast %xor3A_486 : i32 to vector<16xi32>
        %xor3A_488 = arith.xori %iota3A_485, %xor3A_487 : vector<16xi32>
        %broadcast_in_dim3A_489 = vector.shape_cast %xor3A_488 : vector<16xi32> to vector<16x1xi32>
        %gather3A_490 = vector.shape_cast %broadcast_in_dim3A_489 : vector<16x1xi32> to vector<16xi32>
        %gather3A_491 = tpu.dynamic_gather %add3A_484[%gather3A_490] in [0] : vector<16xf32>, vector<16xi32> -> vector<16xf32>
        %add3A_492 = arith.addf %add3A_484, %gather3A_491 : vector<16xf32>
        %iota3A_493 = tpu.iota {dimensions = array<i32: 0>} : vector<16xi32>
        %xor3A_494 = arith.constant 2 : i32
        %xor3A_495 = vector.broadcast %xor3A_494 : i32 to vector<16xi32>
        %xor3A_496 = arith.xori %iota3A_493, %xor3A_495 : vector<16xi32>
        %broadcast_in_dim3A_497 = vector.shape_cast %xor3A_496 : vector<16xi32> to vector<16x1xi32>
        %gather3A_498 = vector.shape_cast %broadcast_in_dim3A_497 : vector<16x1xi32> to vector<16xi32>
        %gather3A_499 = tpu.dynamic_gather %add3A_492[%gather3A_498] in [0] : vector<16xf32>, vector<16xi32> -> vector<16xf32>
        %add3A_500 = arith.addf %add3A_492, %gather3A_499 : vector<16xf32>
        %iota3A_501 = tpu.iota {dimensions = array<i32: 0>} : vector<16xi32>
        %xor3A_502 = arith.constant 1 : i32
        %xor3A_503 = vector.broadcast %xor3A_502 : i32 to vector<16xi32>
        %xor3A_504 = arith.xori %iota3A_501, %xor3A_503 : vector<16xi32>
        %broadcast_in_dim3A_505 = vector.shape_cast %xor3A_504 : vector<16xi32> to vector<16x1xi32>
        %gather3A_506 = vector.shape_cast %broadcast_in_dim3A_505 : vector<16x1xi32> to vector<16xi32>
        %gather3A_507 = tpu.dynamic_gather %add3A_500[%gather3A_506] in [0] : vector<16xf32>, vector<16xi32> -> vector<16xf32>
        %add3A_508 = arith.addf %add3A_500, %gather3A_507 : vector<16xf32>
        %mul3A_509 = arith.constant 7.812500e-03 : f32
        %mul3A_510 = vector.broadcast %mul3A_509 : f32 to vector<16xf32>
        %mul3A_511 = arith.mulf %add3A_508, %mul3A_510 : vector<16xf32>
        %mul3A_512 = arith.mulf %mul3A_476, %mul3A_476 : vector<16xf32>
        %sub3A_513 = arith.subf %mul3A_511, %mul3A_512 : vector<16xf32>
        %add3A_514 = arith.constant 9.99999996E-13 : f32
        %add3A_515 = vector.broadcast %add3A_514 : f32 to vector<16xf32>
        %add3A_516 = arith.addf %sub3A_513, %add3A_515 : vector<16xf32>
        %bitcast3A = vector.bitcast %add3A_516 : vector<16xf32> to vector<16xi32>
        %shift_right_arithmetic3A = arith.constant 1 : i32
        %shift_right_arithmetic3A_517 = vector.broadcast %shift_right_arithmetic3A : i32 to vector<16xi32>
        %shift_right_arithmetic3A_518 = arith.shrsi %bitcast3A, %shift_right_arithmetic3A_517 : vector<16xi32>
        %sub3A_519 = arith.constant 1597463007 : i32
        %sub3A_520 = vector.broadcast %sub3A_519 : i32 to vector<16xi32>
        %sub3A_521 = arith.subi %sub3A_520, %shift_right_arithmetic3A_518 : vector<16xi32>
        %bitcast3A_522 = vector.bitcast %sub3A_521 : vector<16xi32> to vector<16xf32>
        %mul3A_523 = arith.constant 5.000000e-01 : f32
        %mul3A_524 = vector.broadcast %mul3A_523 : f32 to vector<16xf32>
        %mul3A_525 = arith.mulf %add3A_516, %mul3A_524 : vector<16xf32>
        %mul3A_526 = arith.mulf %mul3A_525, %bitcast3A_522 : vector<16xf32>
        %mul3A_527 = arith.mulf %mul3A_526, %bitcast3A_522 : vector<16xf32>
        %sub3A_528 = arith.constant 1.500000e+00 : f32
        %sub3A_529 = vector.broadcast %sub3A_528 : f32 to vector<16xf32>
        %sub3A_530 = arith.subf %sub3A_529, %mul3A_527 : vector<16xf32>
        %mul3A_531 = arith.mulf %bitcast3A_522, %sub3A_530 : vector<16xf32>
        %mul3A_532 = arith.mulf %mul3A_525, %mul3A_531 : vector<16xf32>
        %mul3A_533 = arith.mulf %mul3A_532, %mul3A_531 : vector<16xf32>
        %sub3A_534 = arith.constant 1.500000e+00 : f32
        %sub3A_535 = vector.broadcast %sub3A_534 : f32 to vector<16xf32>
        %sub3A_536 = arith.subf %sub3A_535, %mul3A_533 : vector<16xf32>
        %mul3A_537 = arith.mulf %mul3A_531, %sub3A_536 : vector<16xf32>
        %mul3A_538 = arith.mulf %mul3A_525, %mul3A_537 : vector<16xf32>
        %mul3A_539 = arith.mulf %mul3A_538, %mul3A_537 : vector<16xf32>
        %sub3A_540 = arith.constant 1.500000e+00 : f32
        %sub3A_541 = vector.broadcast %sub3A_540 : f32 to vector<16xf32>
        %sub3A_542 = arith.subf %sub3A_541, %mul3A_539 : vector<16xf32>
        %mul3A_543 = arith.mulf %mul3A_537, %sub3A_542 : vector<16xf32>
        %sub3A_544 = arith.subf %add3A_346, %mul3A_476 : vector<16xf32>
        %mul3A_545 = arith.mulf %sub3A_544, %mul3A_543 : vector<16xf32>
        %mul3A_546 = arith.mulf %mul3A_545, %get3A_3 : vector<16xf32>
        %add3A_547 = arith.addf %mul3A_546, %get3A_19 : vector<16xf32>
        %swap3A = arith.index_cast %scan3A_335 : i32 to index
        %swap3A_548 = arith.constant 0 : index
        %swap3A_549 = tpu.vector_load %arg34[%swap3A, %swap3A_548] {strides = array<i32>} : memref<64x128xf32, #tpu.memory_space<vmem>>, vector<16xf32>,
        tpu.vector_store %arg34[%swap3A, %swap3A_548], %add3A_547 {strides = array<i32>} : memref<64x128xf32, #tpu.memory_space<vmem>>, vector<16xf32>,
        %sub3A_550 = arith.subf %add3A_357, %mul3A_476 : vector<16xf32>
        %mul3A_551 = arith.mulf %sub3A_550, %mul3A_543 : vector<16xf32>
        %mul3A_552 = arith.mulf %mul3A_551, %get3A_5 : vector<16xf32>
        %add3A_553 = arith.addf %mul3A_552, %get3A_21 : vector<16xf32>
        %swap3A_554 = arith.index_cast %scan3A_335 : i32 to index
        %swap3A_555 = arith.constant 16 : index
        %swap3A_556 = tpu.vector_load %arg34[%swap3A_554, %swap3A_555] {strides = array<i32>} : memref<64x128xf32, #tpu.memory_space<vmem>>, vector<16xf32>,
        tpu.vector_store %arg34[%swap3A_554, %swap3A_555], %add3A_553 {strides = array<i32>} : memref<64x128xf32, #tpu.memory_space<vmem>>, vector<16xf32>,
        %sub3A_557 = arith.subf %add3A_368, %mul3A_476 : vector<16xf32>
        %mul3A_558 = arith.mulf %sub3A_557, %mul3A_543 : vector<16xf32>
        %mul3A_559 = arith.mulf %mul3A_558, %get3A_7 : vector<16xf32>
        %add3A_560 = arith.addf %mul3A_559, %get3A_23 : vector<16xf32>
        %swap3A_561 = arith.index_cast %scan3A_335 : i32 to index
        %swap3A_562 = arith.constant 32 : index
        %swap3A_563 = tpu.vector_load %arg34[%swap3A_561, %swap3A_562] {strides = array<i32>} : memref<64x128xf32, #tpu.memory_space<vmem>>, vector<16xf32>,
        tpu.vector_store %arg34[%swap3A_561, %swap3A_562], %add3A_560 {strides = array<i32>} : memref<64x128xf32, #tpu.memory_space<vmem>>, vector<16xf32>,
        %sub3A_564 = arith.subf %add3A_379, %mul3A_476 : vector<16xf32>
        %mul3A_565 = arith.mulf %sub3A_564, %mul3A_543 : vector<16xf32>
        %mul3A_566 = arith.mulf %mul3A_565, %get3A_9 : vector<16xf32>
        %add3A_567 = arith.addf %mul3A_566, %get3A_25 : vector<16xf32>
        %swap3A_568 = arith.index_cast %scan3A_335 : i32 to index
        %swap3A_569 = arith.constant 48 : index
        %swap3A_570 = tpu.vector_load %arg34[%swap3A_568, %swap3A_569] {strides = array<i32>} : memref<64x128xf32, #tpu.memory_space<vmem>>, vector<16xf32>,
        tpu.vector_store %arg34[%swap3A_568, %swap3A_569], %add3A_567 {strides = array<i32>} : memref<64x128xf32, #tpu.memory_space<vmem>>, vector<16xf32>,
        %sub3A_571 = arith.subf %add3A_390, %mul3A_476 : vector<16xf32>
        %mul3A_572 = arith.mulf %sub3A_571, %mul3A_543 : vector<16xf32>
        %mul3A_573 = arith.mulf %mul3A_572, %get3A_11 : vector<16xf32>
        %add3A_574 = arith.addf %mul3A_573, %get3A_27 : vector<16xf32>
        %swap3A_575 = arith.index_cast %scan3A_335 : i32 to index
        %swap3A_576 = arith.constant 64 : index
        %swap3A_577 = tpu.vector_load %arg34[%swap3A_575, %swap3A_576] {strides = array<i32>} : memref<64x128xf32, #tpu.memory_space<vmem>>, vector<16xf32>,
        tpu.vector_store %arg34[%swap3A_575, %swap3A_576], %add3A_574 {strides = array<i32>} : memref<64x128xf32, #tpu.memory_space<vmem>>, vector<16xf32>,
        %sub3A_578 = arith.subf %add3A_401, %mul3A_476 : vector<16xf32>
        %mul3A_579 = arith.mulf %sub3A_578, %mul3A_543 : vector<16xf32>
        %mul3A_580 = arith.mulf %mul3A_579, %get3A_13 : vector<16xf32>
        %add3A_581 = arith.addf %mul3A_580, %get3A_29 : vector<16xf32>
        %swap3A_582 = arith.index_cast %scan3A_335 : i32 to index
        %swap3A_583 = arith.constant 80 : index
        %swap3A_584 = tpu.vector_load %arg34[%swap3A_582, %swap3A_583] {strides = array<i32>} : memref<64x128xf32, #tpu.memory_space<vmem>>, vector<16xf32>,
        tpu.vector_store %arg34[%swap3A_582, %swap3A_583], %add3A_581 {strides = array<i32>} : memref<64x128xf32, #tpu.memory_space<vmem>>, vector<16xf32>,
        %sub3A_585 = arith.subf %add3A_412, %mul3A_476 : vector<16xf32>
        %mul3A_586 = arith.mulf %sub3A_585, %mul3A_543 : vector<16xf32>
        %mul3A_587 = arith.mulf %mul3A_586, %get3A_15 : vector<16xf32>
        %add3A_588 = arith.addf %mul3A_587, %get3A_31 : vector<16xf32>
        %swap3A_589 = arith.index_cast %scan3A_335 : i32 to index
        %swap3A_590 = arith.constant 96 : index
        %swap3A_591 = tpu.vector_load %arg34[%swap3A_589, %swap3A_590] {strides = array<i32>} : memref<64x128xf32, #tpu.memory_space<vmem>>, vector<16xf32>,
        tpu.vector_store %arg34[%swap3A_589, %swap3A_590], %add3A_588 {strides = array<i32>} : memref<64x128xf32, #tpu.memory_space<vmem>>, vector<16xf32>,
        %sub3A_592 = arith.subf %add3A_423, %mul3A_476 : vector<16xf32>
        %mul3A_593 = arith.mulf %sub3A_592, %mul3A_543 : vector<16xf32>
        %mul3A_594 = arith.mulf %mul3A_593, %get3A_17 : vector<16xf32>
        %add3A_595 = arith.addf %mul3A_594, %get3A_33 : vector<16xf32>
        %swap3A_596 = arith.index_cast %scan3A_335 : i32 to index
        %swap3A_597 = arith.constant 112 : index
        %swap3A_598 = tpu.vector_load %arg34[%swap3A_596, %swap3A_597] {strides = array<i32>} : memref<64x128xf32, #tpu.memory_space<vmem>>, vector<16xf32>,
        tpu.vector_store %arg34[%swap3A_596, %swap3A_597], %add3A_595 {strides = array<i32>} : memref<64x128xf32, #tpu.memory_space<vmem>>, vector<16xf32>,
      }
      %scan3A_278 = arith.constant 64 : i32
      %mul3A_279 = arith.constant 64 : i32
      %mul3A_280 = arith.muli %add3A_242, %mul3A_279 : i32
      %add3A_281 = arith.addi %mul3A_2, %mul3A_280 : i32
      %multiple_of3A_282 = tpu.assume_multiple %add3A_281, 64 : i32
      %dma_start3A_283 = arith.constant 0 : i32
      %dma_start3A_284 = tpu.memref_slice %arg9[%multiple_of3A_282, %dma_start3A_283] : memref<819200x128xf32, #tpu.memory_space<hbm>> -> memref<64x128xf32, #tpu.memory_space<hbm>>
      %dma_start3A_285 = arith.constant 0 : i32
      %dma_start3A_286 = tpu.memref_slice %arg9[%multiple_of3A_282, %dma_start3A_285] : memref<819200x128xf32, #tpu.memory_space<hbm>> -> memref<64x128xf32, #tpu.memory_space<hbm>>
      tpu.enqueue_dma source(%arg34 : memref<64x128xf32, #tpu.memory_space<vmem>>) target(%dma_start3A_286 : memref<64x128xf32, #tpu.memory_space<hbm>>) target_semaphore(%arg50 : memref<!tpu.dma_semaphore, #tpu.memory_space<semaphore_mem>>)
      %mul3A_287 = arith.constant 4 : i32
      %mul3A_288 = arith.muli %mul3A_287, %scan3A_147 : i32
      %add3A_289 = arith.constant 3 : i32
      %add3A_290 = arith.addi %mul3A_288, %add3A_289 : i32
      %dma_wait3A_291 = arith.constant 0 : i32
      %dma_wait3A_292 = arith.constant 0 : i32
      %dma_wait3A_293 = tpu.memref_slice %arg5[%dma_wait3A_291, %dma_wait3A_292] : memref<100000x128xf32, #tpu.memory_space<hbm>> -> memref<100000x128xf32, #tpu.memory_space<hbm>>
      tpu.wait_indirect_dma semaphore(%arg47 : memref<!tpu.dma_semaphore, #tpu.memory_space<semaphore_mem>>) src(%dma_wait3A_293 : memref<100000x128xf32, #tpu.memory_space<hbm>>) dst(%arg31 : memref<64x128xf32, #tpu.memory_space<vmem>>)
      %dma_wait3A_294 = arith.constant 0 : i32
      %dma_wait3A_295 = arith.constant 0 : i32
      %dma_wait3A_296 = tpu.memref_slice %arg6[%dma_wait3A_294, %dma_wait3A_295] : memref<100000x128xf32, #tpu.memory_space<hbm>> -> memref<100000x128xf32, #tpu.memory_space<hbm>>
      tpu.wait_indirect_dma semaphore(%arg48 : memref<!tpu.dma_semaphore, #tpu.memory_space<semaphore_mem>>) src(%dma_wait3A_296 : memref<100000x128xf32, #tpu.memory_space<hbm>>) dst(%arg32 : memref<64x128xf32, #tpu.memory_space<vmem>>)
      %dma_wait3A_297 = arith.constant 0 : i32
      %dma_wait3A_298 = arith.constant 0 : i32
      %dma_wait3A_299 = tpu.memref_slice %arg6[%dma_wait3A_297, %dma_wait3A_298] : memref<100000x128xf32, #tpu.memory_space<hbm>> -> memref<100000x128xf32, #tpu.memory_space<hbm>>
      tpu.wait_indirect_dma semaphore(%arg49 : memref<!tpu.dma_semaphore, #tpu.memory_space<semaphore_mem>>) src(%dma_wait3A_299 : memref<100000x128xf32, #tpu.memory_space<hbm>>) dst(%arg33 : memref<64x128xf32, #tpu.memory_space<vmem>>)
      %add3A_300 = arith.constant 4 : i32
      %add3A_301 = arith.addi %add3A_290, %add3A_300 : i32
      %sub3A_302 = arith.constant 1 : i32
      %sub3A_303 = arith.subi %add3A_301, %sub3A_302 : i32
      %lt3A_304 = arith.constant 400 : i32
      %lt3A_305 = arith.cmpi slt, %sub3A_303, %lt3A_304 : i32
      %convert_element_type3A_306 = arith.extui %lt3A_305 : i1 to i32
      %cond3A_307 = arith.constant 0 : i32
      %cond3A_308 = arith.cmpi ne, %convert_element_type3A_306, %cond3A_307 : i32
      scf.if %cond3A_308 {
        %dma_wait3A_335 = arith.constant 0 : i32
        %dma_wait3A_336 = tpu.memref_slice %arg2[%dma_wait3A_335] : memref<819200xi32, #tpu.memory_space<hbm>> -> memref<64xi32, #tpu.memory_space<hbm>>
        %dma_wait3A_337 = arith.constant 0 : i32
        %dma_wait3A_338 = tpu.memref_slice %arg2[%dma_wait3A_337] : memref<819200xi32, #tpu.memory_space<hbm>> -> memref<64xi32, #tpu.memory_space<hbm>>
        tpu.wait_dma2 semaphore(%arg54 : memref<!tpu.dma_semaphore, #tpu.memory_space<semaphore_mem>>) src(%dma_wait3A_338 : memref<64xi32, #tpu.memory_space<hbm>>) dst(%arg16 : memref<64xi32, #tpu.memory_space<vmem>>)
        %dma_wait3A_339 = arith.constant 0 : i32
        %dma_wait3A_340 = tpu.memref_slice %arg3[%dma_wait3A_339] : memref<819200xi32, #tpu.memory_space<hbm>> -> memref<64xi32, #tpu.memory_space<hbm>>
        %dma_wait3A_341 = arith.constant 0 : i32
        %dma_wait3A_342 = tpu.memref_slice %arg3[%dma_wait3A_341] : memref<819200xi32, #tpu.memory_space<hbm>> -> memref<64xi32, #tpu.memory_space<hbm>>
        tpu.wait_dma2 semaphore(%arg54 : memref<!tpu.dma_semaphore, #tpu.memory_space<semaphore_mem>>) src(%dma_wait3A_342 : memref<64xi32, #tpu.memory_space<hbm>>) dst(%arg17 : memref<64xi32, #tpu.memory_space<vmem>>)
        %dma_wait3A_343 = arith.constant 0 : i32
        %dma_wait3A_344 = tpu.memref_slice %arg4[%dma_wait3A_343] : memref<819200xi32, #tpu.memory_space<hbm>> -> memref<64xi32, #tpu.memory_space<hbm>>
        %dma_wait3A_345 = arith.constant 0 : i32
        %dma_wait3A_346 = tpu.memref_slice %arg4[%dma_wait3A_345] : memref<819200xi32, #tpu.memory_space<hbm>> -> memref<64xi32, #tpu.memory_space<hbm>>
        tpu.wait_dma2 semaphore(%arg54 : memref<!tpu.dma_semaphore, #tpu.memory_space<semaphore_mem>>) src(%dma_wait3A_346 : memref<64xi32, #tpu.memory_space<hbm>>) dst(%arg18 : memref<64xi32, #tpu.memory_space<vmem>>)
        %dma_start3A_347 = arith.constant 0 : i32
        %dma_start3A_348 = arith.constant 0 : i32
        %dma_start3A_349 = tpu.memref_slice %arg5[%dma_start3A_347, %dma_start3A_348] : memref<100000x128xf32, #tpu.memory_space<hbm>> -> memref<100000x128xf32, #tpu.memory_space<hbm>>
        tpu.enqueue_indirect_dma source(%dma_start3A_349 : memref<100000x128xf32, #tpu.memory_space<hbm>>) target(%arg28 : memref<64x128xf32, #tpu.memory_space<vmem>>) offsets(%arg16 : memref<64xi32, #tpu.memory_space<vmem>>) semaphore(%arg44 : memref<!tpu.dma_semaphore, #tpu.memory_space<semaphore_mem>>)
        %dma_start3A_350 = arith.constant 0 : i32
        %dma_start3A_351 = arith.constant 0 : i32
        %dma_start3A_352 = tpu.memref_slice %arg6[%dma_start3A_350, %dma_start3A_351] : memref<100000x128xf32, #tpu.memory_space<hbm>> -> memref<100000x128xf32, #tpu.memory_space<hbm>>
        tpu.enqueue_indirect_dma source(%dma_start3A_352 : memref<100000x128xf32, #tpu.memory_space<hbm>>) target(%arg29 : memref<64x128xf32, #tpu.memory_space<vmem>>) offsets(%arg17 : memref<64xi32, #tpu.memory_space<vmem>>) semaphore(%arg45 : memref<!tpu.dma_semaphore, #tpu.memory_space<semaphore_mem>>)
        %dma_start3A_353 = arith.constant 0 : i32
        %dma_start3A_354 = arith.constant 0 : i32
        %dma_start3A_355 = tpu.memref_slice %arg6[%dma_start3A_353, %dma_start3A_354] : memref<100000x128xf32, #tpu.memory_space<hbm>> -> memref<100000x128xf32, #tpu.memory_space<hbm>>
        tpu.enqueue_indirect_dma source(%dma_start3A_355 : memref<100000x128xf32, #tpu.memory_space<hbm>>) target(%arg30 : memref<64x128xf32, #tpu.memory_space<vmem>>) offsets(%arg18 : memref<64xi32, #tpu.memory_space<vmem>>) semaphore(%arg46 : memref<!tpu.dma_semaphore, #tpu.memory_space<semaphore_mem>>)
      } else {
      }
      %add3A_309 = arith.constant 4 : i32
      %add3A_310 = arith.addi %add3A_290, %add3A_309 : i32
      %lt3A_311 = arith.constant 400 : i32
      %lt3A_312 = arith.cmpi slt, %add3A_310, %lt3A_311 : i32
      %convert_element_type3A_313 = arith.extui %lt3A_312 : i1 to i32
      %cond3A_314 = arith.constant 0 : i32
      %cond3A_315 = arith.cmpi ne, %convert_element_type3A_313, %cond3A_314 : i32
      scf.if %cond3A_315 {
        %add3A_335 = arith.constant 4 : i32
        %add3A_336 = arith.addi %add3A_290, %add3A_335 : i32
        %mul3A_337 = arith.constant 64 : i32
        %mul3A_338 = arith.muli %add3A_336, %mul3A_337 : i32
        %add3A_339 = arith.addi %mul3A_2, %mul3A_338 : i32
        %multiple_of3A_340 = tpu.assume_multiple %add3A_339, 64 : i32
        %dma_start3A_341 = tpu.memref_slice %arg2[%multiple_of3A_340] : memref<819200xi32, #tpu.memory_space<hbm>> -> memref<64xi32, #tpu.memory_space<hbm>>
        %dma_start3A_342 = tpu.memref_slice %arg2[%multiple_of3A_340] : memref<819200xi32, #tpu.memory_space<hbm>> -> memref<64xi32, #tpu.memory_space<hbm>>
        tpu.enqueue_dma source(%dma_start3A_342 : memref<64xi32, #tpu.memory_space<hbm>>) target(%arg19 : memref<64xi32, #tpu.memory_space<vmem>>) target_semaphore(%arg55 : memref<!tpu.dma_semaphore, #tpu.memory_space<semaphore_mem>>)
        %dma_start3A_343 = tpu.memref_slice %arg3[%multiple_of3A_340] : memref<819200xi32, #tpu.memory_space<hbm>> -> memref<64xi32, #tpu.memory_space<hbm>>
        %dma_start3A_344 = tpu.memref_slice %arg3[%multiple_of3A_340] : memref<819200xi32, #tpu.memory_space<hbm>> -> memref<64xi32, #tpu.memory_space<hbm>>
        tpu.enqueue_dma source(%dma_start3A_344 : memref<64xi32, #tpu.memory_space<hbm>>) target(%arg20 : memref<64xi32, #tpu.memory_space<vmem>>) target_semaphore(%arg55 : memref<!tpu.dma_semaphore, #tpu.memory_space<semaphore_mem>>)
        %dma_start3A_345 = tpu.memref_slice %arg4[%multiple_of3A_340] : memref<819200xi32, #tpu.memory_space<hbm>> -> memref<64xi32, #tpu.memory_space<hbm>>
        %dma_start3A_346 = tpu.memref_slice %arg4[%multiple_of3A_340] : memref<819200xi32, #tpu.memory_space<hbm>> -> memref<64xi32, #tpu.memory_space<hbm>>
        tpu.enqueue_dma source(%dma_start3A_346 : memref<64xi32, #tpu.memory_space<hbm>>) target(%arg21 : memref<64xi32, #tpu.memory_space<vmem>>) target_semaphore(%arg55 : memref<!tpu.dma_semaphore, #tpu.memory_space<semaphore_mem>>)
      } else {
      }
      %ge3A_316 = arith.constant 2 : i32
      %ge3A_317 = arith.cmpi sge, %add3A_290, %ge3A_316 : i32
      %convert_element_type3A_318 = arith.extui %ge3A_317 : i1 to i32
      %cond3A_319 = arith.constant 0 : i32
      %cond3A_320 = arith.cmpi ne, %convert_element_type3A_318, %cond3A_319 : i32
      scf.if %cond3A_320 {
        %dma_wait3A_335 = arith.constant 0 : i32
        %dma_wait3A_336 = arith.constant 0 : i32
        %dma_wait3A_337 = tpu.memref_slice %arg9[%dma_wait3A_335, %dma_wait3A_336] : memref<819200x128xf32, #tpu.memory_space<hbm>> -> memref<64x128xf32, #tpu.memory_space<hbm>>
        %dma_wait3A_338 = arith.constant 0 : i32
        %dma_wait3A_339 = arith.constant 0 : i32
        %dma_wait3A_340 = tpu.memref_slice %arg9[%dma_wait3A_338, %dma_wait3A_339] : memref<819200x128xf32, #tpu.memory_space<hbm>> -> memref<64x128xf32, #tpu.memory_space<hbm>>
        tpu.wait_dma2 semaphore(%arg51 : memref<!tpu.dma_semaphore, #tpu.memory_space<semaphore_mem>>) src(%arg35 : memref<64x128xf32, #tpu.memory_space<vmem>>) dst(%dma_wait3A_340 : memref<64x128xf32, #tpu.memory_space<hbm>>)
      } else {
      }
      %scan3A_321 = arith.constant 0 : i32
      %scan3A_322 = arith.constant 0 : i32
      %scan3A_323 = arith.constant 64 : i32
      %scan3A_324 = arith.addi %scan3A_322, %scan3A_323 : i32
      %scan3A_325 = arith.constant 1 : i32
      scf.for %scan3A_335 = %scan3A_322 to %scan3A_324 step %scan3A_325  : i32 {
        %get3A_336 = arith.index_cast %scan3A_335 : i32 to index
        %get3A_337 = arith.constant 0 : index
        %get3A_338 = tpu.vector_load %arg31[%get3A_336, %get3A_337] {strides = array<i32>} : memref<64x128xf32, #tpu.memory_space<vmem>>, vector<16xf32>,
        %get3A_339 = arith.index_cast %scan3A_335 : i32 to index
        %get3A_340 = arith.constant 0 : index
        %get3A_341 = tpu.vector_load %arg32[%get3A_339, %get3A_340] {strides = array<i32>} : memref<64x128xf32, #tpu.memory_space<vmem>>, vector<16xf32>,
        %add3A_342 = arith.addf %get3A_338, %get3A_341 : vector<16xf32>
        %get3A_343 = arith.index_cast %scan3A_335 : i32 to index
        %get3A_344 = arith.constant 0 : index
        %get3A_345 = tpu.vector_load %arg33[%get3A_343, %get3A_344] {strides = array<i32>} : memref<64x128xf32, #tpu.memory_space<vmem>>, vector<16xf32>,
        %add3A_346 = arith.addf %add3A_342, %get3A_345 : vector<16xf32>
        %get3A_347 = arith.index_cast %scan3A_335 : i32 to index
        %get3A_348 = arith.constant 16 : index
        %get3A_349 = tpu.vector_load %arg31[%get3A_347, %get3A_348] {strides = array<i32>} : memref<64x128xf32, #tpu.memory_space<vmem>>, vector<16xf32>,
        %get3A_350 = arith.index_cast %scan3A_335 : i32 to index
        %get3A_351 = arith.constant 16 : index
        %get3A_352 = tpu.vector_load %arg32[%get3A_350, %get3A_351] {strides = array<i32>} : memref<64x128xf32, #tpu.memory_space<vmem>>, vector<16xf32>,
        %add3A_353 = arith.addf %get3A_349, %get3A_352 : vector<16xf32>
        %get3A_354 = arith.index_cast %scan3A_335 : i32 to index
        %get3A_355 = arith.constant 16 : index
        %get3A_356 = tpu.vector_load %arg33[%get3A_354, %get3A_355] {strides = array<i32>} : memref<64x128xf32, #tpu.memory_space<vmem>>, vector<16xf32>,
        %add3A_357 = arith.addf %add3A_353, %get3A_356 : vector<16xf32>
        %get3A_358 = arith.index_cast %scan3A_335 : i32 to index
        %get3A_359 = arith.constant 32 : index
        %get3A_360 = tpu.vector_load %arg31[%get3A_358, %get3A_359] {strides = array<i32>} : memref<64x128xf32, #tpu.memory_space<vmem>>, vector<16xf32>,
        %get3A_361 = arith.index_cast %scan3A_335 : i32 to index
        %get3A_362 = arith.constant 32 : index
        %get3A_363 = tpu.vector_load %arg32[%get3A_361, %get3A_362] {strides = array<i32>} : memref<64x128xf32, #tpu.memory_space<vmem>>, vector<16xf32>,
        %add3A_364 = arith.addf %get3A_360, %get3A_363 : vector<16xf32>
        %get3A_365 = arith.index_cast %scan3A_335 : i32 to index
        %get3A_366 = arith.constant 32 : index
        %get3A_367 = tpu.vector_load %arg33[%get3A_365, %get3A_366] {strides = array<i32>} : memref<64x128xf32, #tpu.memory_space<vmem>>, vector<16xf32>,
        %add3A_368 = arith.addf %add3A_364, %get3A_367 : vector<16xf32>
        %get3A_369 = arith.index_cast %scan3A_335 : i32 to index
        %get3A_370 = arith.constant 48 : index
        %get3A_371 = tpu.vector_load %arg31[%get3A_369, %get3A_370] {strides = array<i32>} : memref<64x128xf32, #tpu.memory_space<vmem>>, vector<16xf32>,
        %get3A_372 = arith.index_cast %scan3A_335 : i32 to index
        %get3A_373 = arith.constant 48 : index
        %get3A_374 = tpu.vector_load %arg32[%get3A_372, %get3A_373] {strides = array<i32>} : memref<64x128xf32, #tpu.memory_space<vmem>>, vector<16xf32>,
        %add3A_375 = arith.addf %get3A_371, %get3A_374 : vector<16xf32>
        %get3A_376 = arith.index_cast %scan3A_335 : i32 to index
        %get3A_377 = arith.constant 48 : index
        %get3A_378 = tpu.vector_load %arg33[%get3A_376, %get3A_377] {strides = array<i32>} : memref<64x128xf32, #tpu.memory_space<vmem>>, vector<16xf32>,
        %add3A_379 = arith.addf %add3A_375, %get3A_378 : vector<16xf32>
        %get3A_380 = arith.index_cast %scan3A_335 : i32 to index
        %get3A_381 = arith.constant 64 : index
        %get3A_382 = tpu.vector_load %arg31[%get3A_380, %get3A_381] {strides = array<i32>} : memref<64x128xf32, #tpu.memory_space<vmem>>, vector<16xf32>,
        %get3A_383 = arith.index_cast %scan3A_335 : i32 to index
        %get3A_384 = arith.constant 64 : index
        %get3A_385 = tpu.vector_load %arg32[%get3A_383, %get3A_384] {strides = array<i32>} : memref<64x128xf32, #tpu.memory_space<vmem>>, vector<16xf32>,
        %add3A_386 = arith.addf %get3A_382, %get3A_385 : vector<16xf32>
        %get3A_387 = arith.index_cast %scan3A_335 : i32 to index
        %get3A_388 = arith.constant 64 : index
        %get3A_389 = tpu.vector_load %arg33[%get3A_387, %get3A_388] {strides = array<i32>} : memref<64x128xf32, #tpu.memory_space<vmem>>, vector<16xf32>,
        %add3A_390 = arith.addf %add3A_386, %get3A_389 : vector<16xf32>
        %get3A_391 = arith.index_cast %scan3A_335 : i32 to index
        %get3A_392 = arith.constant 80 : index
        %get3A_393 = tpu.vector_load %arg31[%get3A_391, %get3A_392] {strides = array<i32>} : memref<64x128xf32, #tpu.memory_space<vmem>>, vector<16xf32>,
        %get3A_394 = arith.index_cast %scan3A_335 : i32 to index
        %get3A_395 = arith.constant 80 : index
        %get3A_396 = tpu.vector_load %arg32[%get3A_394, %get3A_395] {strides = array<i32>} : memref<64x128xf32, #tpu.memory_space<vmem>>, vector<16xf32>,
        %add3A_397 = arith.addf %get3A_393, %get3A_396 : vector<16xf32>
        %get3A_398 = arith.index_cast %scan3A_335 : i32 to index
        %get3A_399 = arith.constant 80 : index
        %get3A_400 = tpu.vector_load %arg33[%get3A_398, %get3A_399] {strides = array<i32>} : memref<64x128xf32, #tpu.memory_space<vmem>>, vector<16xf32>,
        %add3A_401 = arith.addf %add3A_397, %get3A_400 : vector<16xf32>
        %get3A_402 = arith.index_cast %scan3A_335 : i32 to index
        %get3A_403 = arith.constant 96 : index
        %get3A_404 = tpu.vector_load %arg31[%get3A_402, %get3A_403] {strides = array<i32>} : memref<64x128xf32, #tpu.memory_space<vmem>>, vector<16xf32>,
        %get3A_405 = arith.index_cast %scan3A_335 : i32 to index
        %get3A_406 = arith.constant 96 : index
        %get3A_407 = tpu.vector_load %arg32[%get3A_405, %get3A_406] {strides = array<i32>} : memref<64x128xf32, #tpu.memory_space<vmem>>, vector<16xf32>,
        %add3A_408 = arith.addf %get3A_404, %get3A_407 : vector<16xf32>
        %get3A_409 = arith.index_cast %scan3A_335 : i32 to index
        %get3A_410 = arith.constant 96 : index
        %get3A_411 = tpu.vector_load %arg33[%get3A_409, %get3A_410] {strides = array<i32>} : memref<64x128xf32, #tpu.memory_space<vmem>>, vector<16xf32>,
        %add3A_412 = arith.addf %add3A_408, %get3A_411 : vector<16xf32>
        %get3A_413 = arith.index_cast %scan3A_335 : i32 to index
        %get3A_414 = arith.constant 112 : index
        %get3A_415 = tpu.vector_load %arg31[%get3A_413, %get3A_414] {strides = array<i32>} : memref<64x128xf32, #tpu.memory_space<vmem>>, vector<16xf32>,
        %get3A_416 = arith.index_cast %scan3A_335 : i32 to index
        %get3A_417 = arith.constant 112 : index
        %get3A_418 = tpu.vector_load %arg32[%get3A_416, %get3A_417] {strides = array<i32>} : memref<64x128xf32, #tpu.memory_space<vmem>>, vector<16xf32>,
        %add3A_419 = arith.addf %get3A_415, %get3A_418 : vector<16xf32>
        %get3A_420 = arith.index_cast %scan3A_335 : i32 to index
        %get3A_421 = arith.constant 112 : index
        %get3A_422 = tpu.vector_load %arg33[%get3A_420, %get3A_421] {strides = array<i32>} : memref<64x128xf32, #tpu.memory_space<vmem>>, vector<16xf32>,
        %add3A_423 = arith.addf %add3A_419, %get3A_422 : vector<16xf32>
        %add3A_424 = arith.addf %add3A_346, %add3A_357 : vector<16xf32>
        %add3A_425 = arith.addf %add3A_368, %add3A_379 : vector<16xf32>
        %add3A_426 = arith.addf %add3A_424, %add3A_425 : vector<16xf32>
        %add3A_427 = arith.addf %add3A_390, %add3A_401 : vector<16xf32>
        %add3A_428 = arith.addf %add3A_412, %add3A_423 : vector<16xf32>
        %add3A_429 = arith.addf %add3A_427, %add3A_428 : vector<16xf32>
        %add3A_430 = arith.addf %add3A_426, %add3A_429 : vector<16xf32>
        %mul3A_431 = arith.mulf %add3A_346, %add3A_346 : vector<16xf32>
        %mul3A_432 = arith.mulf %add3A_357, %add3A_357 : vector<16xf32>
        %mul3A_433 = arith.mulf %add3A_368, %add3A_368 : vector<16xf32>
        %mul3A_434 = arith.mulf %add3A_379, %add3A_379 : vector<16xf32>
        %mul3A_435 = arith.mulf %add3A_390, %add3A_390 : vector<16xf32>
        %mul3A_436 = arith.mulf %add3A_401, %add3A_401 : vector<16xf32>
        %mul3A_437 = arith.mulf %add3A_412, %add3A_412 : vector<16xf32>
        %mul3A_438 = arith.mulf %add3A_423, %add3A_423 : vector<16xf32>
        %add3A_439 = arith.addf %mul3A_431, %mul3A_432 : vector<16xf32>
        %add3A_440 = arith.addf %mul3A_433, %mul3A_434 : vector<16xf32>
        %add3A_441 = arith.addf %add3A_439, %add3A_440 : vector<16xf32>
        %add3A_442 = arith.addf %mul3A_435, %mul3A_436 : vector<16xf32>
        %add3A_443 = arith.addf %mul3A_437, %mul3A_438 : vector<16xf32>
        %add3A_444 = arith.addf %add3A_442, %add3A_443 : vector<16xf32>
        %add3A_445 = arith.addf %add3A_441, %add3A_444 : vector<16xf32>
        %iota3A = tpu.iota {dimensions = array<i32: 0>} : vector<16xi32>
        %xor3A = arith.constant 8 : i32
        %xor3A_446 = vector.broadcast %xor3A : i32 to vector<16xi32>
        %xor3A_447 = arith.xori %iota3A, %xor3A_446 : vector<16xi32>
        %broadcast_in_dim3A = vector.shape_cast %xor3A_447 : vector<16xi32> to vector<16x1xi32>
        %gather3A = vector.shape_cast %broadcast_in_dim3A : vector<16x1xi32> to vector<16xi32>
        %gather3A_448 = tpu.dynamic_gather %add3A_430[%gather3A] in [0] : vector<16xf32>, vector<16xi32> -> vector<16xf32>
        %add3A_449 = arith.addf %add3A_430, %gather3A_448 : vector<16xf32>
        %iota3A_450 = tpu.iota {dimensions = array<i32: 0>} : vector<16xi32>
        %xor3A_451 = arith.constant 4 : i32
        %xor3A_452 = vector.broadcast %xor3A_451 : i32 to vector<16xi32>
        %xor3A_453 = arith.xori %iota3A_450, %xor3A_452 : vector<16xi32>
        %broadcast_in_dim3A_454 = vector.shape_cast %xor3A_453 : vector<16xi32> to vector<16x1xi32>
        %gather3A_455 = vector.shape_cast %broadcast_in_dim3A_454 : vector<16x1xi32> to vector<16xi32>
        %gather3A_456 = tpu.dynamic_gather %add3A_449[%gather3A_455] in [0] : vector<16xf32>, vector<16xi32> -> vector<16xf32>
        %add3A_457 = arith.addf %add3A_449, %gather3A_456 : vector<16xf32>
        %iota3A_458 = tpu.iota {dimensions = array<i32: 0>} : vector<16xi32>
        %xor3A_459 = arith.constant 2 : i32
        %xor3A_460 = vector.broadcast %xor3A_459 : i32 to vector<16xi32>
        %xor3A_461 = arith.xori %iota3A_458, %xor3A_460 : vector<16xi32>
        %broadcast_in_dim3A_462 = vector.shape_cast %xor3A_461 : vector<16xi32> to vector<16x1xi32>
        %gather3A_463 = vector.shape_cast %broadcast_in_dim3A_462 : vector<16x1xi32> to vector<16xi32>
        %gather3A_464 = tpu.dynamic_gather %add3A_457[%gather3A_463] in [0] : vector<16xf32>, vector<16xi32> -> vector<16xf32>
        %add3A_465 = arith.addf %add3A_457, %gather3A_464 : vector<16xf32>
        %iota3A_466 = tpu.iota {dimensions = array<i32: 0>} : vector<16xi32>
        %xor3A_467 = arith.constant 1 : i32
        %xor3A_468 = vector.broadcast %xor3A_467 : i32 to vector<16xi32>
        %xor3A_469 = arith.xori %iota3A_466, %xor3A_468 : vector<16xi32>
        %broadcast_in_dim3A_470 = vector.shape_cast %xor3A_469 : vector<16xi32> to vector<16x1xi32>
        %gather3A_471 = vector.shape_cast %broadcast_in_dim3A_470 : vector<16x1xi32> to vector<16xi32>
        %gather3A_472 = tpu.dynamic_gather %add3A_465[%gather3A_471] in [0] : vector<16xf32>, vector<16xi32> -> vector<16xf32>
        %add3A_473 = arith.addf %add3A_465, %gather3A_472 : vector<16xf32>
        %mul3A_474 = arith.constant 7.812500e-03 : f32
        %mul3A_475 = vector.broadcast %mul3A_474 : f32 to vector<16xf32>
        %mul3A_476 = arith.mulf %add3A_473, %mul3A_475 : vector<16xf32>
        %iota3A_477 = tpu.iota {dimensions = array<i32: 0>} : vector<16xi32>
        %xor3A_478 = arith.constant 8 : i32
        %xor3A_479 = vector.broadcast %xor3A_478 : i32 to vector<16xi32>
        %xor3A_480 = arith.xori %iota3A_477, %xor3A_479 : vector<16xi32>
        %broadcast_in_dim3A_481 = vector.shape_cast %xor3A_480 : vector<16xi32> to vector<16x1xi32>
        %gather3A_482 = vector.shape_cast %broadcast_in_dim3A_481 : vector<16x1xi32> to vector<16xi32>
        %gather3A_483 = tpu.dynamic_gather %add3A_445[%gather3A_482] in [0] : vector<16xf32>, vector<16xi32> -> vector<16xf32>
        %add3A_484 = arith.addf %add3A_445, %gather3A_483 : vector<16xf32>
        %iota3A_485 = tpu.iota {dimensions = array<i32: 0>} : vector<16xi32>
        %xor3A_486 = arith.constant 4 : i32
        %xor3A_487 = vector.broadcast %xor3A_486 : i32 to vector<16xi32>
        %xor3A_488 = arith.xori %iota3A_485, %xor3A_487 : vector<16xi32>
        %broadcast_in_dim3A_489 = vector.shape_cast %xor3A_488 : vector<16xi32> to vector<16x1xi32>
        %gather3A_490 = vector.shape_cast %broadcast_in_dim3A_489 : vector<16x1xi32> to vector<16xi32>
        %gather3A_491 = tpu.dynamic_gather %add3A_484[%gather3A_490] in [0] : vector<16xf32>, vector<16xi32> -> vector<16xf32>
        %add3A_492 = arith.addf %add3A_484, %gather3A_491 : vector<16xf32>
        %iota3A_493 = tpu.iota {dimensions = array<i32: 0>} : vector<16xi32>
        %xor3A_494 = arith.constant 2 : i32
        %xor3A_495 = vector.broadcast %xor3A_494 : i32 to vector<16xi32>
        %xor3A_496 = arith.xori %iota3A_493, %xor3A_495 : vector<16xi32>
        %broadcast_in_dim3A_497 = vector.shape_cast %xor3A_496 : vector<16xi32> to vector<16x1xi32>
        %gather3A_498 = vector.shape_cast %broadcast_in_dim3A_497 : vector<16x1xi32> to vector<16xi32>
        %gather3A_499 = tpu.dynamic_gather %add3A_492[%gather3A_498] in [0] : vector<16xf32>, vector<16xi32> -> vector<16xf32>
        %add3A_500 = arith.addf %add3A_492, %gather3A_499 : vector<16xf32>
        %iota3A_501 = tpu.iota {dimensions = array<i32: 0>} : vector<16xi32>
        %xor3A_502 = arith.constant 1 : i32
        %xor3A_503 = vector.broadcast %xor3A_502 : i32 to vector<16xi32>
        %xor3A_504 = arith.xori %iota3A_501, %xor3A_503 : vector<16xi32>
        %broadcast_in_dim3A_505 = vector.shape_cast %xor3A_504 : vector<16xi32> to vector<16x1xi32>
        %gather3A_506 = vector.shape_cast %broadcast_in_dim3A_505 : vector<16x1xi32> to vector<16xi32>
        %gather3A_507 = tpu.dynamic_gather %add3A_500[%gather3A_506] in [0] : vector<16xf32>, vector<16xi32> -> vector<16xf32>
        %add3A_508 = arith.addf %add3A_500, %gather3A_507 : vector<16xf32>
        %mul3A_509 = arith.constant 7.812500e-03 : f32
        %mul3A_510 = vector.broadcast %mul3A_509 : f32 to vector<16xf32>
        %mul3A_511 = arith.mulf %add3A_508, %mul3A_510 : vector<16xf32>
        %mul3A_512 = arith.mulf %mul3A_476, %mul3A_476 : vector<16xf32>
        %sub3A_513 = arith.subf %mul3A_511, %mul3A_512 : vector<16xf32>
        %add3A_514 = arith.constant 9.99999996E-13 : f32
        %add3A_515 = vector.broadcast %add3A_514 : f32 to vector<16xf32>
        %add3A_516 = arith.addf %sub3A_513, %add3A_515 : vector<16xf32>
        %bitcast3A = vector.bitcast %add3A_516 : vector<16xf32> to vector<16xi32>
        %shift_right_arithmetic3A = arith.constant 1 : i32
        %shift_right_arithmetic3A_517 = vector.broadcast %shift_right_arithmetic3A : i32 to vector<16xi32>
        %shift_right_arithmetic3A_518 = arith.shrsi %bitcast3A, %shift_right_arithmetic3A_517 : vector<16xi32>
        %sub3A_519 = arith.constant 1597463007 : i32
        %sub3A_520 = vector.broadcast %sub3A_519 : i32 to vector<16xi32>
        %sub3A_521 = arith.subi %sub3A_520, %shift_right_arithmetic3A_518 : vector<16xi32>
        %bitcast3A_522 = vector.bitcast %sub3A_521 : vector<16xi32> to vector<16xf32>
        %mul3A_523 = arith.constant 5.000000e-01 : f32
        %mul3A_524 = vector.broadcast %mul3A_523 : f32 to vector<16xf32>
        %mul3A_525 = arith.mulf %add3A_516, %mul3A_524 : vector<16xf32>
        %mul3A_526 = arith.mulf %mul3A_525, %bitcast3A_522 : vector<16xf32>
        %mul3A_527 = arith.mulf %mul3A_526, %bitcast3A_522 : vector<16xf32>
        %sub3A_528 = arith.constant 1.500000e+00 : f32
        %sub3A_529 = vector.broadcast %sub3A_528 : f32 to vector<16xf32>
        %sub3A_530 = arith.subf %sub3A_529, %mul3A_527 : vector<16xf32>
        %mul3A_531 = arith.mulf %bitcast3A_522, %sub3A_530 : vector<16xf32>
        %mul3A_532 = arith.mulf %mul3A_525, %mul3A_531 : vector<16xf32>
        %mul3A_533 = arith.mulf %mul3A_532, %mul3A_531 : vector<16xf32>
        %sub3A_534 = arith.constant 1.500000e+00 : f32
        %sub3A_535 = vector.broadcast %sub3A_534 : f32 to vector<16xf32>
        %sub3A_536 = arith.subf %sub3A_535, %mul3A_533 : vector<16xf32>
        %mul3A_537 = arith.mulf %mul3A_531, %sub3A_536 : vector<16xf32>
        %mul3A_538 = arith.mulf %mul3A_525, %mul3A_537 : vector<16xf32>
        %mul3A_539 = arith.mulf %mul3A_538, %mul3A_537 : vector<16xf32>
        %sub3A_540 = arith.constant 1.500000e+00 : f32
        %sub3A_541 = vector.broadcast %sub3A_540 : f32 to vector<16xf32>
        %sub3A_542 = arith.subf %sub3A_541, %mul3A_539 : vector<16xf32>
        %mul3A_543 = arith.mulf %mul3A_537, %sub3A_542 : vector<16xf32>
        %sub3A_544 = arith.subf %add3A_346, %mul3A_476 : vector<16xf32>
        %mul3A_545 = arith.mulf %sub3A_544, %mul3A_543 : vector<16xf32>
        %mul3A_546 = arith.mulf %mul3A_545, %get3A_3 : vector<16xf32>
        %add3A_547 = arith.addf %mul3A_546, %get3A_19 : vector<16xf32>
        %swap3A = arith.index_cast %scan3A_335 : i32 to index
        %swap3A_548 = arith.constant 0 : index
        %swap3A_549 = tpu.vector_load %arg35[%swap3A, %swap3A_548] {strides = array<i32>} : memref<64x128xf32, #tpu.memory_space<vmem>>, vector<16xf32>,
        tpu.vector_store %arg35[%swap3A, %swap3A_548], %add3A_547 {strides = array<i32>} : memref<64x128xf32, #tpu.memory_space<vmem>>, vector<16xf32>,
        %sub3A_550 = arith.subf %add3A_357, %mul3A_476 : vector<16xf32>
        %mul3A_551 = arith.mulf %sub3A_550, %mul3A_543 : vector<16xf32>
        %mul3A_552 = arith.mulf %mul3A_551, %get3A_5 : vector<16xf32>
        %add3A_553 = arith.addf %mul3A_552, %get3A_21 : vector<16xf32>
        %swap3A_554 = arith.index_cast %scan3A_335 : i32 to index
        %swap3A_555 = arith.constant 16 : index
        %swap3A_556 = tpu.vector_load %arg35[%swap3A_554, %swap3A_555] {strides = array<i32>} : memref<64x128xf32, #tpu.memory_space<vmem>>, vector<16xf32>,
        tpu.vector_store %arg35[%swap3A_554, %swap3A_555], %add3A_553 {strides = array<i32>} : memref<64x128xf32, #tpu.memory_space<vmem>>, vector<16xf32>,
        %sub3A_557 = arith.subf %add3A_368, %mul3A_476 : vector<16xf32>
        %mul3A_558 = arith.mulf %sub3A_557, %mul3A_543 : vector<16xf32>
        %mul3A_559 = arith.mulf %mul3A_558, %get3A_7 : vector<16xf32>
        %add3A_560 = arith.addf %mul3A_559, %get3A_23 : vector<16xf32>
        %swap3A_561 = arith.index_cast %scan3A_335 : i32 to index
        %swap3A_562 = arith.constant 32 : index
        %swap3A_563 = tpu.vector_load %arg35[%swap3A_561, %swap3A_562] {strides = array<i32>} : memref<64x128xf32, #tpu.memory_space<vmem>>, vector<16xf32>,
        tpu.vector_store %arg35[%swap3A_561, %swap3A_562], %add3A_560 {strides = array<i32>} : memref<64x128xf32, #tpu.memory_space<vmem>>, vector<16xf32>,
        %sub3A_564 = arith.subf %add3A_379, %mul3A_476 : vector<16xf32>
        %mul3A_565 = arith.mulf %sub3A_564, %mul3A_543 : vector<16xf32>
        %mul3A_566 = arith.mulf %mul3A_565, %get3A_9 : vector<16xf32>
        %add3A_567 = arith.addf %mul3A_566, %get3A_25 : vector<16xf32>
        %swap3A_568 = arith.index_cast %scan3A_335 : i32 to index
        %swap3A_569 = arith.constant 48 : index
        %swap3A_570 = tpu.vector_load %arg35[%swap3A_568, %swap3A_569] {strides = array<i32>} : memref<64x128xf32, #tpu.memory_space<vmem>>, vector<16xf32>,
        tpu.vector_store %arg35[%swap3A_568, %swap3A_569], %add3A_567 {strides = array<i32>} : memref<64x128xf32, #tpu.memory_space<vmem>>, vector<16xf32>,
        %sub3A_571 = arith.subf %add3A_390, %mul3A_476 : vector<16xf32>
        %mul3A_572 = arith.mulf %sub3A_571, %mul3A_543 : vector<16xf32>
        %mul3A_573 = arith.mulf %mul3A_572, %get3A_11 : vector<16xf32>
        %add3A_574 = arith.addf %mul3A_573, %get3A_27 : vector<16xf32>
        %swap3A_575 = arith.index_cast %scan3A_335 : i32 to index
        %swap3A_576 = arith.constant 64 : index
        %swap3A_577 = tpu.vector_load %arg35[%swap3A_575, %swap3A_576] {strides = array<i32>} : memref<64x128xf32, #tpu.memory_space<vmem>>, vector<16xf32>,
        tpu.vector_store %arg35[%swap3A_575, %swap3A_576], %add3A_574 {strides = array<i32>} : memref<64x128xf32, #tpu.memory_space<vmem>>, vector<16xf32>,
        %sub3A_578 = arith.subf %add3A_401, %mul3A_476 : vector<16xf32>
        %mul3A_579 = arith.mulf %sub3A_578, %mul3A_543 : vector<16xf32>
        %mul3A_580 = arith.mulf %mul3A_579, %get3A_13 : vector<16xf32>
        %add3A_581 = arith.addf %mul3A_580, %get3A_29 : vector<16xf32>
        %swap3A_582 = arith.index_cast %scan3A_335 : i32 to index
        %swap3A_583 = arith.constant 80 : index
        %swap3A_584 = tpu.vector_load %arg35[%swap3A_582, %swap3A_583] {strides = array<i32>} : memref<64x128xf32, #tpu.memory_space<vmem>>, vector<16xf32>,
        tpu.vector_store %arg35[%swap3A_582, %swap3A_583], %add3A_581 {strides = array<i32>} : memref<64x128xf32, #tpu.memory_space<vmem>>, vector<16xf32>,
        %sub3A_585 = arith.subf %add3A_412, %mul3A_476 : vector<16xf32>
        %mul3A_586 = arith.mulf %sub3A_585, %mul3A_543 : vector<16xf32>
        %mul3A_587 = arith.mulf %mul3A_586, %get3A_15 : vector<16xf32>
        %add3A_588 = arith.addf %mul3A_587, %get3A_31 : vector<16xf32>
        %swap3A_589 = arith.index_cast %scan3A_335 : i32 to index
        %swap3A_590 = arith.constant 96 : index
        %swap3A_591 = tpu.vector_load %arg35[%swap3A_589, %swap3A_590] {strides = array<i32>} : memref<64x128xf32, #tpu.memory_space<vmem>>, vector<16xf32>,
        tpu.vector_store %arg35[%swap3A_589, %swap3A_590], %add3A_588 {strides = array<i32>} : memref<64x128xf32, #tpu.memory_space<vmem>>, vector<16xf32>,
        %sub3A_592 = arith.subf %add3A_423, %mul3A_476 : vector<16xf32>
        %mul3A_593 = arith.mulf %sub3A_592, %mul3A_543 : vector<16xf32>
        %mul3A_594 = arith.mulf %mul3A_593, %get3A_17 : vector<16xf32>
        %add3A_595 = arith.addf %mul3A_594, %get3A_33 : vector<16xf32>
        %swap3A_596 = arith.index_cast %scan3A_335 : i32 to index
        %swap3A_597 = arith.constant 112 : index
        %swap3A_598 = tpu.vector_load %arg35[%swap3A_596, %swap3A_597] {strides = array<i32>} : memref<64x128xf32, #tpu.memory_space<vmem>>, vector<16xf32>,
        tpu.vector_store %arg35[%swap3A_596, %swap3A_597], %add3A_595 {strides = array<i32>} : memref<64x128xf32, #tpu.memory_space<vmem>>, vector<16xf32>,
      }
      %scan3A_326 = arith.constant 64 : i32
      %mul3A_327 = arith.constant 64 : i32
      %mul3A_328 = arith.muli %add3A_290, %mul3A_327 : i32
      %add3A_329 = arith.addi %mul3A_2, %mul3A_328 : i32
      %multiple_of3A_330 = tpu.assume_multiple %add3A_329, 64 : i32
      %dma_start3A_331 = arith.constant 0 : i32
      %dma_start3A_332 = tpu.memref_slice %arg9[%multiple_of3A_330, %dma_start3A_331] : memref<819200x128xf32, #tpu.memory_space<hbm>> -> memref<64x128xf32, #tpu.memory_space<hbm>>
      %dma_start3A_333 = arith.constant 0 : i32
      %dma_start3A_334 = tpu.memref_slice %arg9[%multiple_of3A_330, %dma_start3A_333] : memref<819200x128xf32, #tpu.memory_space<hbm>> -> memref<64x128xf32, #tpu.memory_space<hbm>>
      tpu.enqueue_dma source(%arg35 : memref<64x128xf32, #tpu.memory_space<vmem>>) target(%dma_start3A_334 : memref<64x128xf32, #tpu.memory_space<hbm>>) target_semaphore(%arg51 : memref<!tpu.dma_semaphore, #tpu.memory_space<semaphore_mem>>)
    }
    %scan3A_134 = arith.constant 100 : i32
    %dma_wait3A_135 = arith.constant 0 : i32
    %dma_wait3A_136 = arith.constant 0 : i32
    %dma_wait3A_137 = tpu.memref_slice %arg9[%dma_wait3A_135, %dma_wait3A_136] : memref<819200x128xf32, #tpu.memory_space<hbm>> -> memref<64x128xf32, #tpu.memory_space<hbm>>
    %dma_wait3A_138 = arith.constant 0 : i32
    %dma_wait3A_139 = arith.constant 0 : i32
    %dma_wait3A_140 = tpu.memref_slice %arg9[%dma_wait3A_138, %dma_wait3A_139] : memref<819200x128xf32, #tpu.memory_space<hbm>> -> memref<64x128xf32, #tpu.memory_space<hbm>>
    tpu.wait_dma2 semaphore(%arg50 : memref<!tpu.dma_semaphore, #tpu.memory_space<semaphore_mem>>) src(%arg34 : memref<64x128xf32, #tpu.memory_space<vmem>>) dst(%dma_wait3A_140 : memref<64x128xf32, #tpu.memory_space<hbm>>)
    %dma_wait3A_141 = arith.constant 0 : i32
    %dma_wait3A_142 = arith.constant 0 : i32
    %dma_wait3A_143 = tpu.memref_slice %arg9[%dma_wait3A_141, %dma_wait3A_142] : memref<819200x128xf32, #tpu.memory_space<hbm>> -> memref<64x128xf32, #tpu.memory_space<hbm>>
    %dma_wait3A_144 = arith.constant 0 : i32
    %dma_wait3A_145 = arith.constant 0 : i32
    %dma_wait3A_146 = tpu.memref_slice %arg9[%dma_wait3A_144, %dma_wait3A_145] : memref<819200x128xf32, #tpu.memory_space<hbm>> -> memref<64x128xf32, #tpu.memory_space<hbm>>
    tpu.wait_dma2 semaphore(%arg51 : memref<!tpu.dma_semaphore, #tpu.memory_space<semaphore_mem>>) src(%arg35 : memref<64x128xf32, #tpu.memory_space<vmem>>) dst(%dma_wait3A_146 : memref<64x128xf32, #tpu.memory_space<hbm>>)
    return
  }
}

</mosaic_0001>

<sc_bundles>
// kernel: kernel.3.cloned.1.call-start
scs
__scs_entry_jumppad:
0x0: {  	(pc) =	sbr.rel $0x88, $3  }
0x1: {  	(tag) =	ssettag $0x0;
	lr =	simm.s32 $0x1  }
0x2: {  	[smem:$0x3F9A] =	sst lr;
	_ =	strace $0xD0000000  }
0x3: {  	_ = 	snop  }
0x4: {  	_ = 	snop  }
0x5: {  	_ = 	snop  }
0x6: {  	_ = 	snop  }
0x7: {  	_ = 	snop  }
__scs_overlays_trampoline_lowered:
0x8: {  	[smem:$0x3FA9] =	sst s0  }
0x9: {  	[smem:$0x3FAA] =	sst s1  }
0xa: {  	[smem:$0x3FAB] =	sst s2  }
0xb: {  	[smem:$0x3FAC] =	sst s3  }
0xc: {  	[smem:$0x3FAD] =	sst s4  }
0xd: {  	[smem:$0x3FAE] =	sst s5  }
0xe: {  	[smem:$0x3FAF] =	sst s6  }
0xf: {  	[smem:$0x3FB0] =	sst s7  }
0x10: {  	[smem:$0x3FB1] =	sst s8  }
0x11: {  	[smem:$0x3FB2] =	sst s9;
	s0 =	simm.s32 @!p0 $0x0  }
0x12: {  	s1 =	sld [smem:$0x3F98];
	s0 =	simm.s32 @p0 $0x1  }
0x13: {  	[smem:$0x3FB3] =	sst s0;
	s0 =	simm.s32 @!p1 $0x0  }
0x14: {  	s2 =	sld [smem:$0x3F97];
	s0 =	simm.s32 @p1 $0x1  }
0x15: {  	[smem:$0x3FB4] =	sst s0;
	s0 =	simm.s32 @!p2 $0x0  }
0x16: {  	s3 =	sld [smem:$0x3FDB];
	s0 =	simm.s32 @p2 $0x1  }
0x17: {  	s4 =	simm.s32 $0x1BF5;
	[smem:$0x3FB6] =	sst s0  }
0x18: {  	s0 =	sld [smem:$0x3F99];
	_ =	swait.ge [sflag:s4], $0x0  }
0x19: {  	s7 =	sld [smem:$0x3F9A]  }
0x1a: {  	s8 =	sadd.s32 $0xFFFFE003, lr  }
0x1b: {  	s9 =	sadd.s32 $0xFFFFFEF7, lr;
	s5 =	simm.s32 $0xFFFFFFFF;
	p2 =	slt.u32 s8, $0xFFFFF086  }
0x1c: {  	p1 =	slt.u32 s9, $0xF7A;
	s5 =	simm.s32 @!p2 $0x0  }
0x1d: {  	s5 =	simm.s32 @p1 $0x1;
	p0 =	seq.s32 s7, s2  }
0x1e: {  	s7 =	smul.u32 @!p0 $0xF7A, s2;
	p2 =	seq.s32 @!p0 s5, $0x0  }
0x1f: {  	s9 =	smul.u32 $0xF7A, s1;
	s8 =	simm.s32 @!p0 $0x1BF5;
	p2 =	por !p2, p0  }
0x20: {  	[sflag:s8] =	ssyncset.s32 @!p0 $0xFFFFF086;
	s6 =	sadd.s32 @!p0 s3, s7;
	s7 =	simm.s32 @!p0 $0x108  }
0x21: {  	s3 =	sadd.s32 s3, s9;
	s6 =	sadd.s32 @!p0 $0x88, s6;
	s7 =	simm.s32 @p2 $0x1082  }
0x22: {  	[simem:s7], [sflag:s8] =	dma.local @!p0 [hbm:s6], $0xF7A  }
0x23: {  	s9 =	sor.u32 $0xD0000000, s2;
	s6 =	simm.s32 $0x108;
	_ =	swait.ge @!p0 [sflag:s8], $0x0  }
0x24: {  	s3 =	sadd.s32 $0x88, s3;
	s6 =	simm.s32 @!p1 $0x1082;
	[sflag:s4] =	ssyncset.s32 $0xFFFFF086  }
0x25: {  	[simem:s6], [sflag:s4] =	dma.local [hbm:s3], $0xF7A  }
0x26: {  	[smem:$0x3F9A] =	sst s1;
	(tag) =	ssettag s2;
	_ =	strace s9  }
0x27: {  	s1 =	sld [smem:$0x3FAA]  }
0x28: {  	s2 =	sld [smem:$0x3FAB]  }
0x29: {  	s4 =	sld [smem:$0x3FAD]  }
0x2a: {  	p0 =	seq.s32 s5, $0x0;
	s5 =	sld [smem:$0x3FAE]  }
0x2b: {  	s6 =	sld [smem:$0x3FAF]  }
0x2c: {  	s7 =	sld [smem:$0x3FB0]  }
0x2d: {  	s3 =	simm.s32 $0x108;
	s8 =	sld [smem:$0x3FB1]  }
0x2e: {  	s3 =	simm.s32 @!p0 $0x1082;
	s9 =	sld [smem:$0x3FB2]  }
0x2f: {  	lr =	sadd.s32 s0, s3;
	s0 =	sld [smem:$0x3FA9]  }
0x30: {  	s3 =	sld [smem:$0x3FAC]  }
0x31: {  	[smem:$0x3FB5] =	sst s10  }
0x32: {  	s10 =	sld [smem:$0x3FB3];
	_ =	sdelay $0x3  }
0x33: {  	p0 =	seq.s32 s10, $0x1;
	s10 =	sld [smem:$0x3FB5];
	_ =	sdelay $0x3  }
0x34: {  	[smem:$0x3FB5] =	sst s10  }
0x35: {  	s10 =	sld [smem:$0x3FB4];
	_ =	sdelay $0x3  }
0x36: {  	p1 =	seq.s32 s10, $0x1;
	s10 =	sld [smem:$0x3FB5];
	_ =	sdelay $0x3  }
0x37: {  	[smem:$0x3FB5] =	sst s10  }
0x38: {  	s10 =	sld [smem:$0x3FB6]  }
0x39: {  	_ = 	snop;
	(pc) =	sbr.ind lr, $3  }
0x3a: {  	_ = 	snop  }
0x3b: {  	_ = 	snop  }
0x3c: {  	p2 =	seq.s32 s10, $0x1;
	s10 =	sld [smem:$0x3FB5]  }
0x3d: {  	_ =	shalt  }
0x3e: {  	_ =	shalt  }
0x3f: {  	_ =	shalt  }
0x40: {  	_ =	shalt  }
0x41: {  	_ =	shalt  }
0x42: {  	_ =	shalt  }
0x43: {  	_ =	shalt  }
0x44: {  	_ =	shalt  }
0x45: {  	_ =	shalt  }
0x46: {  	_ =	shalt  }
0x47: {  	_ =	shalt  }
0x48: {  	_ =	shalt  }
0x49: {  	_ =	shalt  }
0x4a: {  	_ =	shalt  }
0x4b: {  	_ =	shalt  }
0x4c: {  	_ =	shalt  }
0x4d: {  	_ =	shalt  }
0x4e: {  	_ =	shalt  }
0x4f: {  	_ =	shalt  }
0x50: {  	_ =	shalt  }
0x51: {  	_ =	shalt  }
0x52: {  	_ =	shalt  }
0x53: {  	_ =	shalt  }
0x54: {  	_ =	shalt  }
0x55: {  	_ =	shalt  }
0x56: {  	_ =	shalt  }
0x57: {  	_ =	shalt  }
0x58: {  	_ =	shalt  }
0x59: {  	_ =	shalt  }
0x5a: {  	_ =	shalt  }
0x5b: {  	_ =	shalt  }
0x5c: {  	_ =	shalt  }
0x5d: {  	_ =	shalt  }
0x5e: {  	_ =	shalt  }
0x5f: {  	_ =	shalt  }
0x60: {  	_ =	shalt  }
0x61: {  	_ =	shalt  }
0x62: {  	_ =	shalt  }
0x63: {  	_ =	shalt  }
0x64: {  	_ =	shalt  }
0x65: {  	_ =	shalt  }
0x66: {  	_ =	shalt  }
0x67: {  	_ =	shalt  }
0x68: {  	_ =	shalt  }
0x69: {  	_ =	shalt  }
0x6a: {  	_ =	shalt  }
0x6b: {  	_ =	shalt  }
0x6c: {  	_ =	shalt  }
0x6d: {  	_ =	shalt  }
0x6e: {  	_ =	shalt  }
0x6f: {  	_ =	shalt  }
0x70: {  	_ =	shalt  }
0x71: {  	_ =	shalt  }
0x72: {  	_ =	shalt  }
0x73: {  	_ =	shalt  }
0x74: {  	_ =	shalt  }
0x75: {  	_ =	shalt  }
0x76: {  	_ =	shalt  }
0x77: {  	_ =	shalt  }
0x78: {  	_ =	shalt  }
0x79: {  	_ =	shalt  }
0x7a: {  	_ =	shalt  }
0x7b: {  	_ =	shalt  }
0x7c: {  	_ =	shalt  }
0x7d: {  	_ =	shalt  }
0x7e: {  	_ =	shalt  }
0x7f: {  	_ =	shalt  }
0x80: {  	_ =	shalt  }
0x81: {  	_ =	shalt  }
0x82: {  	_ =	shalt  }
0x83: {  	_ =	shalt  }
0x84: {  	_ =	shalt  }
0x85: {  	_ =	shalt  }
0x86: {  	_ =	shalt  }
0x87: {  	_ =	shalt  }
.Lfunc_end0:
.L_simem_size_0:
called_computation_lowered:
.L_overlay_start_0:
0x88: {  	s2 =	sld [smem:$0x3FD9]  }
0x89: {  	s3 =	sld [smem:$0x3FFE];
	_ =	sdelay $0x1  }
0x8a: {  	s1 =	srdreg.scid  }
0x8b: {  	s0 =	sand.u32 $0x1, s1  }
0x8c: {  	s17 =	sshll.u32 s0, $0xA;
	s2 =	sadd.s32 s3, s2  }
0x8d: {  	s2 =	sadd.s32 s2, s17  }
0x8e: {  	[smem:$0x3FC1] =	sst s2  }
0x8f: {  	_ = 	snop  }
0x90: {  	s2 =	sld [smem:$0x3FC6]  }
0x91: {  	s18 =	sld [smem:$0x3FC5]  }
0x92: {  	s4 =	sld [smem:$0x3FC4]  }
0x93: {  	s5 =	sld [smem:$0x3FC3]  }
0x94: {  	s6 =	sld [smem:$0x3FD0];
	(tm) =	ssettm $0x1  }
0x95: {  	s7 =	sld [smem:$0x3FFB];
	_ =	sdelay $0x3  }
0x96: {  	_ =	strace s7  }
0x97: {  	s7 =	sld [smem:$0x3FFC];
	_ =	sdelay $0x3  }
0x98: {  	_ =	strace s7  }
0x99: {  	s7 =	sld [smem:$0x3FFD];
	_ =	sdelay $0x3  }
0x9a: {  	_ =	strace s7  }
0x9b: {  	_ =	strace $0x8FFFFFFF  }
0x9c: {  	s19 =	sld [smem:$0x3FDB];
	_ =	sdelay $0x1  }
0x9d: {  	s8 =	simm.s32 $_scs_section_size  }
0x9e: {  	s9 =	simm.s32 $_size__tile_overlayer_lowered;
	s10 =	simm.s32 $_tile_overlayer_lowered  }
0x9f: {  	s22 =	simm.s32 $0x1BFF;
	s21 =	sshll.u32 s10, $0x1;
	s7 =	sadd.s32 s8, s19  }
0xa0: {  	s11 =	simm.s32 $0x0;
	s20 =	sshll.u32 s9, $0x1;
	s9 =	sadd.s32 s21, s7  }
0xa1: {  	[timem:s11], [sflag:s22] =	dma.local [hbm:s9], s20  }
0xa2: {  	_ =	swait.ge [sflag:s22], s20  }
0xa3: {  	s8 =	ssub.s32 $0x0, s20;
	[sflag:s22] =	ssyncset.done $0x0  }
0xa4: {  	[sflag:s22] =	ssyncadd.s32 s8;
	_ =	sdelay $0x1  }
0xa5: {  	s23 =	simm.s32 $0x1B8B  }
0xa6: {  	_ =	swait.ge [sflag:s23], $0x1  }
0xa7: {  	[sflag:s23] =	ssyncset.done $0x0  }
0xa8: {  	s25 =	simm.s32 $0x1B8E;
	s24 =	sld [smem:$0x3FFE];
	[sflag:s23] =	ssyncadd.s32 $0xFFFFFFFF  }
0xa9: {  	s26 =	simm.s32 $execute0_lowered;
	[smem:$0x3FD2] =	sst s25  }
0xaa: {  	s9 =	sshll.u32 s26, $0x1;
	_ =	strace $0x80000046;
	[dreg:$0x1] =	wrdreg $0xFFFFFFFF  }
0xab: {  	s28 =	simm.s32 $_size_execute0_lowered;
	s7 =	sadd.s32 s7, s9;
	[dreg:$0x0] =	wrdreg $0x0  }
0xac: {  	s9 =	sshll.u32 s28, $0x1;
	[dreg:$0x2] =	wrdreg s7  }
0xad: {  	[dreg:$0x3] =	wrdreg s9  }
0xae: {  	[dreg:$0x4] =	wrdreg $0xC0  }
0xaf: {  	_ =	task [dreg:s11], $0x5FFFF  }
0xb0: {  	[dreg:$0x1] =	wrdreg $0xFFFFFFFF  }
0xb1: {  	[dreg:$0x0] =	wrdreg $0x60  }
0xb2: {  	[dreg:$0x2] =	wrdreg s24  }
0xb3: {  	[dreg:$0x3] =	wrdreg s2  }
0xb4: {  	[dreg:$0x4] =	wrdreg s18  }
0xb5: {  	[dreg:$0x5] =	wrdreg s4  }
0xb6: {  	[dreg:$0x6] =	wrdreg s5  }
0xb7: {  	[dreg:$0x7] =	wrdreg s6  }
0xb8: {  	[dreg:$0x8] =	wrdreg $0x9  }
0xb9: {  	_ =	task.clear_ibuf [dreg:s11], $0x9FFFF;
	_ =	strace $0x90000046  }
0xba: {  	s29 =	simm.s32 $0x9;
	_ =	strace $0x80000048  }
0xbb: {  	_ =	swait.ge [sflag:s29], $0x1  }
0xbc: {  	[sflag:s29] =	ssyncadd.s32 $0xFFFFFFFF  }
0xbd: {  	_ =	strace $0x90000048  }
0xbe: {  	_ =	sfence  }
0xbf: {  	s30 =	sld [smem:$0x0];
	_ =	sdelay $0x2  }
0xc0: {  	s31 =	sshll.u32 s1, $0xD;
	s1 =	sshrl.u32 s1, $0x2  }
0xc1: {  	s3 =	sand.u32 $0x4000, s31;
	s1 =	sadd.s32 s1, s30  }
0xc2: {  	s0 =	sor.u32 s3, s0;
	s1 =	sshll.u32 s1, $0x11  }
0xc3: {  	s0 =	sor.u32 s1, s0  }
0xc4: {  	s0 =	sadd.s32 $0x8F2B, s0  }
0xc5: {  	[sflag:s0] =	ssyncadd.remote.s32 $0x1  }
0xc6: {  	_ =	sfence.sel $0xFFFF  }
0xc7: {  	[dreg:$0x0] =	wrdreg $0xFFFFFFFF;
	(pc) =	sbr.abs _section_cstart, $3  }
0xc8: {  	[dreg:$0x1] =	wrdreg $0xFFFFFFFF  }
0xc9: {  	_ =	task.clear_ibuf [dreg:s11], $0x2FFFF;
	_ =	strace $0x9FFFFFFF  }
0xca: {  	(tm) =	ssettm $0x7FFFFFFF  }
0xcb: {  	_ =	shalt  }
tec
execute0_lowered:
.L_overlay_start_1:
0x0: {  	(tag) =	ssettag $0x1  }
0x1: {  	s3 =	srdreg.scid;
	s4 =	stileid.u32  }
0x2: {  	s0 =	rddreg [dreg:$0x0];
	s3 =	sand.u32 $0x1, s3;
	s4 =	sshll.u32 s4, $0x1  }
0x3: {  	s1 =	rddreg [dreg:$0x1];
	s4 =	sor.u32 s3, s4  }
0x4: {  	s2 =	rddreg [dreg:$0x2];
	s5 =	smul.u32 $0x6400, s4  }
0x5: {  	s6 =	rddreg [dreg:$0x5];
	s7 =	simm.s32 $0x0;
	s23 =	smul.u32 $0x320000, s4  }
0x6: {  	[smem:$0x7FF] =	sst s7;
	s8 =	sadd.s32 $0x800, s0  }
0x7: {  	_ =	strace $0x80000047;
	s24 =	sor.u32 $0x100, s5;
	[dreg:$0x13] =	wrdreg s23  }
0x8: {  	s9 =	sadd.s32 $0x19800, s0;
	s25 =	sor.u32 $0x140, s5;
	[dreg:$0x14] =	wrdreg s24  }
0x9: {  	s10 =	sadd.s32 $0x32800, s0;
	s26 =	sor.u32 $0x40, s5;
	[dreg:$0x15] =	wrdreg s25  }
0xa: {  	s3 =	ssub.s32 $0x2, s3;
	s28 =	sor.u32 $0x180, s5;
	[dreg:$0x16] =	wrdreg s26  }
0xb: {  	s11 =	sshrl.u32 s3, $0x1;
	s29 =	sor.u32 $0x80, s5;
	[dreg:$0x17] =	wrdreg s28  }
0xc: {  	s0 =	ssub.s32 s3, s11;
	s30 =	sor.u32 $0x1C0, s5;
	[dreg:$0x18] =	wrdreg s29  }
0xd: {  	s31 =	sshrl.u32 s5, $0x3;
	s0 =	smax.u32 s0, $0x1;
	[dreg:$0x19] =	wrdreg s30  }
0xe: {  	s13 =	sadd.s32 s8, s31;
	[dreg:$0x1a] =	wrdreg s0  }
0xf: {  	s14 =	sadd.s32 s9, s31;
	s15 =	sor.u32 $0x8, s31;
	[dreg:$0x7] =	wrdreg s13  }
0x10: {  	s12 =	sadd.s32 s10, s31;
	s17 =	sor.u32 $0x10, s31;
	[dreg:$0x8] =	wrdreg s14  }
0x11: {  	s3 =	sor.u32 $0x18, s31;
	s31 =	sor.u32 $0x6000, s23;
	[dreg:$0x9] =	wrdreg s12  }
0x12: {  	v0 =	vimm.s32 $0x76543210;
	v1 =	vimm.s32 $0xFEDCBA98;
	v2 =	vimm.s32 $0xBA98FEDC;
	s16 =	sadd.s32 s8, s15;
	[dreg:$0x1b] =	wrdreg s31  }
0x13: {  	v3 =	vimm.s32 $0x32107654;
	v4 =	vimm.s32 $0xDCFE98BA;
	v5 =	vimm.s32 $0x54761032;
	s13 =	sadd.s32 s9, s15;
	[dreg:$0xa] =	wrdreg s16  }
0x14: {  	v6 =	vimm.s32 $0xEFCDAB89;
	v7 =	vimm.s32 $0x67452301;
	s4 =	simm.s32 $0xD;
	s11 =	sadd.s32 s10, s15;
	[dreg:$0xb] =	wrdreg s13  }
0x15: {  	v1 =	vunpack.c.l.s4.s8 v1;
	v0 =	vunpack.c.l.s4.s8 v0;
	v2 =	vunpack.c.l.s4.s8 v2;
	s5 =	simm.s32 $0xA;
	s18 =	sadd.s32 s8, s17;
	[dreg:$0xc] =	wrdreg s11  }
0x16: {  	v3 =	vunpack.c.l.s4.s8 v3;
	v4 =	vunpack.c.l.s4.s8 v4;
	v5 =	vunpack.c.l.s4.s8 v5;
	s24 =	simm.s32 $0xC;
	s19 =	sadd.s32 s9, s17;
	[dreg:$0xd] =	wrdreg s18  }
0x17: {  	v6 =	vunpack.c.l.s4.s8 v6;
	v7 =	vunpack.c.l.s4.s8 v7;
	v1 =	vunpack.c.0.s8.s32 v1;
	s25 =	simm.s32 $0xE;
	s20 =	sadd.s32 s10, s17;
	[dreg:$0xe] =	wrdreg s19  }
0x18: {  	v2 =	vunpack.c.0.s8.s32 v2;
	v3 =	vunpack.c.0.s8.s32 v3;
	v4 =	vunpack.c.0.s8.s32 v4;
	s21 =	sadd.s32 s8, s3;
	s22 =	sadd.s32 s9, s3;
	[dreg:$0xf] =	wrdreg s20  }
0x19: {  	v5 =	vunpack.c.0.s8.s32 v5;
	v6 =	vunpack.c.0.s8.s32 v6;
	v7 =	vunpack.c.0.s8.s32 v7;
	s3 =	sadd.s32 s10, s3;
	s12 =	simm.s32 $0x5;
	[dreg:$0x10] =	wrdreg s21  }
0x1a: {  	v0 =	vunpack.c.0.s8.s32 v0;
	v2 =	vcombine.low v3, v2;
	s14 =	simm.s32 $0x6;
	s15 =	simm.s32 $0x0;
	[dreg:$0x11] =	wrdreg s22  }
0x1b: {  	v3 =	vcombine.low v5, v4;
	v4 =	vcombine.low v7, v6;
	v1 =	vand.u32 $0xF, v1;
	[dreg:$0x12] =	wrdreg s3;
	s13 =	simm.s32 $0x40;
	s18 =	simm.s32 $0x3  }
0x1c: {  	v0 =	vcombine.low v1, v0;
	s19 =	simm.s32 $0x12;
	s3 =	simm.s32 $0x4;
	s20 =	simm.s32 $0x7  }
0x1d: {  	v1 =	vand.u32 $0xF, v2;
	v2 =	vand.u32 $0xF, v3;
	v3 =	vand.u32 $0xF, v4;
	s21 =	simm.s32 $0x8;
	s22 =	simm.s32 $0x9;
	s11 =	simm.s32 $0xB  }
.LBB2_1:
0x1e: {  	[dreg:$0x1c] =	wrdreg s15  }
0x1f: {  	s0 =	rddreg [dreg:$0x3];
	s31 =	simm.s32 $0x1C600;
	s16 =	simm.s32 $0x13  }
0x20: {  	[tilespmem:s31], [sflag:$0x13] =	stream.linear.gather [hbm4b:s0+s7], $0x80, $0x38;
	[tilespmem:$0x1C700] =	vst v63  }
0x21: {  	_ =	swait.ge [sflag:s16], $0x80  }
0x22: {  	[sflag:s16] =	ssyncset.done $0x0  }
0x23: {  	[sflag:s16] =	ssyncadd.s32 $0xFFFFFF80  }
0x24: {  	s23 =	simm.s32 $0x1C680;
	s17 =	rddreg [dreg:$0x4]  }
0x25: {  	[tilespmem:s23], [sflag:$0x13] =	stream.linear.gather [hbm4b:s17+s7], $0x80, $0x38;
	[tilespmem:$0x1C700] =	vst v63  }
0x26: {  	_ =	swait.ge [sflag:s16], $0x80  }
0x27: {  	[sflag:s16] =	ssyncset.done $0x0  }
0x28: {  	[sflag:s16] =	ssyncadd.s32 $0xFFFFFF80  }
0x29: {  	v4 =	vld [tilespmem:$0x1C600]  }
0x2a: {  	v5 =	vld [tilespmem:$0x1C610]  }
0x2b: {  	v6 =	vld [tilespmem:$0x1C620]  }
0x2c: {  	v7 =	vld [tilespmem:$0x1C630]  }
0x2d: {  	v8 =	vld [tilespmem:$0x1C640]  }
0x2e: {  	v9 =	vld [tilespmem:$0x1C650]  }
0x2f: {  	v10 =	vld [tilespmem:$0x1C660]  }
0x30: {  	v11 =	vld [tilespmem:$0x1C670]  }
0x31: {  	v12 =	vld [tilespmem:$0x1C680]  }
0x32: {  	v13 =	vld [tilespmem:$0x1C690]  }
0x33: {  	v14 =	vld [tilespmem:$0x1C6A0]  }
0x34: {  	v15 =	vld [tilespmem:$0x1C6B0]  }
0x35: {  	v16 =	vld [tilespmem:$0x1C6C0]  }
0x36: {  	v17 =	vld [tilespmem:$0x1C6D0]  }
0x37: {  	s23 =	rddreg [dreg:$0x7];
	v18 =	vld [tilespmem:$0x1C6E0]  }
0x38: {  	v19 =	vld [tilespmem:$0x1C6F0];
	[tilespmem:s7], [sflag:$0xF] =	stream.linear.gather [hbm4b:s23+s7], $0x40, $0x38  }
0x39: {  	s15 =	simm.s32 $0x80;
	s26 =	rddreg [dreg:$0x8]  }
0x3a: {  	[tilespmem:s15], [sflag:$0xF] =	stream.linear.gather [hbm4b:s26+s7], $0x40, $0x38;
	[tilespmem:$0x1C700] =	vst v63  }
0x3b: {  	s28 =	rddreg [dreg:$0x9];
	s23 =	simm.s32 $0x100  }
0x3c: {  	[tilespmem:s23], [sflag:$0xF] =	stream.linear.gather [hbm4b:s28+s7], $0x40, $0x38;
	[tilespmem:$0x1C700] =	vst v63  }
0x3d: {  	s29 =	rddreg [dreg:$0xa];
	s26 =	simm.s32 $0x180  }
0x3e: {  	[tilespmem:s26], [sflag:$0x10] =	stream.linear.gather [hbm4b:s29+s7], $0x40, $0x38;
	[tilespmem:$0x1C700] =	vst v63  }
0x3f: {  	s30 =	rddreg [dreg:$0xb];
	s28 =	simm.s32 $0x200  }
0x40: {  	[tilespmem:s28], [sflag:$0x10] =	stream.linear.gather [hbm4b:s30+s7], $0x40, $0x38;
	[tilespmem:$0x1C700] =	vst v63  }
0x41: {  	s31 =	rddreg [dreg:$0xc];
	s29 =	simm.s32 $0x280  }
0x42: {  	[tilespmem:s29], [sflag:$0x10] =	stream.linear.gather [hbm4b:s31+s7], $0x40, $0x38;
	[tilespmem:$0x1C700] =	vst v63  }
0x43: {  	s16 =	rddreg [dreg:$0xd];
	s30 =	simm.s32 $0x300  }
0x44: {  	[tilespmem:s30], [sflag:$0x11] =	stream.linear.gather [hbm4b:s16+s7], $0x40, $0x38;
	[tilespmem:$0x1C700] =	vst v63  }
0x45: {  	s17 =	rddreg [dreg:$0xe];
	s31 =	simm.s32 $0x380  }
0x46: {  	[tilespmem:s31], [sflag:$0x11] =	stream.linear.gather [hbm4b:s17+s7], $0x40, $0x38;
	[tilespmem:$0x1C700] =	vst v63  }
0x47: {  	s0 =	rddreg [dreg:$0xf];
	s16 =	simm.s32 $0x400  }
0x48: {  	[tilespmem:s16], [sflag:$0x11] =	stream.linear.gather [hbm4b:s0+s7], $0x40, $0x38;
	[tilespmem:$0x1C700] =	vst v63  }
0x49: {  	s17 =	simm.s32 $0x480;
	s0 =	rddreg [dreg:$0x10]  }
0x4a: {  	[tilespmem:s17], [sflag:$0x12] =	stream.linear.gather [hbm4b:s0+s7], $0x40, $0x38;
	[tilespmem:$0x1C700] =	vst v63  }
0x4b: {  	s17 =	simm.s32 $0x500;
	s0 =	rddreg [dreg:$0x11]  }
0x4c: {  	[tilespmem:s17], [sflag:$0x12] =	stream.linear.gather [hbm4b:s0+s7], $0x40, $0x38;
	[tilespmem:$0x1C700] =	vst v63  }
0x4d: {  	s0 =	rddreg [dreg:$0x12];
	s17 =	simm.s32 $0x580  }
0x4e: {  	[tilespmem:s17], [sflag:$0x12] =	stream.linear.gather [hbm4b:s0+s7], $0x40, $0x38;
	[tilespmem:$0x1C700] =	vst v63  }
0x4f: {  	s0 =	simm.s32 $0xF  }
0x50: {  	_ =	swait.ge [sflag:s0], $0x40  }
0x51: {  	[sflag:s0] =	ssyncset.done $0x0  }
0x52: {  	[sflag:s0] =	ssyncadd.s32 $0xFFFFFFC0  }
0x53: {  	_ =	swait.ge [sflag:s0], $0x40  }
0x54: {  	[sflag:s0] =	ssyncset.done $0x0  }
0x55: {  	[sflag:s0] =	ssyncadd.s32 $0xFFFFFFC0  }
0x56: {  	_ =	swait.ge [sflag:s0], $0x40  }
0x57: {  	[sflag:s0] =	ssyncset.done $0x0  }
0x58: {  	[sflag:s0] =	ssyncadd.s32 $0xFFFFFFC0;
	s0 =	simm.s32 $0x600  }
0x59: {  	[tilespmem:s0], [sflag:$0x1] =	stream.indirect.gather [hbm4b:s1+s13], $0x80, s7, s13, $0xb8;
	[tilespmem:$0x1C700] =	vst v63  }
0x5a: {  	s0 =	simm.s32 $0x2600  }
0x5b: {  	[tilespmem:s0], [sflag:$0x2] =	stream.indirect.gather [hbm4b:s2+s13], $0x80, s15, s13, $0xb8;
	[tilespmem:$0x1C700] =	vst v63  }
0x5c: {  	s15 =	simm.s32 $0x4600  }
0x5d: {  	[tilespmem:s15], [sflag:$0x3] =	stream.indirect.gather [hbm4b:s2+s13], $0x80, s23, s13, $0xb8;
	[tilespmem:$0x1C700] =	vst v63  }
0x5e: {  	s23 =	simm.s32 $0x10  }
0x5f: {  	_ =	swait.ge [sflag:s23], $0x40  }
0x60: {  	[sflag:s23] =	ssyncset.done $0x0  }
0x61: {  	[sflag:s23] =	ssyncadd.s32 $0xFFFFFFC0  }
0x62: {  	_ =	swait.ge [sflag:s23], $0x40  }
0x63: {  	[sflag:s23] =	ssyncset.done $0x0  }
0x64: {  	[sflag:s23] =	ssyncadd.s32 $0xFFFFFFC0  }
0x65: {  	_ =	swait.ge [sflag:s23], $0x40  }
0x66: {  	[sflag:s23] =	ssyncset.done $0x0  }
0x67: {  	s15 =	simm.s32 $0x6600;
	[sflag:s23] =	ssyncadd.s32 $0xFFFFFFC0  }
0x68: {  	[tilespmem:s15], [sflag:$0x4] =	stream.indirect.gather [hbm4b:s1+s13], $0x80, s26, s13, $0xb8;
	[tilespmem:$0x1C700] =	vst v63  }
0x69: {  	s23 =	simm.s32 $0x8600  }
0x6a: {  	[tilespmem:s23], [sflag:$0x5] =	stream.indirect.gather [hbm4b:s2+s13], $0x80, s28, s13, $0xb8;
	[tilespmem:$0x1C700] =	vst v63  }
0x6b: {  	s26 =	simm.s32 $0xA600;
	s28 =	simm.s32 $0x11  }
0x6c: {  	[tilespmem:s26], [sflag:$0x6] =	stream.indirect.gather [hbm4b:s2+s13], $0x80, s29, s13, $0xb8;
	[tilespmem:$0x1C700] =	vst v63  }
0x6d: {  	_ =	swait.ge [sflag:s28], $0x40  }
0x6e: {  	[sflag:s28] =	ssyncset.done $0x0  }
0x6f: {  	[sflag:s28] =	ssyncadd.s32 $0xFFFFFFC0  }
0x70: {  	_ =	swait.ge [sflag:s28], $0x40  }
0x71: {  	[sflag:s28] =	ssyncset.done $0x0  }
0x72: {  	[sflag:s28] =	ssyncadd.s32 $0xFFFFFFC0  }
0x73: {  	_ =	swait.ge [sflag:s28], $0x40  }
0x74: {  	[sflag:s28] =	ssyncset.done $0x0  }
0x75: {  	s29 =	simm.s32 $0xC600;
	[sflag:s28] =	ssyncadd.s32 $0xFFFFFFC0  }
0x76: {  	[tilespmem:s29], [sflag:$0x7] =	stream.indirect.gather [hbm4b:s1+s13], $0x80, s30, s13, $0xb8;
	[tilespmem:$0x1C700] =	vst v63  }
0x77: {  	s30 =	simm.s32 $0xE600  }
0x78: {  	[tilespmem:s30], [sflag:$0x8] =	stream.indirect.gather [hbm4b:s2+s13], $0x80, s31, s13, $0xb8;
	[tilespmem:$0x1C700] =	vst v63  }
0x79: {  	s31 =	simm.s32 $0x10600  }
0x7a: {  	[tilespmem:s31], [sflag:$0x9] =	stream.indirect.gather [hbm4b:s2+s13], $0x80, s16, s13, $0xb8;
	[tilespmem:$0x1C700] =	vst v63  }
0x7b: {  	s17 =	simm.s32 $0x1;
	s23 =	simm.s32 $0x0;
	s16 =	simm.s32 $0x480  }
.LBB2_2:
0x7c: {  	_ =	swait.ge [sflag:s17], $0x2000  }
0x7d: {  	[sflag:s17] =	ssyncset.done $0x0  }
0x7e: {  	s0 =	simm.s32 $0x2;
	[sflag:s17] =	ssyncadd.s32 $0xFFFFE000  }
0x7f: {  	_ =	swait.ge [sflag:s0], $0x2000  }
0x80: {  	[sflag:s0] =	ssyncset.done $0x0  }
0x81: {  	[sflag:s0] =	ssyncadd.s32 $0xFFFFE000  }
0x82: {  	_ =	swait.ge [sflag:s18], $0x2000  }
0x83: {  	[sflag:s18] =	ssyncset.done $0x0  }
0x84: {  	[sflag:s18] =	ssyncadd.s32 $0xFFFFE000  }
0x85: {  	_ =	swait.ge [sflag:s19], $0x40  }
0x86: {  	[sflag:s19] =	ssyncset.done $0x0  }
0x87: {  	[sflag:s19] =	ssyncadd.s32 $0xFFFFFFC0  }
0x88: {  	_ =	swait.ge [sflag:s19], $0x40  }
0x89: {  	[sflag:s19] =	ssyncset.done $0x0  }
0x8a: {  	[sflag:s19] =	ssyncadd.s32 $0xFFFFFFC0  }
0x8b: {  	s26 =	simm.s32 $0x12600;
	_ =	swait.ge [sflag:s19], $0x40  }
0x8c: {  	s29 =	simm.s32 $0x14600;
	p0 =	seq.s32 s23, $0x63;
	[sflag:s19] =	ssyncset.done $0x0  }
0x8d: {  	s28 =	sshll.u32 @!p0 s23, $0x8;
	s0 =	rddreg [dreg:$0x14];
	[sflag:s19] =	ssyncadd.s32 $0xFFFFFFC0  }
0x8e: {  	[tilespmem:s26], [sflag:$0xA] =	stream.indirect.gather [hbm4b:s1+s13], $0x80, s16, s13, $0xb8;
	[tilespmem:$0x1C700] =	vst v63  }
0x8f: {  	s15 =	simm.s32 $0x500;
	s30 =	simm.s32 $0x580;
	s0 =	sadd.s32 @!p0 s28, s0  }
0x90: {  	[tilespmem:s29], [sflag:$0xB] =	stream.indirect.gather [hbm4b:s2+s13], $0x80, s15, s13, $0xb8;
	[tilespmem:$0x1C700] =	vst v63  }
0x91: {  	s31 =	simm.s32 $0x16600;
	p1 =	seq.s32 @!p0 s23, $0x0;
	s0 =	sshrl.u32 @!p0 s0, $0x3  }
0x92: {  	[tilespmem:s31], [sflag:$0xC] =	stream.indirect.gather [hbm4b:s2+s13], $0x80, s30, s13, $0xb8;
	[tilespmem:$0x1C700] =	vst v63  }
0x93: {  	p1 =	por p0, !p1;
	s26 =	simm.s32 @!p0 $0x0;
	s15 =	sadd.s32 @!p0 s8, s0  }
0x94: {  	[tilespmem:s26], [sflag:$0xF] =	stream.linear.gather @!p0 [hbm4b:s15+s26], $0x40, $0x38;
	[tilespmem:$0x1C700] =	vst v63  }
.Ltmp0:
0x95: {  	_ = 	snop;
	(pc) =	sbr.rel @!p1 .LBB2_3-.Ltmp0, $4  }
0x96: {  	s29 =	simm.s32 @!p0 $0x80;
	s15 =	sadd.s32 @!p0 s9, s0  }
0x97: {  	[tilespmem:s29], [sflag:$0xF] =	stream.linear.gather @!p0 [hbm4b:s15+s26], $0x40, $0x38;
	[tilespmem:$0x1C700] =	vst v63  }
0x98: {  	s0 =	sadd.s32 @!p0 s10, s0;
	s15 =	simm.s32 @!p0 $0x100  }
0x99: {  	[tilespmem:s15], [sflag:$0xF] =	stream.linear.gather @!p0 [hbm4b:s0+s26], $0x40, $0x38;
	[tilespmem:$0x1C700] =	vst v63  }
.Ltmp1:
0x9a: {  	(pc) =	sbr.rel .LBB2_5-.Ltmp1, $4  }
0x9b: {  	_ = 	snop  }
0x9c: {  	_ =	swait.ge [sflag:s4], $0x2000  }
0x9d: {  	[sflag:s4] =	ssyncset.done $0x0  }
0x9e: {  	p1 =	por $0x0, $0x0;
	[sflag:s4] =	ssyncadd.s32 $0xFFFFE000  }
.LBB2_3:
0x9f: {  	p1 =	por @!p0 $0x1, $0x1  }
.LBB2_5:
0xa0: {  	s29 =	simm.s32 $0x0  }
0xa1: {  	v20 =	vld [tilespmem:s29+$0x4600]  }
0xa2: {  	v21 =	vld [tilespmem:s29+$0x4610]  }
0xa3: {  	v22 =	vld [tilespmem:s29+$0x4620]  }
0xa4: {  	v23 =	vld [tilespmem:s29+$0x600]  }
0xa5: {  	v24 =	vld [tilespmem:s29+$0x2600]  }
0xa6: {  	v25 =	vld [tilespmem:s29+$0x610]  }
0xa7: {  	v26 =	vld [tilespmem:s29+$0x2610]  }
0xa8: {  	v27 =	vld [tilespmem:s29+$0x620]  }
0xa9: {  	v28 =	vld [tilespmem:s29+$0x2620]  }
0xaa: {  	v29 =	vld [tilespmem:s29+$0x630]  }
0xab: {  	v30 =	vld [tilespmem:s29+$0x2630]  }
0xac: {  	v31 =	vld [tilespmem:s29+$0x640]  }
0xad: {  	v32 =	vld [tilespmem:s29+$0x2640]  }
0xae: {  	v33 =	vld [tilespmem:s29+$0x650]  }
0xaf: {  	v34 =	vld [tilespmem:s29+$0x2650]  }
0xb0: {  	v35 =	vld [tilespmem:s29+$0x660]  }
0xb1: {  	v36 =	vld [tilespmem:s29+$0x2660]  }
0xb2: {  	v37 =	vld [tilespmem:s29+$0x670]  }
0xb3: {  	v38 =	vld [tilespmem:s29+$0x2670]  }
0xb4: {  	v39 =	vld [tilespmem:s29+$0x4630]  }
0xb5: {  	v40 =	vld [tilespmem:s29+$0x4670];
	v23 =	vadd.f32 v24, v23  }
0xb6: {  	v24 =	vld [tilespmem:s29+$0x4640];
	v25 =	vadd.f32 v26, v25;
	v26 =	vadd.f32 v28, v27  }
0xb7: {  	v27 =	vld [tilespmem:s29+$0x4650];
	v28 =	vadd.f32 v30, v29;
	v29 =	vadd.f32 v32, v31  }
0xb8: {  	v31 =	vld [tilespmem:s29+$0x4660];
	v30 =	vadd.f32 v34, v33;
	v57 =	vadd.f32 v36, v35  }
0xb9: {  	v36 =	vadd.f32 v20, v23;
	v20 =	vadd.f32 v38, v37  }
0xba: {  	v34 =	vadd.f32 v21, v25;
	v35 =	vadd.f32 v22, v26  }
0xbb: {  	v32 =	vadd.f32 v39, v28;
	v28 =	vadd.f32 v40, v20  }
0xbc: {  	v20 =	vadd.f32 v34, v36;
	v29 =	vadd.f32 v24, v29  }
0xbd: {  	v21 =	vmul.f32 v36, v36;
	v30 =	vadd.f32 v27, v30;
	v31 =	vadd.f32 v31, v57  }
0xbe: {  	v22 =	vadd.f32 v32, v35;
	v23 =	vmul.f32 v34, v34;
	v25 =	vmul.f32 v35, v35  }
0xbf: {  	v26 =	vmul.f32 v32, v32;
	v24 =	vadd.f32 v30, v29;
	v27 =	vadd.f32 v28, v31  }
0xc0: {  	v20 =	vadd.f32 v22, v20;
	v58 =	vmul.f32 v29, v29;
	v22 =	vmul.f32 v30, v30  }
0xc1: {  	v59 =	vmul.f32 v31, v31;
	v24 =	vadd.f32 v27, v24;
	v27 =	vmul.f32 v28, v28  }
0xc2: {  	v21 =	vadd.f32 v23, v21;
	v23 =	vadd.f32 v26, v25  }
0xc3: {  	v22 =	vadd.f32 v22, v58;
	v26 =	vadd.f32 v27, v59  }
0xc4: {  	v21 =	vadd.f32 v23, v21  }
0xc5: {  	s30 =	simm.s32 $0x80;
	v20 =	vadd.f32 v24, v20;
	v22 =	vadd.f32 v26, v22  }
0xc6: {  	v61 =	vld [tilespmem:s30+$0x620]  }
0xc7: {  	v63 =	vld [tilespmem:s30+$0x2620];
	v24 =	vperm.xlane v20, v0;
	v21 =	vadd.f32 v22, v21  }
0xc8: {  	v52 =	vld [tilespmem:s30+$0x630]  }
0xc9: {  	v53 =	vld [tilespmem:s30+$0x2630];
	v20 =	vadd.f32 v20, v24;
	v60 =	vperm.xlane v21, v0  }
0xca: {  	v54 =	vld [tilespmem:s30+$0x650]  }
0xcb: {  	v55 =	vld [tilespmem:s30+$0x2650];
	v62 =	vperm.xlane v20, v1;
	v21 =	vadd.f32 v60, v21  }
0xcc: {  	v46 =	vld [tilespmem:s30+$0x660]  }
0xcd: {  	v48 =	vld [tilespmem:s30+$0x2660];
	v20 =	vadd.f32 v20, v62;
	v41 =	vperm.xlane v21, v1  }
0xce: {  	v56 =	vld [tilespmem:s30+$0x670]  }
0xcf: {  	v33 =	vld [tilespmem:s30+$0x4620];
	v43 =	vperm.xlane v20, v2;
	v21 =	vadd.f32 v41, v21  }
0xd0: {  	v23 =	vld [tilespmem:s30+$0x600]  }
0xd1: {  	v26 =	vld [tilespmem:s30+$0x2600];
	v20 =	vadd.f32 v20, v43;
	v45 =	vperm.xlane v21, v2  }
0xd2: {  	v22 =	vld [tilespmem:s30+$0x610]  }
0xd3: {  	v24 =	vld [tilespmem:s30+$0x2610];
	v47 =	vperm.xlane v20, v3;
	v21 =	vadd.f32 v45, v21  }
0xd4: {  	v25 =	vld [tilespmem:s30+$0x4600]  }
0xd5: {  	v27 =	vld [tilespmem:s30+$0x4610];
	v20 =	vadd.f32 v20, v47;
	v57 =	vperm.xlane v21, v3  }
0xd6: {  	v38 =	vadd.f32 v63, v61;
	v37 =	vadd.f32 v53, v52;
	v58 =	vld [tilespmem:s30+$0x4630]  }
0xd7: {  	v23 =	vadd.f32 v26, v23;
	v26 =	vld [tilespmem:s30+$0x2670];
	v49 =	vmul.f32 $7.812500000e-03, v20;
	v20 =	vadd.f32 v57, v21  }
0xd8: {  	v42 =	vld [tilespmem:s30+$0x640];
	v61 =	vadd.f32 v48, v46;
	v22 =	vadd.f32 v24, v22  }
0xd9: {  	v48 =	vld [tilespmem:s30+$0x4670];
	v24 =	vadd.f32 v25, v23;
	v63 =	vmul.f32 v49, v49;
	v20 =	vmul.f32 $7.812500000e-03, v20  }
0xda: {  	v44 =	vld [tilespmem:s30+$0x2640];
	v25 =	vadd.f32 v33, v38;
	v27 =	vadd.f32 v27, v22  }
0xdb: {  	v22 =	vadd.f32 v58, v37;
	v20 =	vsub.f32 v20, v63  }
0xdc: {  	v59 =	vld [tilespmem:s30+$0x4640];
	v41 =	vadd.f32 v55, v54;
	v23 =	vadd.f32 v26, v56  }
0xdd: {  	v60 =	vld [tilespmem:s30+$0x4650];
	v52 =	vadd.f32 v27, v24;
	v50 =	vadd.f32 $9.999999960e-13, v20  }
0xde: {  	v62 =	vld [tilespmem:s30+$0x4660];
	v53 =	vmul.f32 v24, v24;
	v40 =	vadd.f32 v22, v25;
	v23 =	vadd.f32 v48, v23  }
0xdf: {  	v21 =	vadd.f32 v44, v42;
	v51 =	vshra.s32 v50, $0x1;
	v38 =	vmul.f32 $5.000000000e-01, v50  }
0xe0: {  	v33 =	vadd.f32 v40, v52;
	v57 =	vmul.f32 v27, v27;
	v37 =	vsub.s32 $0x5F3759DF, v51  }
0xe1: {  	v56 =	vmul.f32 v23, v23;
	v26 =	vadd.f32 v59, v21;
	v58 =	vmul.f32 v37, v38  }
0xe2: {  	v21 =	vadd.f32 v60, v41;
	v60 =	vmul.f32 v25, v25;
	v39 =	vadd.f32 v57, v53  }
0xe3: {  	v63 =	vmul.f32 v26, v26;
	v20 =	vadd.f32 v62, v61;
	v42 =	vmul.f32 v37, v58  }
0xe4: {  	v59 =	vadd.f32 v21, v26;
	v54 =	vmul.f32 v21, v21;
	v61 =	vmul.f32 v22, v22  }
0xe5: {  	v62 =	vadd.f32 v23, v20;
	v55 =	vmul.f32 v20, v20;
	v42 =	vsub.f32 $1.500000000e+00, v42  }
0xe6: {  	s0 =	simm.s32 $0x100;
	v40 =	vadd.f32 v54, v63;
	v57 =	vadd.f32 v61, v60  }
0xe7: {  	v46 =	vld [tilespmem:s0+$0x2600];
	v43 =	vadd.f32 v62, v59;
	v58 =	vadd.f32 v56, v55;
	v37 =	vmul.f32 v37, v42  }
0xe8: {  	v48 =	vld [tilespmem:s0+$0x4650];
	v39 =	vadd.f32 v57, v39  }
0xe9: {  	v52 =	vld [tilespmem:s0+$0x2620];
	v43 =	vadd.f32 v43, v33;
	v40 =	vadd.f32 v58, v40;
	v59 =	vmul.f32 v37, v38  }
0xea: {  	v45 =	vld [tilespmem:s0+$0x2610]  }
0xeb: {  	v47 =	vld [tilespmem:s0+$0x2630];
	v60 =	vperm.xlane v43, v0;
	v39 =	vadd.f32 v40, v39;
	v61 =	vmul.f32 v59, v37  }
0xec: {  	v44 =	vld [tilespmem:s0+$0x600]  }
0xed: {  	v41 =	vld [tilespmem:s0+$0x610];
	v43 =	vadd.f32 v43, v60;
	v62 =	vperm.xlane v39, v0;
	v40 =	vsub.f32 $1.500000000e+00, v61  }
0xee: {  	v36 =	vsub.f32 v36, v49;
	v34 =	vsub.f32 v34, v49;
	v53 =	vld [tilespmem:s0+$0x640]  }
0xef: {  	v63 =	vld [tilespmem:s0+$0x620];
	v50 =	vperm.xlane v43, v1;
	v39 =	vadd.f32 v62, v39;
	v37 =	vmul.f32 v40, v37  }
0xf0: {  	v35 =	vsub.f32 v35, v49;
	v51 =	vld [tilespmem:s0+$0x4600];
	v55 =	vsub.f32 v32, v49  }
0xf1: {  	v32 =	vld [tilespmem:s0+$0x2640];
	v43 =	vadd.f32 v43, v50;
	v60 =	vperm.xlane v39, v1;
	v38 =	vmul.f32 v37, v38  }
0xf2: {  	v29 =	vsub.f32 v29, v49;
	v30 =	vsub.f32 v30, v49;
	v58 =	vld [tilespmem:s0+$0x660]  }
0xf3: {  	v59 =	vld [tilespmem:s0+$0x2660];
	v54 =	vperm.xlane v43, v2;
	v39 =	vadd.f32 v60, v39;
	v38 =	vmul.f32 v38, v37  }
0xf4: {  	v31 =	vsub.f32 v31, v49;
	v28 =	vsub.f32 v28, v49;
	v56 =	vld [tilespmem:s0+$0x2650]  }
0xf5: {  	v42 =	vld [tilespmem:s0+$0x4610];
	v54 =	vadd.f32 v43, v54;
	v61 =	vperm.xlane v39, v2;
	v38 =	vsub.f32 $1.500000000e+00, v38  }
0xf6: {  	v41 =	vadd.f32 v45, v41;
	v57 =	vadd.f32 v46, v44;
	v50 =	vld [tilespmem:s0+$0x650]  }
0xf7: {  	v40 =	vld [tilespmem:s0+$0x630];
	v44 =	vperm.xlane v54, v3;
	v39 =	vadd.f32 v61, v39;
	v38 =	vmul.f32 v38, v37  }
0xf8: {  	v43 =	vadd.f32 v52, v63;
	v52 =	vld [tilespmem:s0+$0x670];
	v49 =	vadd.f32 v59, v58  }
0xf9: {  	v60 =	vld [tilespmem:s0+$0x2670];
	v62 =	vadd.f32 v54, v44;
	v63 =	vperm.xlane v39, v3;
	v61 =	vmul.f32 v38, v28  }
0xfa: {  	v45 =	vld [tilespmem:s0+$0x4630];
	v44 =	vadd.f32 v32, v53;
	v32 =	vadd.f32 v42, v41  }
0xfb: {  	v33 =	vld [tilespmem:s0+$0x4620];
	v28 =	vmul.f32 $7.812500000e-03, v62;
	v62 =	vadd.f32 v63, v39;
	v63 =	vmul.f32 v61, v11  }
0xfc: {  	v46 =	vld [tilespmem:s0+$0x4640];
	v40 =	vadd.f32 v47, v40;
	v47 =	vadd.f32 v56, v50;
	v37 =	vmul.f32 v38, v36  }
0xfd: {  	v50 =	vld [tilespmem:s0+$0x4660];
	v61 =	vmul.f32 $7.812500000e-03, v62;
	v62 =	vmul.f32 v28, v28;
	v63 =	vadd.f32 v63, v19  }
0xfe: {  	v39 =	vmul.f32 v38, v34;
	v34 =	vadd.f32 v51, v57;
	v51 =	vadd.f32 v60, v52;
	v52 =	vld [tilespmem:s0+$0x4670]  }
0xff: {  	s26 =	sshll.u32 s23, $0xF;
	s31 =	simm.s32 $0x600;
	v36 =	vmul.f32 v38, v35;
	v35 =	vmul.f32 v38, v55;
	v41 =	vsub.f32 v61, v62;
	[tilespmem:s29+$0x18670] =	vst v63  }
.LBB2_6:
0x100: {  	p2 =	sne.s32 s31, $0x7E00;
	v43 =	vadd.f32 v33, v43;
	v45 =	vadd.f32 v45, v40;
	v53 =	vmul.f32 v38, v29  }
0x101: {  	v44 =	vadd.f32 v46, v44;
	v46 =	vmul.f32 v38, v30;
	v29 =	vadd.f32 $9.999999960e-13, v41  }
0x102: {  	v38 =	vmul.f32 v38, v31;
	v47 =	vadd.f32 v48, v47;
	v48 =	vadd.f32 v50, v49  }
0x103: {  	v40 =	vadd.f32 v52, v51;
	v30 =	vshra.s32 v29, $0x1;
	v49 =	vmul.f32 $5.000000000e-01, v29  }
0x104: {  	v31 =	vmul.f32 v34, v34;
	v29 =	vadd.f32 v32, v34;
	v30 =	vsub.s32 $0x5F3759DF, v30  }
0x105: {  	v41 =	vmul.f32 v32, v32;
	v33 =	vadd.f32 v45, v43;
	v42 =	vmul.f32 v30, v49  }
0x106: {  	v50 =	vadd.f32 v47, v44;
	v51 =	vmul.f32 v43, v43;
	v52 =	vmul.f32 v45, v45  }
0x107: {  	v55 =	vmul.f32 v44, v44;
	v54 =	vadd.f32 v40, v48;
	v42 =	vmul.f32 v30, v42  }
0x108: {  	v56 =	vmul.f32 v48, v48;
	v29 =	vadd.f32 v33, v29;
	v33 =	vmul.f32 v47, v47  }
0x109: {  	v50 =	vadd.f32 v54, v50;
	v54 =	vmul.f32 v40, v40;
	v42 =	vsub.f32 $1.500000000e+00, v42  }
0x10a: {  	s15 =	sshra.s32 s31, $0x2;
	v37 =	vmul.f32 v37, v4;
	v31 =	vadd.f32 v41, v31;
	v51 =	vadd.f32 v52, v51  }
0x10b: {  	v52 =	vadd.f32 v33, v55;
	v54 =	vadd.f32 v54, v56;
	v41 =	vld [tilespmem:s15+$0x4600];
	v55 =	vmul.f32 v30, v42  }
0x10c: {  	v39 =	vmul.f32 v39, v5;
	v29 =	vadd.f32 v50, v29;
	v50 =	vsub.f32 v24, v28;
	v24 =	vmovc v34;
	v42 =	vld [tilespmem:s15+$0x4610]  }
0x10d: {  	v30 =	vadd.f32 v51, v31;
	v31 =	vadd.f32 v54, v52;
	v33 =	vld [tilespmem:s15+$0x4620];
	v34 =	vmul.f32 v55, v49  }
0x10e: {  	v56 =	vsub.f32 v25, v28;
	v25 =	vmovc v43;
	v52 =	vperm.xlane v29, v0;
	v54 =	vsub.f32 v27, v28;
	v51 =	vld [tilespmem:s15+$0x600]  }
0x10f: {  	v58 =	vsub.f32 v22, v28;
	v22 =	vmovc v45;
	v57 =	vadd.f32 v31, v30;
	v43 =	vld [tilespmem:s15+$0x2600];
	v31 =	vmul.f32 v34, v55  }
0x110: {  	v36 =	vmul.f32 v36, v6;
	v45 =	vadd.f32 v29, v52;
	v29 =	vsub.f32 v26, v28;
	v26 =	vmovc v44;
	v34 =	vld [tilespmem:s15+$0x610]  }
0x111: {  	v27 =	vmovc v32;
	v30 =	vsub.f32 v21, v28;
	v21 =	vmovc v47;
	v52 =	vperm.xlane v57, v0;
	v44 =	vld [tilespmem:s15+$0x2610];
	v59 =	vsub.f32 $1.500000000e+00, v31  }
0x112: {  	v35 =	vmul.f32 v35, v7;
	v47 =	vperm.xlane v45, v1;
	v31 =	vsub.f32 v20, v28;
	v20 =	vmovc v48;
	v32 =	vld [tilespmem:s15+$0x620]  }
0x113: {  	v53 =	vmul.f32 v53, v8;
	v52 =	vadd.f32 v52, v57;
	v48 =	vld [tilespmem:s15+$0x2620];
	v55 =	vmul.f32 v59, v55  }
0x114: {  	v46 =	vmul.f32 v46, v9;
	v38 =	vmul.f32 v38, v10;
	v45 =	vadd.f32 v45, v47;
	v57 =	vld [tilespmem:s15+$0x630]  }
0x115: {  	v37 =	vadd.f32 v37, v12;
	v59 =	vperm.xlane v52, v1;
	v47 =	vld [tilespmem:s15+$0x2630];
	v49 =	vmul.f32 v55, v49  }
0x116: {  	v39 =	vadd.f32 v39, v13;
	v36 =	vadd.f32 v36, v14;
	v61 =	vperm.xlane v45, v2;
	v60 =	vld [tilespmem:s15+$0x640]  }
0x117: {  	v35 =	vadd.f32 v35, v15;
	v52 =	vadd.f32 v59, v52;
	v62 =	vld [tilespmem:s15+$0x2640];
	v49 =	vmul.f32 v49, v55;
	[tilespmem:s29+$0x18600] =	vst v37  }
0x118: {  	v37 =	vadd.f32 v45, v61;
	v59 =	vld [tilespmem:s15+$0x650];
	[tilespmem:s29+$0x18610] =	vst v39;
	v39 =	vadd.f32 v53, v16  }
0x119: {  	v45 =	vperm.xlane v52, v2;
	v53 =	vld [tilespmem:s15+$0x2650];
	v49 =	vsub.f32 $1.500000000e+00, v49;
	[tilespmem:s29+$0x18620] =	vst v36;
	v36 =	vadd.f32 v46, v17  }
0x11a: {  	v51 =	vadd.f32 v43, v51;
	v46 =	vperm.xlane v37, v3;
	v61 =	vld [tilespmem:s15+$0x660];
	[tilespmem:s29+$0x18630] =	vst v35;
	v35 =	vadd.f32 v38, v18  }
0x11b: {  	v28 =	vsub.f32 v23, v28;
	v52 =	vadd.f32 v45, v52;
	v63 =	vld [tilespmem:s15+$0x2660];
	v38 =	vmul.f32 v49, v55;
	[tilespmem:s29+$0x18640] =	vst v39  }
0x11c: {  	v23 =	vmov v40;
	v43 =	vadd.f32 v48, v32;
	v55 =	vadd.f32 v44, v34;
	v32 =	vld [tilespmem:s15+$0x670];
	[tilespmem:s29+$0x18650] =	vst v36  }
0x11d: {  	v34 =	vadd.f32 v37, v46;
	v39 =	vperm.xlane v52, v3;
	v36 =	vld [tilespmem:s15+$0x2670];
	v48 =	vmul.f32 v38, v28;
	[tilespmem:s29+$0x18660] =	vst v35;
	s29 =	smov.u32 s30;
	s30 =	smov.u32 s0;
	s0 =	smov.u32 s15  }
0x11e: {  	v40 =	vadd.f32 v47, v57;
	v44 =	vadd.f32 v62, v60;
	v37 =	vmul.f32 v38, v50;
	v45 =	vld [tilespmem:s0+$0x4630]  }
.Ltmp2:
0x11f: {  	v28 =	vmul.f32 $7.812500000e-03, v34;
	v34 =	vadd.f32 v39, v52;
	v46 =	vld [tilespmem:s0+$0x4640];
	v35 =	vmul.f32 v48, v11;
	(pc) =	sbr.rel @p2 .LBB2_6-.Ltmp2, $4  }
0x120: {  	v39 =	vmul.f32 v38, v54;
	v47 =	vadd.f32 v53, v59;
	v48 =	vld [tilespmem:s0+$0x4650];
	v49 =	vadd.f32 v63, v61  }
0x121: {  	v53 =	vmul.f32 $7.812500000e-03, v34;
	v54 =	vmul.f32 v28, v28;
	v50 =	vld [tilespmem:s0+$0x4660];
	v57 =	vadd.f32 v35, v19  }
0x122: {  	v34 =	vadd.f32 v41, v51;
	v51 =	vadd.f32 v36, v32;
	v52 =	vld [tilespmem:s0+$0x4670];
	v36 =	vmul.f32 v38, v56  }
0x123: {  	s31 =	sadd.s32 $0x200, s31;
	v41 =	vsub.f32 v53, v54;
	v35 =	vmul.f32 v38, v58;
	v32 =	vadd.f32 v42, v55;
	[tilespmem:s29+$0x18670] =	vst v57  }
0x124: {  	v42 =	vadd.f32 v33, v43  }
0x125: {  	v43 =	vadd.f32 v45, v40;
	v44 =	vadd.f32 v46, v44  }
0x126: {  	v45 =	vadd.f32 v48, v47;
	v60 =	vadd.f32 v32, v34  }
0x127: {  	v47 =	vmul.f32 v34, v34;
	v62 =	vmul.f32 v32, v32;
	v33 =	vadd.f32 v50, v49  }
0x128: {  	v61 =	vadd.f32 v43, v42;
	v57 =	vmul.f32 v42, v42;
	v58 =	vmul.f32 v43, v43  }
0x129: {  	v54 =	vmul.f32 v44, v44;
	v40 =	vadd.f32 v52, v51;
	v63 =	vadd.f32 v45, v44  }
0x12a: {  	v59 =	vmul.f32 v45, v45;
	v47 =	vadd.f32 v62, v47;
	v46 =	vadd.f32 v61, v60  }
0x12b: {  	v55 =	vmul.f32 v33, v33;
	v53 =	vadd.f32 v40, v33;
	v60 =	vmul.f32 v40, v40  }
0x12c: {  	v61 =	vadd.f32 v58, v57;
	v48 =	vadd.f32 v59, v54  }
0x12d: {  	v50 =	vadd.f32 v53, v63;
	v62 =	vadd.f32 v60, v55  }
0x12e: {  	v47 =	vadd.f32 v61, v47  }
0x12f: {  	v46 =	vadd.f32 v50, v46;
	v48 =	vadd.f32 v62, v48;
	_ =	sdelay $0x1  }
0x130: {  	v63 =	vperm.xlane v46, v0;
	v47 =	vadd.f32 v48, v47;
	_ =	sdelay $0x1  }
0x131: {  	v46 =	vadd.f32 v46, v63;
	v48 =	vperm.xlane v47, v0;
	_ =	sdelay $0x1  }
0x132: {  	v49 =	vperm.xlane v46, v1;
	v47 =	vadd.f32 v48, v47;
	_ =	sdelay $0x1  }
0x133: {  	v46 =	vadd.f32 v46, v49;
	v48 =	vperm.xlane v47, v1;
	_ =	sdelay $0x1  }
0x134: {  	v49 =	vperm.xlane v46, v2;
	v47 =	vadd.f32 v48, v47  }
0x135: {  	v41 =	vadd.f32 $9.999999960e-13, v41  }
0x136: {  	v46 =	vadd.f32 v46, v49;
	v48 =	vperm.xlane v47, v2  }
0x137: {  	v52 =	vshra.s32 v41, $0x1  }
0x138: {  	v41 =	vmul.f32 $5.000000000e-01, v41;
	v53 =	vperm.xlane v46, v3;
	v47 =	vadd.f32 v48, v47  }
0x139: {  	v49 =	vsub.s32 $0x5F3759DF, v52  }
0x13a: {  	v54 =	vmul.f32 v49, v41;
	v46 =	vadd.f32 v46, v53;
	v55 =	vperm.xlane v47, v3;
	_ =	sdelay $0x1  }
0x13b: {  	v48 =	vmul.f32 v49, v54;
	v46 =	vmul.f32 $7.812500000e-03, v46;
	v47 =	vadd.f32 v55, v47;
	_ =	sdelay $0x1  }
0x13c: {  	v48 =	vsub.f32 $1.500000000e+00, v48;
	v47 =	vmul.f32 $7.812500000e-03, v47;
	v56 =	vmul.f32 v46, v46;
	_ =	sdelay $0x1  }
0x13d: {  	v48 =	vmul.f32 v49, v48;
	v47 =	vsub.f32 v47, v56;
	_ =	sdelay $0x1  }
0x13e: {  	v49 =	vmul.f32 v48, v41;
	v47 =	vadd.f32 $9.999999960e-13, v47;
	_ =	sdelay $0x1  }
0x13f: {  	v49 =	vmul.f32 v49, v48;
	v57 =	vshra.s32 v47, $0x1;
	v47 =	vmul.f32 $5.000000000e-01, v47  }
0x140: {  	v50 =	vsub.s32 $0x5F3759DF, v57  }
0x141: {  	v49 =	vsub.f32 $1.500000000e+00, v49;
	v58 =	vmul.f32 v50, v47  }
0x142: {  	v29 =	vmul.f32 v38, v29;
	v30 =	vmul.f32 v38, v30  }
0x143: {  	v48 =	vmul.f32 v49, v48;
	v59 =	vmul.f32 v50, v58  }
0x144: {  	v31 =	vmul.f32 v38, v31;
	v37 =	vmul.f32 v37, v4;
	v24 =	vsub.f32 v24, v28  }
0x145: {  	v27 =	vsub.f32 v27, v28;
	v41 =	vmul.f32 v48, v41;
	v38 =	vsub.f32 $1.500000000e+00, v59  }
0x146: {  	v39 =	vmul.f32 v39, v5;
	v25 =	vsub.f32 v25, v28;
	v22 =	vsub.f32 v22, v28  }
0x147: {  	v26 =	vsub.f32 v26, v28;
	v41 =	vmul.f32 v41, v48;
	v38 =	vmul.f32 v50, v38  }
0x148: {  	v36 =	vmul.f32 v36, v6;
	v21 =	vsub.f32 v21, v28;
	v23 =	vsub.f32 v23, v28  }
0x149: {  	v35 =	vmul.f32 v35, v7;
	v41 =	vsub.f32 $1.500000000e+00, v41;
	v60 =	vmul.f32 v38, v47  }
0x14a: {  	v20 =	vsub.f32 v20, v28;
	v29 =	vmul.f32 v29, v8;
	v28 =	vmul.f32 v31, v10  }
0x14b: {  	v37 =	vadd.f32 v37, v12;
	v41 =	vmul.f32 v41, v48;
	v31 =	vmul.f32 v60, v38  }
0x14c: {  	v30 =	vmul.f32 v30, v9;
	v39 =	vadd.f32 v39, v13;
	v36 =	vadd.f32 v36, v14  }
0x14d: {  	v35 =	vadd.f32 v35, v15;
	v23 =	vmul.f32 v41, v23;
	v31 =	vsub.f32 $1.500000000e+00, v31  }
0x14e: {  	v29 =	vadd.f32 v29, v16;
	v24 =	vmul.f32 v41, v24;
	v27 =	vmul.f32 v41, v27  }
0x14f: {  	[tilespmem:s29+$0x18600] =	vst v37;
	v30 =	vadd.f32 v30, v17;
	v25 =	vmul.f32 v41, v25;
	v31 =	vmul.f32 v31, v38  }
0x150: {  	[tilespmem:s29+$0x18610] =	vst v39;
	v28 =	vadd.f32 v28, v18;
	v22 =	vmul.f32 v41, v22;
	v26 =	vmul.f32 v41, v26  }
0x151: {  	[tilespmem:s29+$0x18620] =	vst v36;
	v62 =	vsub.f32 v34, v46;
	v21 =	vmul.f32 v41, v21;
	v61 =	vmul.f32 v31, v47  }
0x152: {  	[tilespmem:s29+$0x18630] =	vst v35;
	v63 =	vsub.f32 v32, v46;
	v20 =	vmul.f32 v41, v20;
	v23 =	vmul.f32 v23, v11  }
0x153: {  	[tilespmem:s29+$0x18640] =	vst v29;
	v29 =	vsub.f32 v42, v46;
	v24 =	vmul.f32 v24, v4;
	v41 =	vmul.f32 v61, v31  }
0x154: {  	[tilespmem:s29+$0x18650] =	vst v30;
	v43 =	vsub.f32 v43, v46;
	v25 =	vmul.f32 v25, v6;
	v23 =	vadd.f32 v23, v19  }
0x155: {  	[tilespmem:s29+$0x18660] =	vst v28;
	v27 =	vmul.f32 v27, v5;
	v24 =	vadd.f32 v24, v12;
	v35 =	vsub.f32 $1.500000000e+00, v41  }
0x156: {  	v22 =	vmul.f32 v22, v7;
	v26 =	vmul.f32 v26, v8;
	v25 =	vadd.f32 v25, v14;
	[tilespmem:s30+$0x18670] =	vst v23  }
0x157: {  	v23 =	vadd.f32 v27, v13;
	[tilespmem:s30+$0x18600] =	vst v24;
	v27 =	vmul.f32 v35, v31;
	v31 =	vsub.f32 v40, v46  }
0x158: {  	v30 =	vsub.f32 v44, v46;
	v21 =	vmul.f32 v21, v9;
	v22 =	vadd.f32 v22, v15;
	[tilespmem:s30+$0x18620] =	vst v25  }
0x159: {  	v20 =	vmul.f32 v20, v10;
	v24 =	vadd.f32 v26, v16;
	[tilespmem:s30+$0x18610] =	vst v23;
	v23 =	vmul.f32 v27, v31  }
0x15a: {  	v28 =	vsub.f32 v45, v46;
	v21 =	vadd.f32 v21, v17;
	[tilespmem:s30+$0x18630] =	vst v22;
	v25 =	vmul.f32 v27, v62  }
0x15b: {  	v20 =	vadd.f32 v20, v18;
	[tilespmem:s30+$0x18640] =	vst v24;
	v24 =	vmul.f32 v27, v29;
	v22 =	vmul.f32 v23, v11  }
0x15c: {  	v33 =	vsub.f32 v33, v46;
	[tilespmem:s30+$0x18650] =	vst v21;
	v23 =	vmul.f32 v27, v63;
	v25 =	vmul.f32 v25, v4  }
0x15d: {  	[tilespmem:s30+$0x18660] =	vst v20;
	v20 =	vmul.f32 v27, v30;
	v24 =	vmul.f32 v24, v6;
	v21 =	vadd.f32 v22, v19  }
0x15e: {  	v22 =	vmul.f32 v27, v43;
	v23 =	vmul.f32 v23, v5;
	v25 =	vadd.f32 v25, v12  }
0x15f: {  	v20 =	vmul.f32 v20, v8;
	v24 =	vadd.f32 v24, v14;
	[tilespmem:s0+$0x18670] =	vst v21;
	v21 =	vmul.f32 v27, v28  }
0x160: {  	v26 =	vmul.f32 v27, v33;
	v22 =	vmul.f32 v22, v7;
	v23 =	vadd.f32 v23, v13;
	[tilespmem:s0+$0x18600] =	vst v25  }
0x161: {  	v20 =	vadd.f32 v20, v16;
	[tilespmem:s0+$0x18620] =	vst v24;
	v21 =	vmul.f32 v21, v9  }
0x162: {  	v22 =	vadd.f32 v22, v15;
	[tilespmem:s0+$0x18610] =	vst v23;
	v23 =	vmul.f32 v26, v10  }
0x163: {  	s15 =	rddreg [dreg:$0x13];
	[tilespmem:s0+$0x18640] =	vst v20;
	v21 =	vadd.f32 v21, v17  }
0x164: {  	s15 =	sadd.s32 s15, s26;
	[tilespmem:s0+$0x18630] =	vst v22;
	v22 =	vadd.f32 v23, v18  }
0x165: {  	s15 =	sshrl.u32 s15, $0x3;
	[tilespmem:s0+$0x18650] =	vst v21  }
0x166: {  	s31 =	simm.s32 $0x18600;
	s15 =	sadd.s32 s6, s15;
	[tilespmem:s0+$0x18660] =	vst v22  }
0x167: {  	[hbm4b:s15+s7] =	stream.linear.scatter [tilespmem:s31], [sflag:$0xD], $0x2000, $0x38;
	[tilespmem:$0x1C700] =	vst v63  }
0x168: {  	_ =	swait.ge [sflag:s3], $0x2000  }
0x169: {  	[sflag:s3] =	ssyncset.done $0x0  }
0x16a: {  	[sflag:s3] =	ssyncadd.s32 $0xFFFFE000  }
0x16b: {  	_ =	swait.ge [sflag:s12], $0x2000  }
0x16c: {  	[sflag:s12] =	ssyncset.done $0x0  }
0x16d: {  	[sflag:s12] =	ssyncadd.s32 $0xFFFFE000  }
0x16e: {  	_ =	swait.ge [sflag:s14], $0x2000  }
0x16f: {  	[sflag:s14] =	ssyncset.done $0x0  }
0x170: {  	s0 =	simm.s32 @!p0 $0xF;
	[sflag:s14] =	ssyncadd.s32 $0xFFFFE000  }
0x171: {  	_ =	swait.ge @!p0 [sflag:s0], $0x40  }
0x172: {  	[sflag:s0] =	ssyncset.done @!p0 $0x0  }
0x173: {  	[sflag:s0] =	ssyncadd.s32 @!p0 $0xFFFFFFC0  }
0x174: {  	_ =	swait.ge @!p0 [sflag:s0], $0x40  }
0x175: {  	[sflag:s0] =	ssyncset.done @!p0 $0x0  }
0x176: {  	[sflag:s0] =	ssyncadd.s32 @!p0 $0xFFFFFFC0  }
0x177: {  	_ =	swait.ge @!p0 [sflag:s0], $0x40  }
0x178: {  	s29 =	simm.s32 @!p0 $0x600;
	[sflag:s0] =	ssyncset.done @!p0 $0x0  }
0x179: {  	s15 =	simm.s32 @!p0 $0x0;
	[sflag:s0] =	ssyncadd.s32 @!p0 $0xFFFFFFC0;
	s0 =	simm.s32 @!p0 $0x40  }
0x17a: {  	[tilespmem:s29], [sflag:$0x1] =	stream.indirect.gather @!p0 [hbm4b:s1+s0], $0x80, s15, s0, $0xb8;
	[tilespmem:$0x1C700] =	vst v63  }
0x17b: {  	s30 =	simm.s32 @!p0 $0x2600;
	s29 =	simm.s32 @!p0 $0x80  }
0x17c: {  	[tilespmem:s30], [sflag:$0x2] =	stream.indirect.gather @!p0 [hbm4b:s2+s0], $0x80, s29, s0, $0xb8;
	[tilespmem:$0x1C700] =	vst v63  }
0x17d: {  	s29 =	simm.s32 @!p0 $0x100;
	s30 =	simm.s32 @!p0 $0x4600  }
0x17e: {  	[tilespmem:s30], [sflag:$0x3] =	stream.indirect.gather @!p0 [hbm4b:s2+s0], $0x80, s29, s0, $0xb8;
	[tilespmem:$0x1C700] =	vst v63  }
0x17f: {  	s0 =	rddreg [dreg:$0x15]  }
0x180: {  	s0 =	sadd.s32 @!p0 s28, s0  }
0x181: {  	s0 =	sshrl.u32 @!p0 s0, $0x3  }
0x182: {  	s29 =	simm.s32 @!p0 $0x180;
	s28 =	sadd.s32 @!p0 s8, s0  }
0x183: {  	[tilespmem:s29], [sflag:$0x10] =	stream.linear.gather @!p0 [hbm4b:s28+s15], $0x40, $0x38;
	[tilespmem:$0x1C700] =	vst v63  }
0x184: {  	s28 =	sadd.s32 @!p0 s9, s0;
	s29 =	simm.s32 @!p0 $0x200  }
0x185: {  	[tilespmem:s29], [sflag:$0x10] =	stream.linear.gather @!p0 [hbm4b:s28+s15], $0x40, $0x38;
	[tilespmem:$0x1C700] =	vst v63  }
0x186: {  	s0 =	sadd.s32 @!p0 s10, s0;
	s28 =	simm.s32 @!p0 $0x280  }
0x187: {  	[tilespmem:s28], [sflag:$0x10] =	stream.linear.gather @!p0 [hbm4b:s0+s15], $0x40, $0x38;
	[tilespmem:$0x1C700] =	vst v63  }
0x188: {  	s0 =	simm.s32 @!p1 $0xE  }
0x189: {  	_ =	swait.ge @!p1 [sflag:s0], $0x2000  }
0x18a: {  	[sflag:s0] =	ssyncset.done @!p1 $0x0  }
0x18b: {  	s28 =	simm.s32 $0x0;
	[sflag:s0] =	ssyncadd.s32 @!p1 $0xFFFFE000  }
0x18c: {  	v20 =	vld [tilespmem:s28+$0xA600]  }
0x18d: {  	v21 =	vld [tilespmem:s28+$0xA610]  }
0x18e: {  	v22 =	vld [tilespmem:s28+$0xA620]  }
0x18f: {  	v23 =	vld [tilespmem:s28+$0x6600]  }
0x190: {  	v24 =	vld [tilespmem:s28+$0x8600]  }
0x191: {  	v25 =	vld [tilespmem:s28+$0x6610]  }
0x192: {  	v26 =	vld [tilespmem:s28+$0x8610]  }
0x193: {  	v27 =	vld [tilespmem:s28+$0x6620]  }
0x194: {  	v28 =	vld [tilespmem:s28+$0x8620]  }
0x195: {  	v29 =	vld [tilespmem:s28+$0x6630]  }
0x196: {  	v30 =	vld [tilespmem:s28+$0x8630]  }
0x197: {  	v31 =	vld [tilespmem:s28+$0x6640]  }
0x198: {  	v44 =	vld [tilespmem:s28+$0x8640]  }
0x199: {  	v45 =	vld [tilespmem:s28+$0x6650]  }
0x19a: {  	v46 =	vld [tilespmem:s28+$0x8650]  }
0x19b: {  	v47 =	vld [tilespmem:s28+$0x6660]  }
0x19c: {  	v48 =	vld [tilespmem:s28+$0x8660]  }
0x19d: {  	v49 =	vld [tilespmem:s28+$0x6670]  }
0x19e: {  	v50 =	vld [tilespmem:s28+$0x8670]  }
0x19f: {  	v51 =	vld [tilespmem:s28+$0xA630]  }
0x1a0: {  	v53 =	vld [tilespmem:s28+$0xA670];
	v23 =	vadd.f32 v24, v23  }
0x1a1: {  	v24 =	vld [tilespmem:s28+$0xA640];
	v25 =	vadd.f32 v26, v25;
	v26 =	vadd.f32 v28, v27  }
0x1a2: {  	v27 =	vld [tilespmem:s28+$0xA650];
	v28 =	vadd.f32 v30, v29;
	v29 =	vadd.f32 v44, v31  }
0x1a3: {  	v31 =	vld [tilespmem:s28+$0xA660];
	v30 =	vadd.f32 v46, v45;
	v52 =	vadd.f32 v48, v47  }
0x1a4: {  	v36 =	vadd.f32 v20, v23;
	v20 =	vadd.f32 v50, v49  }
0x1a5: {  	v34 =	vadd.f32 v21, v25;
	v35 =	vadd.f32 v22, v26  }
0x1a6: {  	v32 =	vadd.f32 v51, v28;
	v28 =	vadd.f32 v53, v20  }
0x1a7: {  	v20 =	vadd.f32 v34, v36;
	v29 =	vadd.f32 v24, v29  }
0x1a8: {  	v21 =	vmul.f32 v36, v36;
	v30 =	vadd.f32 v27, v30;
	v31 =	vadd.f32 v31, v52  }
0x1a9: {  	v22 =	vadd.f32 v32, v35;
	v23 =	vmul.f32 v34, v34;
	v25 =	vmul.f32 v35, v35  }
0x1aa: {  	v26 =	vmul.f32 v32, v32;
	v24 =	vadd.f32 v30, v29;
	v27 =	vadd.f32 v28, v31  }
0x1ab: {  	v20 =	vadd.f32 v22, v20;
	v54 =	vmul.f32 v29, v29;
	v22 =	vmul.f32 v30, v30  }
0x1ac: {  	v55 =	vmul.f32 v31, v31;
	v24 =	vadd.f32 v27, v24;
	v27 =	vmul.f32 v28, v28  }
0x1ad: {  	v21 =	vadd.f32 v23, v21;
	v23 =	vadd.f32 v26, v25  }
0x1ae: {  	v22 =	vadd.f32 v22, v54;
	v26 =	vadd.f32 v27, v55  }
0x1af: {  	v21 =	vadd.f32 v23, v21  }
0x1b0: {  	s29 =	simm.s32 $0x80;
	v20 =	vadd.f32 v24, v20;
	v22 =	vadd.f32 v26, v22  }
0x1b1: {  	v33 =	vld [tilespmem:s29+$0xA620]  }
0x1b2: {  	v38 =	vld [tilespmem:s29+$0x6620];
	v24 =	vperm.xlane v20, v0;
	v21 =	vadd.f32 v22, v21  }
0x1b3: {  	v58 =	vld [tilespmem:s29+$0x8620]  }
0x1b4: {  	v37 =	vld [tilespmem:s29+$0x6630];
	v20 =	vadd.f32 v20, v24;
	v56 =	vperm.xlane v21, v0  }
0x1b5: {  	v39 =	vld [tilespmem:s29+$0x8630]  }
0x1b6: {  	v42 =	vld [tilespmem:s29+$0x6640];
	v57 =	vperm.xlane v20, v1;
	v21 =	vadd.f32 v56, v21  }
0x1b7: {  	v62 =	vld [tilespmem:s29+$0x6650]  }
0x1b8: {  	v63 =	vld [tilespmem:s29+$0x8650];
	v20 =	vadd.f32 v20, v57;
	v59 =	vperm.xlane v21, v1  }
0x1b9: {  	v38 =	vadd.f32 v58, v38;
	v58 =	vld [tilespmem:s29+$0xA630]  }
0x1ba: {  	v23 =	vld [tilespmem:s29+$0x6600];
	v60 =	vperm.xlane v20, v2;
	v21 =	vadd.f32 v59, v21  }
0x1bb: {  	v26 =	vld [tilespmem:s29+$0x8600]  }
0x1bc: {  	v25 =	vld [tilespmem:s29+$0xA600];
	v20 =	vadd.f32 v20, v60;
	v52 =	vperm.xlane v21, v2  }
0x1bd: {  	v22 =	vld [tilespmem:s29+$0x6610]  }
0x1be: {  	v24 =	vld [tilespmem:s29+$0x8610];
	v54 =	vperm.xlane v20, v3;
	v21 =	vadd.f32 v52, v21  }
0x1bf: {  	v27 =	vld [tilespmem:s29+$0xA610]  }
0x1c0: {  	v23 =	vadd.f32 v26, v23;
	v26 =	vld [tilespmem:s29+$0x8670];
	v20 =	vadd.f32 v20, v54;
	v57 =	vperm.xlane v21, v3  }
0x1c1: {  	v37 =	vadd.f32 v39, v37;
	v56 =	vld [tilespmem:s29+$0x6670]  }
0x1c2: {  	v61 =	vld [tilespmem:s29+$0x8640];
	v41 =	vadd.f32 v63, v62;
	v49 =	vmul.f32 $7.812500000e-03, v20;
	v20 =	vadd.f32 v57, v21  }
0x1c3: {  	v62 =	vld [tilespmem:s29+$0xA660];
	v22 =	vadd.f32 v24, v22;
	v24 =	vadd.f32 v25, v23  }
0x1c4: {  	v48 =	vld [tilespmem:s29+$0xA670];
	v25 =	vadd.f32 v33, v38;
	v63 =	vmul.f32 v49, v49;
	v20 =	vmul.f32 $7.812500000e-03, v20  }
0x1c5: {  	v53 =	vld [tilespmem:s29+$0x6660];
	v27 =	vadd.f32 v27, v22;
	v22 =	vadd.f32 v58, v37  }
0x1c6: {  	v55 =	vld [tilespmem:s29+$0x8660];
	v23 =	vadd.f32 v26, v56;
	v20 =	vsub.f32 v20, v63  }
0x1c7: {  	v59 =	vld [tilespmem:s29+$0xA640];
	v40 =	vadd.f32 v22, v25;
	v52 =	vadd.f32 v27, v24  }
0x1c8: {  	v60 =	vld [tilespmem:s29+$0xA650];
	v50 =	vadd.f32 $9.999999960e-13, v20  }
0x1c9: {  	v56 =	vmul.f32 v27, v27;
	v23 =	vadd.f32 v48, v23;
	v33 =	vadd.f32 v40, v52  }
0x1ca: {  	v21 =	vadd.f32 v61, v42;
	v51 =	vshra.s32 v50, $0x1;
	v38 =	vmul.f32 $5.000000000e-01, v50  }
0x1cb: {  	v61 =	vadd.f32 v55, v53;
	v53 =	vmul.f32 v24, v24;
	v37 =	vsub.s32 $0x5F3759DF, v51  }
0x1cc: {  	v55 =	vmul.f32 v23, v23;
	v26 =	vadd.f32 v59, v21;
	v57 =	vmul.f32 v37, v38  }
0x1cd: {  	v21 =	vadd.f32 v60, v41;
	v59 =	vmul.f32 v25, v25;
	v20 =	vadd.f32 v62, v61  }
0x1ce: {  	v60 =	vmul.f32 v22, v22;
	v39 =	vadd.f32 v56, v53;
	v42 =	vmul.f32 v37, v57  }
0x1cf: {  	v58 =	vadd.f32 v21, v26;
	v63 =	vmul.f32 v21, v21;
	v61 =	vadd.f32 v23, v20  }
0x1d0: {  	v62 =	vmul.f32 v26, v26;
	v54 =	vmul.f32 v20, v20;
	v42 =	vsub.f32 $1.500000000e+00, v42  }
0x1d1: {  	s0 =	simm.s32 $0x100;
	v56 =	vadd.f32 v60, v59;
	v43 =	vadd.f32 v61, v58  }
0x1d2: {  	v44 =	vld [tilespmem:s0+$0x6600];
	v40 =	vadd.f32 v63, v62;
	v57 =	vadd.f32 v55, v54;
	v37 =	vmul.f32 v37, v42  }
0x1d3: {  	v46 =	vld [tilespmem:s0+$0x8600];
	v43 =	vadd.f32 v43, v33  }
0x1d4: {  	v45 =	vld [tilespmem:s0+$0x8610];
	v39 =	vadd.f32 v56, v39;
	v40 =	vadd.f32 v57, v40;
	v58 =	vmul.f32 v37, v38  }
0x1d5: {  	v47 =	vld [tilespmem:s0+$0x8630];
	v59 =	vperm.xlane v43, v0  }
0x1d6: {  	v41 =	vld [tilespmem:s0+$0x6610];
	v39 =	vadd.f32 v40, v39;
	v60 =	vmul.f32 v58, v37  }
0x1d7: {  	v48 =	vld [tilespmem:s0+$0x6620];
	v43 =	vadd.f32 v43, v59  }
0x1d8: {  	v52 =	vld [tilespmem:s0+$0x6670];
	v61 =	vperm.xlane v39, v0;
	v40 =	vsub.f32 $1.500000000e+00, v60  }
0x1d9: {  	v53 =	vld [tilespmem:s0+$0x6640];
	v62 =	vperm.xlane v43, v1  }
0x1da: {  	v56 =	vld [tilespmem:s0+$0x8650];
	v39 =	vadd.f32 v61, v39;
	v37 =	vmul.f32 v40, v37  }
0x1db: {  	v41 =	vadd.f32 v45, v41;
	v45 =	vld [tilespmem:s0+$0xA630];
	v43 =	vadd.f32 v43, v62  }
0x1dc: {  	v36 =	vsub.f32 v36, v49;
	v63 =	vld [tilespmem:s0+$0x8620];
	v59 =	vperm.xlane v39, v1;
	v38 =	vmul.f32 v37, v38  }
0x1dd: {  	v34 =	vsub.f32 v34, v49;
	v35 =	vsub.f32 v35, v49;
	v50 =	vld [tilespmem:s0+$0x6650];
	v60 =	vperm.xlane v43, v2  }
0x1de: {  	v55 =	vsub.f32 v32, v49;
	v32 =	vld [tilespmem:s0+$0x8640];
	v39 =	vadd.f32 v59, v39;
	v38 =	vmul.f32 v38, v37  }
0x1df: {  	v29 =	vsub.f32 v29, v49;
	v42 =	vld [tilespmem:s0+$0xA610];
	v54 =	vadd.f32 v43, v60  }
0x1e0: {  	v30 =	vsub.f32 v30, v49;
	v40 =	vld [tilespmem:s0+$0x6630];
	v61 =	vperm.xlane v39, v2;
	v38 =	vsub.f32 $1.500000000e+00, v38  }
0x1e1: {  	v31 =	vsub.f32 v31, v49;
	v57 =	vadd.f32 v46, v44;
	v58 =	vld [tilespmem:s0+$0x6660];
	v44 =	vperm.xlane v54, v3  }
0x1e2: {  	v28 =	vsub.f32 v28, v49;
	v59 =	vld [tilespmem:s0+$0x8660];
	v39 =	vadd.f32 v61, v39;
	v38 =	vmul.f32 v38, v37  }
0x1e3: {  	v51 =	vld [tilespmem:s0+$0xA600];
	v43 =	vadd.f32 v63, v48;
	v62 =	vadd.f32 v54, v44  }
0x1e4: {  	v60 =	vld [tilespmem:s0+$0x8670];
	v44 =	vadd.f32 v32, v53;
	v63 =	vperm.xlane v39, v3;
	v61 =	vmul.f32 v38, v28  }
0x1e5: {  	v33 =	vld [tilespmem:s0+$0xA620];
	v32 =	vadd.f32 v42, v41;
	v40 =	vadd.f32 v47, v40  }
0x1e6: {  	v46 =	vld [tilespmem:s0+$0xA640];
	v28 =	vmul.f32 $7.812500000e-03, v62;
	v62 =	vadd.f32 v63, v39;
	v63 =	vmul.f32 v61, v11  }
0x1e7: {  	v48 =	vld [tilespmem:s0+$0xA650];
	v47 =	vadd.f32 v56, v50;
	v49 =	vadd.f32 v59, v58;
	v37 =	vmul.f32 v38, v36  }
0x1e8: {  	v50 =	vld [tilespmem:s0+$0xA660];
	v61 =	vmul.f32 $7.812500000e-03, v62;
	v62 =	vmul.f32 v28, v28;
	v63 =	vadd.f32 v63, v19  }
0x1e9: {  	v39 =	vmul.f32 v38, v34;
	v34 =	vadd.f32 v51, v57;
	v51 =	vadd.f32 v60, v52;
	v52 =	vld [tilespmem:s0+$0xA670]  }
0x1ea: {  	s30 =	simm.s32 $0x600;
	v36 =	vmul.f32 v38, v35;
	v35 =	vmul.f32 v38, v55;
	v41 =	vsub.f32 v61, v62;
	[tilespmem:s28+$0x1A670] =	vst v63  }
.LBB2_8:
0x1eb: {  	p1 =	sne.s32 s30, $0x7E00;
	v43 =	vadd.f32 v33, v43;
	v45 =	vadd.f32 v45, v40;
	v53 =	vmul.f32 v38, v29  }
0x1ec: {  	v44 =	vadd.f32 v46, v44;
	v46 =	vmul.f32 v38, v30;
	v29 =	vadd.f32 $9.999999960e-13, v41  }
0x1ed: {  	v38 =	vmul.f32 v38, v31;
	v47 =	vadd.f32 v48, v47;
	v48 =	vadd.f32 v50, v49  }
0x1ee: {  	v40 =	vadd.f32 v52, v51;
	v30 =	vshra.s32 v29, $0x1;
	v49 =	vmul.f32 $5.000000000e-01, v29  }
0x1ef: {  	v31 =	vmul.f32 v34, v34;
	v29 =	vadd.f32 v32, v34;
	v30 =	vsub.s32 $0x5F3759DF, v30  }
0x1f0: {  	v41 =	vmul.f32 v32, v32;
	v33 =	vadd.f32 v45, v43;
	v42 =	vmul.f32 v30, v49  }
0x1f1: {  	v50 =	vadd.f32 v47, v44;
	v51 =	vmul.f32 v43, v43;
	v52 =	vmul.f32 v45, v45  }
0x1f2: {  	v55 =	vmul.f32 v44, v44;
	v54 =	vadd.f32 v40, v48;
	v42 =	vmul.f32 v30, v42  }
0x1f3: {  	v56 =	vmul.f32 v48, v48;
	v29 =	vadd.f32 v33, v29;
	v33 =	vmul.f32 v47, v47  }
0x1f4: {  	v50 =	vadd.f32 v54, v50;
	v54 =	vmul.f32 v40, v40;
	v42 =	vsub.f32 $1.500000000e+00, v42  }
0x1f5: {  	s15 =	sshra.s32 s30, $0x2;
	v37 =	vmul.f32 v37, v4;
	v31 =	vadd.f32 v41, v31;
	v51 =	vadd.f32 v52, v51  }
0x1f6: {  	v52 =	vadd.f32 v33, v55;
	v54 =	vadd.f32 v54, v56;
	v41 =	vld [tilespmem:s15+$0xA600];
	v55 =	vmul.f32 v30, v42  }
0x1f7: {  	v39 =	vmul.f32 v39, v5;
	v29 =	vadd.f32 v50, v29;
	v50 =	vsub.f32 v24, v28;
	v24 =	vmovc v34;
	v42 =	vld [tilespmem:s15+$0xA610]  }
0x1f8: {  	v30 =	vadd.f32 v51, v31;
	v31 =	vadd.f32 v54, v52;
	v33 =	vld [tilespmem:s15+$0xA620];
	v34 =	vmul.f32 v55, v49  }
0x1f9: {  	v56 =	vsub.f32 v25, v28;
	v25 =	vmovc v43;
	v52 =	vperm.xlane v29, v0;
	v54 =	vsub.f32 v27, v28;
	v51 =	vld [tilespmem:s15+$0x6600]  }
0x1fa: {  	v58 =	vsub.f32 v22, v28;
	v22 =	vmovc v45;
	v57 =	vadd.f32 v31, v30;
	v43 =	vld [tilespmem:s15+$0x8600];
	v31 =	vmul.f32 v34, v55  }
0x1fb: {  	v36 =	vmul.f32 v36, v6;
	v45 =	vadd.f32 v29, v52;
	v29 =	vsub.f32 v26, v28;
	v26 =	vmovc v44;
	v34 =	vld [tilespmem:s15+$0x6610]  }
0x1fc: {  	v27 =	vmovc v32;
	v30 =	vsub.f32 v21, v28;
	v21 =	vmovc v47;
	v52 =	vperm.xlane v57, v0;
	v44 =	vld [tilespmem:s15+$0x8610];
	v59 =	vsub.f32 $1.500000000e+00, v31  }
0x1fd: {  	v35 =	vmul.f32 v35, v7;
	v47 =	vperm.xlane v45, v1;
	v31 =	vsub.f32 v20, v28;
	v20 =	vmovc v48;
	v32 =	vld [tilespmem:s15+$0x6620]  }
0x1fe: {  	v53 =	vmul.f32 v53, v8;
	v52 =	vadd.f32 v52, v57;
	v48 =	vld [tilespmem:s15+$0x8620];
	v55 =	vmul.f32 v59, v55  }
0x1ff: {  	v46 =	vmul.f32 v46, v9;
	v38 =	vmul.f32 v38, v10;
	v45 =	vadd.f32 v45, v47;
	v57 =	vld [tilespmem:s15+$0x6630]  }
0x200: {  	v37 =	vadd.f32 v37, v12;
	v59 =	vperm.xlane v52, v1;
	v47 =	vld [tilespmem:s15+$0x8630];
	v49 =	vmul.f32 v55, v49  }
0x201: {  	v39 =	vadd.f32 v39, v13;
	v36 =	vadd.f32 v36, v14;
	v61 =	vperm.xlane v45, v2;
	v60 =	vld [tilespmem:s15+$0x6640]  }
0x202: {  	v35 =	vadd.f32 v35, v15;
	v52 =	vadd.f32 v59, v52;
	v62 =	vld [tilespmem:s15+$0x8640];
	v49 =	vmul.f32 v49, v55;
	[tilespmem:s28+$0x1A600] =	vst v37  }
0x203: {  	v37 =	vadd.f32 v45, v61;
	v59 =	vld [tilespmem:s15+$0x6650];
	[tilespmem:s28+$0x1A610] =	vst v39;
	v39 =	vadd.f32 v53, v16  }
0x204: {  	v45 =	vperm.xlane v52, v2;
	v53 =	vld [tilespmem:s15+$0x8650];
	v49 =	vsub.f32 $1.500000000e+00, v49;
	[tilespmem:s28+$0x1A620] =	vst v36;
	v36 =	vadd.f32 v46, v17  }
0x205: {  	v51 =	vadd.f32 v43, v51;
	v46 =	vperm.xlane v37, v3;
	v61 =	vld [tilespmem:s15+$0x6660];
	[tilespmem:s28+$0x1A630] =	vst v35;
	v35 =	vadd.f32 v38, v18  }
0x206: {  	v28 =	vsub.f32 v23, v28;
	v52 =	vadd.f32 v45, v52;
	v63 =	vld [tilespmem:s15+$0x8660];
	v38 =	vmul.f32 v49, v55;
	[tilespmem:s28+$0x1A640] =	vst v39  }
0x207: {  	v23 =	vmov v40;
	v43 =	vadd.f32 v48, v32;
	v55 =	vadd.f32 v44, v34;
	v32 =	vld [tilespmem:s15+$0x6670];
	[tilespmem:s28+$0x1A650] =	vst v36  }
0x208: {  	v34 =	vadd.f32 v37, v46;
	v39 =	vperm.xlane v52, v3;
	v36 =	vld [tilespmem:s15+$0x8670];
	v48 =	vmul.f32 v38, v28;
	[tilespmem:s28+$0x1A660] =	vst v35;
	s28 =	smov.u32 s29;
	s29 =	smov.u32 s0;
	s0 =	smov.u32 s15  }
0x209: {  	v40 =	vadd.f32 v47, v57;
	v44 =	vadd.f32 v62, v60;
	v37 =	vmul.f32 v38, v50;
	v45 =	vld [tilespmem:s0+$0xA630]  }
.Ltmp3:
0x20a: {  	v28 =	vmul.f32 $7.812500000e-03, v34;
	v34 =	vadd.f32 v39, v52;
	v46 =	vld [tilespmem:s0+$0xA640];
	v35 =	vmul.f32 v48, v11;
	(pc) =	sbr.rel @p1 .LBB2_8-.Ltmp3, $4  }
0x20b: {  	v39 =	vmul.f32 v38, v54;
	v47 =	vadd.f32 v53, v59;
	v48 =	vld [tilespmem:s0+$0xA650];
	v49 =	vadd.f32 v63, v61  }
0x20c: {  	v53 =	vmul.f32 $7.812500000e-03, v34;
	v54 =	vmul.f32 v28, v28;
	v50 =	vld [tilespmem:s0+$0xA660];
	v57 =	vadd.f32 v35, v19  }
0x20d: {  	v34 =	vadd.f32 v41, v51;
	v51 =	vadd.f32 v36, v32;
	v52 =	vld [tilespmem:s0+$0xA670];
	v36 =	vmul.f32 v38, v56  }
0x20e: {  	s30 =	sadd.s32 $0x200, s30;
	v41 =	vsub.f32 v53, v54;
	v35 =	vmul.f32 v38, v58;
	v32 =	vadd.f32 v42, v55;
	[tilespmem:s28+$0x1A670] =	vst v57  }
0x20f: {  	v42 =	vadd.f32 v33, v43  }
0x210: {  	v43 =	vadd.f32 v45, v40;
	v44 =	vadd.f32 v46, v44  }
0x211: {  	v45 =	vadd.f32 v48, v47;
	v60 =	vadd.f32 v32, v34  }
0x212: {  	v47 =	vmul.f32 v34, v34;
	v62 =	vmul.f32 v32, v32;
	v33 =	vadd.f32 v50, v49  }
0x213: {  	v61 =	vadd.f32 v43, v42;
	v57 =	vmul.f32 v42, v42;
	v58 =	vmul.f32 v43, v43  }
0x214: {  	v54 =	vmul.f32 v44, v44;
	v40 =	vadd.f32 v52, v51;
	v63 =	vadd.f32 v45, v44  }
0x215: {  	v59 =	vmul.f32 v45, v45;
	v47 =	vadd.f32 v62, v47;
	v46 =	vadd.f32 v61, v60  }
0x216: {  	v55 =	vmul.f32 v33, v33;
	v53 =	vadd.f32 v40, v33;
	v60 =	vmul.f32 v40, v40  }
0x217: {  	v61 =	vadd.f32 v58, v57;
	v48 =	vadd.f32 v59, v54  }
0x218: {  	v50 =	vadd.f32 v53, v63;
	v62 =	vadd.f32 v60, v55  }
0x219: {  	v47 =	vadd.f32 v61, v47  }
0x21a: {  	v46 =	vadd.f32 v50, v46;
	v48 =	vadd.f32 v62, v48;
	_ =	sdelay $0x1  }
0x21b: {  	v63 =	vperm.xlane v46, v0;
	v47 =	vadd.f32 v48, v47;
	_ =	sdelay $0x1  }
0x21c: {  	v46 =	vadd.f32 v46, v63;
	v48 =	vperm.xlane v47, v0;
	_ =	sdelay $0x1  }
0x21d: {  	v49 =	vperm.xlane v46, v1;
	v47 =	vadd.f32 v48, v47;
	_ =	sdelay $0x1  }
0x21e: {  	v46 =	vadd.f32 v46, v49;
	v48 =	vperm.xlane v47, v1;
	_ =	sdelay $0x1  }
0x21f: {  	v49 =	vperm.xlane v46, v2;
	v47 =	vadd.f32 v48, v47  }
0x220: {  	v41 =	vadd.f32 $9.999999960e-13, v41  }
0x221: {  	v46 =	vadd.f32 v46, v49;
	v48 =	vperm.xlane v47, v2  }
0x222: {  	v52 =	vshra.s32 v41, $0x1  }
0x223: {  	v41 =	vmul.f32 $5.000000000e-01, v41;
	v53 =	vperm.xlane v46, v3;
	v47 =	vadd.f32 v48, v47  }
0x224: {  	v49 =	vsub.s32 $0x5F3759DF, v52  }
0x225: {  	v54 =	vmul.f32 v49, v41;
	v46 =	vadd.f32 v46, v53;
	v55 =	vperm.xlane v47, v3;
	_ =	sdelay $0x1  }
0x226: {  	v48 =	vmul.f32 v49, v54;
	v46 =	vmul.f32 $7.812500000e-03, v46;
	v47 =	vadd.f32 v55, v47;
	_ =	sdelay $0x1  }
0x227: {  	v48 =	vsub.f32 $1.500000000e+00, v48;
	v47 =	vmul.f32 $7.812500000e-03, v47;
	v56 =	vmul.f32 v46, v46;
	_ =	sdelay $0x1  }
0x228: {  	v48 =	vmul.f32 v49, v48;
	v47 =	vsub.f32 v47, v56;
	_ =	sdelay $0x1  }
0x229: {  	v49 =	vmul.f32 v48, v41;
	v47 =	vadd.f32 $9.999999960e-13, v47;
	_ =	sdelay $0x1  }
0x22a: {  	v49 =	vmul.f32 v49, v48;
	v57 =	vshra.s32 v47, $0x1;
	v47 =	vmul.f32 $5.000000000e-01, v47  }
0x22b: {  	v50 =	vsub.s32 $0x5F3759DF, v57  }
0x22c: {  	v49 =	vsub.f32 $1.500000000e+00, v49;
	v58 =	vmul.f32 v50, v47  }
0x22d: {  	v29 =	vmul.f32 v38, v29;
	v30 =	vmul.f32 v38, v30  }
0x22e: {  	v48 =	vmul.f32 v49, v48;
	v59 =	vmul.f32 v50, v58  }
0x22f: {  	v31 =	vmul.f32 v38, v31;
	v37 =	vmul.f32 v37, v4;
	v24 =	vsub.f32 v24, v28  }
0x230: {  	v27 =	vsub.f32 v27, v28;
	v41 =	vmul.f32 v48, v41;
	v38 =	vsub.f32 $1.500000000e+00, v59  }
0x231: {  	v39 =	vmul.f32 v39, v5;
	v25 =	vsub.f32 v25, v28;
	v22 =	vsub.f32 v22, v28  }
0x232: {  	v26 =	vsub.f32 v26, v28;
	v41 =	vmul.f32 v41, v48;
	v38 =	vmul.f32 v50, v38  }
0x233: {  	v36 =	vmul.f32 v36, v6;
	v21 =	vsub.f32 v21, v28;
	v23 =	vsub.f32 v23, v28  }
0x234: {  	v35 =	vmul.f32 v35, v7;
	v41 =	vsub.f32 $1.500000000e+00, v41;
	v60 =	vmul.f32 v38, v47  }
0x235: {  	v20 =	vsub.f32 v20, v28;
	v29 =	vmul.f32 v29, v8;
	v28 =	vmul.f32 v31, v10  }
0x236: {  	v37 =	vadd.f32 v37, v12;
	v41 =	vmul.f32 v41, v48;
	v31 =	vmul.f32 v60, v38  }
0x237: {  	v30 =	vmul.f32 v30, v9;
	v39 =	vadd.f32 v39, v13;
	v36 =	vadd.f32 v36, v14  }
0x238: {  	v35 =	vadd.f32 v35, v15;
	v23 =	vmul.f32 v41, v23;
	v31 =	vsub.f32 $1.500000000e+00, v31  }
0x239: {  	v29 =	vadd.f32 v29, v16;
	v24 =	vmul.f32 v41, v24;
	v27 =	vmul.f32 v41, v27  }
0x23a: {  	[tilespmem:s28+$0x1A600] =	vst v37;
	v30 =	vadd.f32 v30, v17;
	v25 =	vmul.f32 v41, v25;
	v31 =	vmul.f32 v31, v38  }
0x23b: {  	[tilespmem:s28+$0x1A610] =	vst v39;
	v28 =	vadd.f32 v28, v18;
	v22 =	vmul.f32 v41, v22;
	v26 =	vmul.f32 v41, v26  }
0x23c: {  	[tilespmem:s28+$0x1A620] =	vst v36;
	v62 =	vsub.f32 v34, v46;
	v21 =	vmul.f32 v41, v21;
	v61 =	vmul.f32 v31, v47  }
0x23d: {  	[tilespmem:s28+$0x1A630] =	vst v35;
	v63 =	vsub.f32 v32, v46;
	v20 =	vmul.f32 v41, v20;
	v23 =	vmul.f32 v23, v11  }
0x23e: {  	[tilespmem:s28+$0x1A640] =	vst v29;
	v29 =	vsub.f32 v42, v46;
	v24 =	vmul.f32 v24, v4;
	v41 =	vmul.f32 v61, v31  }
0x23f: {  	[tilespmem:s28+$0x1A650] =	vst v30;
	v43 =	vsub.f32 v43, v46;
	v25 =	vmul.f32 v25, v6;
	v23 =	vadd.f32 v23, v19  }
0x240: {  	[tilespmem:s28+$0x1A660] =	vst v28;
	v27 =	vmul.f32 v27, v5;
	v24 =	vadd.f32 v24, v12;
	v35 =	vsub.f32 $1.500000000e+00, v41  }
0x241: {  	v22 =	vmul.f32 v22, v7;
	v26 =	vmul.f32 v26, v8;
	v25 =	vadd.f32 v25, v14;
	[tilespmem:s29+$0x1A670] =	vst v23  }
0x242: {  	v23 =	vadd.f32 v27, v13;
	[tilespmem:s29+$0x1A600] =	vst v24;
	v27 =	vmul.f32 v35, v31;
	v31 =	vsub.f32 v40, v46  }
0x243: {  	v30 =	vsub.f32 v44, v46;
	v21 =	vmul.f32 v21, v9;
	v22 =	vadd.f32 v22, v15;
	[tilespmem:s29+$0x1A620] =	vst v25  }
0x244: {  	v20 =	vmul.f32 v20, v10;
	v24 =	vadd.f32 v26, v16;
	[tilespmem:s29+$0x1A610] =	vst v23;
	v23 =	vmul.f32 v27, v31  }
0x245: {  	v28 =	vsub.f32 v45, v46;
	v21 =	vadd.f32 v21, v17;
	[tilespmem:s29+$0x1A630] =	vst v22;
	v25 =	vmul.f32 v27, v62  }
0x246: {  	v20 =	vadd.f32 v20, v18;
	[tilespmem:s29+$0x1A640] =	vst v24;
	v24 =	vmul.f32 v27, v29;
	v22 =	vmul.f32 v23, v11  }
0x247: {  	v33 =	vsub.f32 v33, v46;
	[tilespmem:s29+$0x1A650] =	vst v21;
	v23 =	vmul.f32 v27, v63;
	v25 =	vmul.f32 v25, v4  }
0x248: {  	[tilespmem:s29+$0x1A660] =	vst v20;
	v20 =	vmul.f32 v27, v30;
	v24 =	vmul.f32 v24, v6;
	v21 =	vadd.f32 v22, v19  }
0x249: {  	v22 =	vmul.f32 v27, v43;
	v23 =	vmul.f32 v23, v5;
	v25 =	vadd.f32 v25, v12  }
0x24a: {  	v20 =	vmul.f32 v20, v8;
	v24 =	vadd.f32 v24, v14;
	[tilespmem:s0+$0x1A670] =	vst v21;
	v21 =	vmul.f32 v27, v28  }
0x24b: {  	v26 =	vmul.f32 v27, v33;
	v22 =	vmul.f32 v22, v7;
	v23 =	vadd.f32 v23, v13;
	[tilespmem:s0+$0x1A600] =	vst v25  }
0x24c: {  	v20 =	vadd.f32 v20, v16;
	[tilespmem:s0+$0x1A620] =	vst v24;
	v21 =	vmul.f32 v21, v9  }
0x24d: {  	v22 =	vadd.f32 v22, v15;
	[tilespmem:s0+$0x1A610] =	vst v23;
	v23 =	vmul.f32 v26, v10  }
0x24e: {  	s15 =	rddreg [dreg:$0x16];
	s28 =	sshll.u32 s23, $0x8;
	[tilespmem:s0+$0x1A640] =	vst v20;
	v21 =	vadd.f32 v21, v17  }
0x24f: {  	s15 =	sadd.s32 s28, s15;
	[tilespmem:s0+$0x1A630] =	vst v22;
	v22 =	vadd.f32 v23, v18  }
0x250: {  	s15 =	sshll.u32 s15, $0x4;
	[tilespmem:s0+$0x1A650] =	vst v21  }
0x251: {  	[tilespmem:s0+$0x1A660] =	vst v22;
	s0 =	sadd.s32 s6, s15;
	s15 =	simm.s32 $0x1A600  }
0x252: {  	[hbm4b:s0+s7] =	stream.linear.scatter [tilespmem:s15], [sflag:$0xE], $0x2000, $0x38;
	[tilespmem:$0x1C700] =	vst v63  }
0x253: {  	_ =	swait.ge [sflag:s20], $0x2000  }
0x254: {  	[sflag:s20] =	ssyncset.done $0x0  }
0x255: {  	[sflag:s20] =	ssyncadd.s32 $0xFFFFE000  }
0x256: {  	_ =	swait.ge [sflag:s21], $0x2000  }
0x257: {  	[sflag:s21] =	ssyncset.done $0x0  }
0x258: {  	[sflag:s21] =	ssyncadd.s32 $0xFFFFE000  }
0x259: {  	_ =	swait.ge [sflag:s22], $0x2000  }
0x25a: {  	[sflag:s22] =	ssyncset.done $0x0  }
0x25b: {  	s0 =	simm.s32 @!p0 $0x10;
	[sflag:s22] =	ssyncadd.s32 $0xFFFFE000  }
0x25c: {  	_ =	swait.ge @!p0 [sflag:s0], $0x40  }
0x25d: {  	[sflag:s0] =	ssyncset.done @!p0 $0x0  }
0x25e: {  	[sflag:s0] =	ssyncadd.s32 @!p0 $0xFFFFFFC0  }
0x25f: {  	_ =	swait.ge @!p0 [sflag:s0], $0x40  }
0x260: {  	[sflag:s0] =	ssyncset.done @!p0 $0x0  }
0x261: {  	[sflag:s0] =	ssyncadd.s32 @!p0 $0xFFFFFFC0  }
0x262: {  	_ =	swait.ge @!p0 [sflag:s0], $0x40  }
0x263: {  	s29 =	simm.s32 @!p0 $0x6600;
	[sflag:s0] =	ssyncset.done @!p0 $0x0  }
0x264: {  	s15 =	simm.s32 @!p0 $0x180;
	[sflag:s0] =	ssyncadd.s32 @!p0 $0xFFFFFFC0;
	s0 =	simm.s32 @!p0 $0x40  }
0x265: {  	[tilespmem:s29], [sflag:$0x4] =	stream.indirect.gather @!p0 [hbm4b:s1+s0], $0x80, s15, s0, $0xb8;
	[tilespmem:$0x1C700] =	vst v63  }
0x266: {  	s15 =	simm.s32 @!p0 $0x200;
	s29 =	simm.s32 @!p0 $0x8600  }
0x267: {  	[tilespmem:s29], [sflag:$0x5] =	stream.indirect.gather @!p0 [hbm4b:s2+s0], $0x80, s15, s0, $0xb8;
	[tilespmem:$0x1C700] =	vst v63  }
0x268: {  	s15 =	simm.s32 @!p0 $0x280;
	s29 =	simm.s32 @!p0 $0xA600  }
0x269: {  	[tilespmem:s29], [sflag:$0x6] =	stream.indirect.gather @!p0 [hbm4b:s2+s0], $0x80, s15, s0, $0xb8;
	[tilespmem:$0x1C700] =	vst v63  }
0x26a: {  	s0 =	rddreg [dreg:$0x17]  }
0x26b: {  	s0 =	sadd.s32 @!p0 s28, s0  }
0x26c: {  	s0 =	sshrl.u32 @!p0 s0, $0x3  }
0x26d: {  	s30 =	simm.s32 @!p0 $0x300;
	s29 =	simm.s32 @!p0 $0x0;
	s15 =	sadd.s32 @!p0 s8, s0  }
0x26e: {  	[tilespmem:s30], [sflag:$0x11] =	stream.linear.gather @!p0 [hbm4b:s15+s29], $0x40, $0x38;
	[tilespmem:$0x1C700] =	vst v63  }
0x26f: {  	s15 =	sadd.s32 @!p0 s9, s0;
	s30 =	simm.s32 @!p0 $0x380  }
0x270: {  	[tilespmem:s30], [sflag:$0x11] =	stream.linear.gather @!p0 [hbm4b:s15+s29], $0x40, $0x38;
	[tilespmem:$0x1C700] =	vst v63  }
0x271: {  	s0 =	sadd.s32 @!p0 s10, s0;
	s15 =	simm.s32 @!p0 $0x400  }
0x272: {  	[tilespmem:s15], [sflag:$0x11] =	stream.linear.gather @!p0 [hbm4b:s0+s29], $0x40, $0x38;
	[tilespmem:$0x1C700] =	vst v63  }
0x273: {  	_ =	swait.ge [sflag:s4], $0x2000  }
0x274: {  	[sflag:s4] =	ssyncset.done $0x0  }
0x275: {  	s29 =	simm.s32 $0x0;
	[sflag:s4] =	ssyncadd.s32 $0xFFFFE000  }
0x276: {  	v20 =	vld [tilespmem:s29+$0x10600]  }
0x277: {  	v21 =	vld [tilespmem:s29+$0x10610]  }
0x278: {  	v22 =	vld [tilespmem:s29+$0x10620]  }
0x279: {  	v23 =	vld [tilespmem:s29+$0xC600]  }
0x27a: {  	v24 =	vld [tilespmem:s29+$0xE600]  }
0x27b: {  	v25 =	vld [tilespmem:s29+$0xC610]  }
0x27c: {  	v26 =	vld [tilespmem:s29+$0xE610]  }
0x27d: {  	v27 =	vld [tilespmem:s29+$0xC620]  }
0x27e: {  	v28 =	vld [tilespmem:s29+$0xE620]  }
0x27f: {  	v29 =	vld [tilespmem:s29+$0xC630]  }
0x280: {  	v30 =	vld [tilespmem:s29+$0xE630]  }
0x281: {  	v31 =	vld [tilespmem:s29+$0xC640]  }
0x282: {  	v44 =	vld [tilespmem:s29+$0xE640]  }
0x283: {  	v45 =	vld [tilespmem:s29+$0xC650]  }
0x284: {  	v46 =	vld [tilespmem:s29+$0xE650]  }
0x285: {  	v47 =	vld [tilespmem:s29+$0xC660]  }
0x286: {  	v48 =	vld [tilespmem:s29+$0xE660]  }
0x287: {  	v49 =	vld [tilespmem:s29+$0xC670]  }
0x288: {  	v50 =	vld [tilespmem:s29+$0xE670]  }
0x289: {  	v51 =	vld [tilespmem:s29+$0x10630]  }
0x28a: {  	v53 =	vld [tilespmem:s29+$0x10670];
	v23 =	vadd.f32 v24, v23  }
0x28b: {  	v24 =	vld [tilespmem:s29+$0x10640];
	v25 =	vadd.f32 v26, v25;
	v26 =	vadd.f32 v28, v27  }
0x28c: {  	v27 =	vld [tilespmem:s29+$0x10650];
	v28 =	vadd.f32 v30, v29;
	v29 =	vadd.f32 v44, v31  }
0x28d: {  	v31 =	vld [tilespmem:s29+$0x10660];
	v30 =	vadd.f32 v46, v45;
	v52 =	vadd.f32 v48, v47  }
0x28e: {  	v36 =	vadd.f32 v20, v23;
	v20 =	vadd.f32 v50, v49  }
0x28f: {  	v34 =	vadd.f32 v21, v25;
	v35 =	vadd.f32 v22, v26  }
0x290: {  	v32 =	vadd.f32 v51, v28;
	v28 =	vadd.f32 v53, v20  }
0x291: {  	v20 =	vadd.f32 v34, v36;
	v29 =	vadd.f32 v24, v29  }
0x292: {  	v21 =	vmul.f32 v36, v36;
	v30 =	vadd.f32 v27, v30;
	v31 =	vadd.f32 v31, v52  }
0x293: {  	v22 =	vadd.f32 v32, v35;
	v23 =	vmul.f32 v34, v34;
	v25 =	vmul.f32 v35, v35  }
0x294: {  	v26 =	vmul.f32 v32, v32;
	v24 =	vadd.f32 v30, v29;
	v27 =	vadd.f32 v28, v31  }
0x295: {  	v20 =	vadd.f32 v22, v20;
	v54 =	vmul.f32 v29, v29;
	v22 =	vmul.f32 v30, v30  }
0x296: {  	v55 =	vmul.f32 v31, v31;
	v24 =	vadd.f32 v27, v24;
	v27 =	vmul.f32 v28, v28  }
0x297: {  	v21 =	vadd.f32 v23, v21;
	v23 =	vadd.f32 v26, v25  }
0x298: {  	v22 =	vadd.f32 v22, v54;
	v26 =	vadd.f32 v27, v55  }
0x299: {  	v21 =	vadd.f32 v23, v21  }
0x29a: {  	s30 =	simm.s32 $0x80;
	v20 =	vadd.f32 v24, v20;
	v22 =	vadd.f32 v26, v22  }
0x29b: {  	v33 =	vld [tilespmem:s30+$0x10620]  }
0x29c: {  	v38 =	vld [tilespmem:s30+$0xC620];
	v24 =	vperm.xlane v20, v0;
	v21 =	vadd.f32 v22, v21  }
0x29d: {  	v58 =	vld [tilespmem:s30+$0xE620]  }
0x29e: {  	v37 =	vld [tilespmem:s30+$0xC630];
	v20 =	vadd.f32 v20, v24;
	v56 =	vperm.xlane v21, v0  }
0x29f: {  	v39 =	vld [tilespmem:s30+$0xE630]  }
0x2a0: {  	v42 =	vld [tilespmem:s30+$0xC640];
	v57 =	vperm.xlane v20, v1;
	v21 =	vadd.f32 v56, v21  }
0x2a1: {  	v62 =	vld [tilespmem:s30+$0xC650]  }
0x2a2: {  	v63 =	vld [tilespmem:s30+$0xE650];
	v20 =	vadd.f32 v20, v57;
	v59 =	vperm.xlane v21, v1  }
0x2a3: {  	v38 =	vadd.f32 v58, v38;
	v58 =	vld [tilespmem:s30+$0x10630]  }
0x2a4: {  	v23 =	vld [tilespmem:s30+$0xC600];
	v60 =	vperm.xlane v20, v2;
	v21 =	vadd.f32 v59, v21  }
0x2a5: {  	v26 =	vld [tilespmem:s30+$0xE600]  }
0x2a6: {  	v25 =	vld [tilespmem:s30+$0x10600];
	v20 =	vadd.f32 v20, v60;
	v52 =	vperm.xlane v21, v2  }
0x2a7: {  	v22 =	vld [tilespmem:s30+$0xC610]  }
0x2a8: {  	v24 =	vld [tilespmem:s30+$0xE610];
	v54 =	vperm.xlane v20, v3;
	v21 =	vadd.f32 v52, v21  }
0x2a9: {  	v27 =	vld [tilespmem:s30+$0x10610]  }
0x2aa: {  	v23 =	vadd.f32 v26, v23;
	v26 =	vld [tilespmem:s30+$0xE670];
	v20 =	vadd.f32 v20, v54;
	v57 =	vperm.xlane v21, v3  }
0x2ab: {  	v37 =	vadd.f32 v39, v37;
	v56 =	vld [tilespmem:s30+$0xC670]  }
0x2ac: {  	v61 =	vld [tilespmem:s30+$0xE640];
	v41 =	vadd.f32 v63, v62;
	v49 =	vmul.f32 $7.812500000e-03, v20;
	v20 =	vadd.f32 v57, v21  }
0x2ad: {  	v62 =	vld [tilespmem:s30+$0x10660];
	v22 =	vadd.f32 v24, v22;
	v24 =	vadd.f32 v25, v23  }
0x2ae: {  	v48 =	vld [tilespmem:s30+$0x10670];
	v25 =	vadd.f32 v33, v38;
	v63 =	vmul.f32 v49, v49;
	v20 =	vmul.f32 $7.812500000e-03, v20  }
0x2af: {  	v53 =	vld [tilespmem:s30+$0xC660];
	v27 =	vadd.f32 v27, v22;
	v22 =	vadd.f32 v58, v37  }
0x2b0: {  	v55 =	vld [tilespmem:s30+$0xE660];
	v23 =	vadd.f32 v26, v56;
	v20 =	vsub.f32 v20, v63  }
0x2b1: {  	v59 =	vld [tilespmem:s30+$0x10640];
	v40 =	vadd.f32 v22, v25;
	v52 =	vadd.f32 v27, v24  }
0x2b2: {  	v60 =	vld [tilespmem:s30+$0x10650];
	v50 =	vadd.f32 $9.999999960e-13, v20  }
0x2b3: {  	v56 =	vmul.f32 v27, v27;
	v23 =	vadd.f32 v48, v23;
	v33 =	vadd.f32 v40, v52  }
0x2b4: {  	v21 =	vadd.f32 v61, v42;
	v51 =	vshra.s32 v50, $0x1;
	v38 =	vmul.f32 $5.000000000e-01, v50  }
0x2b5: {  	v61 =	vadd.f32 v55, v53;
	v53 =	vmul.f32 v24, v24;
	v37 =	vsub.s32 $0x5F3759DF, v51  }
0x2b6: {  	v55 =	vmul.f32 v23, v23;
	v26 =	vadd.f32 v59, v21;
	v57 =	vmul.f32 v37, v38  }
0x2b7: {  	v21 =	vadd.f32 v60, v41;
	v59 =	vmul.f32 v25, v25;
	v20 =	vadd.f32 v62, v61  }
0x2b8: {  	v60 =	vmul.f32 v22, v22;
	v39 =	vadd.f32 v56, v53;
	v42 =	vmul.f32 v37, v57  }
0x2b9: {  	v58 =	vadd.f32 v21, v26;
	v63 =	vmul.f32 v21, v21;
	v61 =	vadd.f32 v23, v20  }
0x2ba: {  	v62 =	vmul.f32 v26, v26;
	v54 =	vmul.f32 v20, v20;
	v42 =	vsub.f32 $1.500000000e+00, v42  }
0x2bb: {  	s0 =	simm.s32 $0x100;
	v56 =	vadd.f32 v60, v59;
	v43 =	vadd.f32 v61, v58  }
0x2bc: {  	v44 =	vld [tilespmem:s0+$0xC600];
	v40 =	vadd.f32 v63, v62;
	v57 =	vadd.f32 v55, v54;
	v37 =	vmul.f32 v37, v42  }
0x2bd: {  	v46 =	vld [tilespmem:s0+$0xE600];
	v43 =	vadd.f32 v43, v33  }
0x2be: {  	v45 =	vld [tilespmem:s0+$0xE610];
	v39 =	vadd.f32 v56, v39;
	v40 =	vadd.f32 v57, v40;
	v58 =	vmul.f32 v37, v38  }
0x2bf: {  	v47 =	vld [tilespmem:s0+$0xE630];
	v59 =	vperm.xlane v43, v0  }
0x2c0: {  	v41 =	vld [tilespmem:s0+$0xC610];
	v39 =	vadd.f32 v40, v39;
	v60 =	vmul.f32 v58, v37  }
0x2c1: {  	v48 =	vld [tilespmem:s0+$0xC620];
	v43 =	vadd.f32 v43, v59  }
0x2c2: {  	v52 =	vld [tilespmem:s0+$0xC670];
	v61 =	vperm.xlane v39, v0;
	v40 =	vsub.f32 $1.500000000e+00, v60  }
0x2c3: {  	v53 =	vld [tilespmem:s0+$0xC640];
	v62 =	vperm.xlane v43, v1  }
0x2c4: {  	v56 =	vld [tilespmem:s0+$0xE650];
	v39 =	vadd.f32 v61, v39;
	v37 =	vmul.f32 v40, v37  }
0x2c5: {  	v41 =	vadd.f32 v45, v41;
	v45 =	vld [tilespmem:s0+$0x10630];
	v43 =	vadd.f32 v43, v62  }
0x2c6: {  	v36 =	vsub.f32 v36, v49;
	v63 =	vld [tilespmem:s0+$0xE620];
	v59 =	vperm.xlane v39, v1;
	v38 =	vmul.f32 v37, v38  }
0x2c7: {  	v34 =	vsub.f32 v34, v49;
	v35 =	vsub.f32 v35, v49;
	v50 =	vld [tilespmem:s0+$0xC650];
	v60 =	vperm.xlane v43, v2  }
0x2c8: {  	v55 =	vsub.f32 v32, v49;
	v32 =	vld [tilespmem:s0+$0xE640];
	v39 =	vadd.f32 v59, v39;
	v38 =	vmul.f32 v38, v37  }
0x2c9: {  	v29 =	vsub.f32 v29, v49;
	v42 =	vld [tilespmem:s0+$0x10610];
	v54 =	vadd.f32 v43, v60  }
0x2ca: {  	v30 =	vsub.f32 v30, v49;
	v40 =	vld [tilespmem:s0+$0xC630];
	v61 =	vperm.xlane v39, v2;
	v38 =	vsub.f32 $1.500000000e+00, v38  }
0x2cb: {  	v31 =	vsub.f32 v31, v49;
	v57 =	vadd.f32 v46, v44;
	v58 =	vld [tilespmem:s0+$0xC660];
	v44 =	vperm.xlane v54, v3  }
0x2cc: {  	v28 =	vsub.f32 v28, v49;
	v59 =	vld [tilespmem:s0+$0xE660];
	v39 =	vadd.f32 v61, v39;
	v38 =	vmul.f32 v38, v37  }
0x2cd: {  	v51 =	vld [tilespmem:s0+$0x10600];
	v43 =	vadd.f32 v63, v48;
	v62 =	vadd.f32 v54, v44  }
0x2ce: {  	v60 =	vld [tilespmem:s0+$0xE670];
	v44 =	vadd.f32 v32, v53;
	v63 =	vperm.xlane v39, v3;
	v61 =	vmul.f32 v38, v28  }
0x2cf: {  	v33 =	vld [tilespmem:s0+$0x10620];
	v32 =	vadd.f32 v42, v41;
	v40 =	vadd.f32 v47, v40  }
0x2d0: {  	v46 =	vld [tilespmem:s0+$0x10640];
	v28 =	vmul.f32 $7.812500000e-03, v62;
	v62 =	vadd.f32 v63, v39;
	v63 =	vmul.f32 v61, v11  }
0x2d1: {  	v48 =	vld [tilespmem:s0+$0x10650];
	v47 =	vadd.f32 v56, v50;
	v49 =	vadd.f32 v59, v58;
	v37 =	vmul.f32 v38, v36  }
0x2d2: {  	v50 =	vld [tilespmem:s0+$0x10660];
	v61 =	vmul.f32 $7.812500000e-03, v62;
	v62 =	vmul.f32 v28, v28;
	v63 =	vadd.f32 v63, v19  }
0x2d3: {  	v39 =	vmul.f32 v38, v34;
	v34 =	vadd.f32 v51, v57;
	v51 =	vadd.f32 v60, v52;
	v52 =	vld [tilespmem:s0+$0x10670]  }
0x2d4: {  	s31 =	simm.s32 $0x600;
	v36 =	vmul.f32 v38, v35;
	v35 =	vmul.f32 v38, v55;
	v41 =	vsub.f32 v61, v62;
	[tilespmem:s29+$0x18670] =	vst v63  }
.LBB2_10:
0x2d5: {  	p1 =	sne.s32 s31, $0x7E00;
	v43 =	vadd.f32 v33, v43;
	v45 =	vadd.f32 v45, v40;
	v53 =	vmul.f32 v38, v29  }
0x2d6: {  	v44 =	vadd.f32 v46, v44;
	v46 =	vmul.f32 v38, v30;
	v29 =	vadd.f32 $9.999999960e-13, v41  }
0x2d7: {  	v38 =	vmul.f32 v38, v31;
	v47 =	vadd.f32 v48, v47;
	v48 =	vadd.f32 v50, v49  }
0x2d8: {  	v40 =	vadd.f32 v52, v51;
	v30 =	vshra.s32 v29, $0x1;
	v49 =	vmul.f32 $5.000000000e-01, v29  }
0x2d9: {  	v31 =	vmul.f32 v34, v34;
	v29 =	vadd.f32 v32, v34;
	v30 =	vsub.s32 $0x5F3759DF, v30  }
0x2da: {  	v41 =	vmul.f32 v32, v32;
	v33 =	vadd.f32 v45, v43;
	v42 =	vmul.f32 v30, v49  }
0x2db: {  	v50 =	vadd.f32 v47, v44;
	v51 =	vmul.f32 v43, v43;
	v52 =	vmul.f32 v45, v45  }
0x2dc: {  	v55 =	vmul.f32 v44, v44;
	v54 =	vadd.f32 v40, v48;
	v42 =	vmul.f32 v30, v42  }
0x2dd: {  	v56 =	vmul.f32 v48, v48;
	v29 =	vadd.f32 v33, v29;
	v33 =	vmul.f32 v47, v47  }
0x2de: {  	v50 =	vadd.f32 v54, v50;
	v54 =	vmul.f32 v40, v40;
	v42 =	vsub.f32 $1.500000000e+00, v42  }
0x2df: {  	s15 =	sshra.s32 s31, $0x2;
	v37 =	vmul.f32 v37, v4;
	v31 =	vadd.f32 v41, v31;
	v51 =	vadd.f32 v52, v51  }
0x2e0: {  	v52 =	vadd.f32 v33, v55;
	v54 =	vadd.f32 v54, v56;
	v41 =	vld [tilespmem:s15+$0x10600];
	v55 =	vmul.f32 v30, v42  }
0x2e1: {  	v39 =	vmul.f32 v39, v5;
	v29 =	vadd.f32 v50, v29;
	v50 =	vsub.f32 v24, v28;
	v24 =	vmovc v34;
	v42 =	vld [tilespmem:s15+$0x10610]  }
0x2e2: {  	v30 =	vadd.f32 v51, v31;
	v31 =	vadd.f32 v54, v52;
	v33 =	vld [tilespmem:s15+$0x10620];
	v34 =	vmul.f32 v55, v49  }
0x2e3: {  	v56 =	vsub.f32 v25, v28;
	v25 =	vmovc v43;
	v52 =	vperm.xlane v29, v0;
	v54 =	vsub.f32 v27, v28;
	v51 =	vld [tilespmem:s15+$0xC600]  }
0x2e4: {  	v58 =	vsub.f32 v22, v28;
	v22 =	vmovc v45;
	v57 =	vadd.f32 v31, v30;
	v43 =	vld [tilespmem:s15+$0xE600];
	v31 =	vmul.f32 v34, v55  }
0x2e5: {  	v36 =	vmul.f32 v36, v6;
	v45 =	vadd.f32 v29, v52;
	v29 =	vsub.f32 v26, v28;
	v26 =	vmovc v44;
	v34 =	vld [tilespmem:s15+$0xC610]  }
0x2e6: {  	v27 =	vmovc v32;
	v30 =	vsub.f32 v21, v28;
	v21 =	vmovc v47;
	v52 =	vperm.xlane v57, v0;
	v44 =	vld [tilespmem:s15+$0xE610];
	v59 =	vsub.f32 $1.500000000e+00, v31  }
0x2e7: {  	v35 =	vmul.f32 v35, v7;
	v47 =	vperm.xlane v45, v1;
	v31 =	vsub.f32 v20, v28;
	v20 =	vmovc v48;
	v32 =	vld [tilespmem:s15+$0xC620]  }
0x2e8: {  	v53 =	vmul.f32 v53, v8;
	v52 =	vadd.f32 v52, v57;
	v48 =	vld [tilespmem:s15+$0xE620];
	v55 =	vmul.f32 v59, v55  }
0x2e9: {  	v46 =	vmul.f32 v46, v9;
	v38 =	vmul.f32 v38, v10;
	v45 =	vadd.f32 v45, v47;
	v57 =	vld [tilespmem:s15+$0xC630]  }
0x2ea: {  	v37 =	vadd.f32 v37, v12;
	v59 =	vperm.xlane v52, v1;
	v47 =	vld [tilespmem:s15+$0xE630];
	v49 =	vmul.f32 v55, v49  }
0x2eb: {  	v39 =	vadd.f32 v39, v13;
	v36 =	vadd.f32 v36, v14;
	v61 =	vperm.xlane v45, v2;
	v60 =	vld [tilespmem:s15+$0xC640]  }
0x2ec: {  	v35 =	vadd.f32 v35, v15;
	v52 =	vadd.f32 v59, v52;
	v62 =	vld [tilespmem:s15+$0xE640];
	v49 =	vmul.f32 v49, v55;
	[tilespmem:s29+$0x18600] =	vst v37  }
0x2ed: {  	v37 =	vadd.f32 v45, v61;
	v59 =	vld [tilespmem:s15+$0xC650];
	[tilespmem:s29+$0x18610] =	vst v39;
	v39 =	vadd.f32 v53, v16  }
0x2ee: {  	v45 =	vperm.xlane v52, v2;
	v53 =	vld [tilespmem:s15+$0xE650];
	v49 =	vsub.f32 $1.500000000e+00, v49;
	[tilespmem:s29+$0x18620] =	vst v36;
	v36 =	vadd.f32 v46, v17  }
0x2ef: {  	v51 =	vadd.f32 v43, v51;
	v46 =	vperm.xlane v37, v3;
	v61 =	vld [tilespmem:s15+$0xC660];
	[tilespmem:s29+$0x18630] =	vst v35;
	v35 =	vadd.f32 v38, v18  }
0x2f0: {  	v28 =	vsub.f32 v23, v28;
	v52 =	vadd.f32 v45, v52;
	v63 =	vld [tilespmem:s15+$0xE660];
	v38 =	vmul.f32 v49, v55;
	[tilespmem:s29+$0x18640] =	vst v39  }
0x2f1: {  	v23 =	vmov v40;
	v43 =	vadd.f32 v48, v32;
	v55 =	vadd.f32 v44, v34;
	v32 =	vld [tilespmem:s15+$0xC670];
	[tilespmem:s29+$0x18650] =	vst v36  }
0x2f2: {  	v34 =	vadd.f32 v37, v46;
	v39 =	vperm.xlane v52, v3;
	v36 =	vld [tilespmem:s15+$0xE670];
	v48 =	vmul.f32 v38, v28;
	[tilespmem:s29+$0x18660] =	vst v35;
	s29 =	smov.u32 s30;
	s30 =	smov.u32 s0;
	s0 =	smov.u32 s15  }
0x2f3: {  	v40 =	vadd.f32 v47, v57;
	v44 =	vadd.f32 v62, v60;
	v37 =	vmul.f32 v38, v50;
	v45 =	vld [tilespmem:s0+$0x10630]  }
.Ltmp4:
0x2f4: {  	v28 =	vmul.f32 $7.812500000e-03, v34;
	v34 =	vadd.f32 v39, v52;
	v46 =	vld [tilespmem:s0+$0x10640];
	v35 =	vmul.f32 v48, v11;
	(pc) =	sbr.rel @p1 .LBB2_10-.Ltmp4, $4  }
0x2f5: {  	v39 =	vmul.f32 v38, v54;
	v47 =	vadd.f32 v53, v59;
	v48 =	vld [tilespmem:s0+$0x10650];
	v49 =	vadd.f32 v63, v61  }
0x2f6: {  	v53 =	vmul.f32 $7.812500000e-03, v34;
	v54 =	vmul.f32 v28, v28;
	v50 =	vld [tilespmem:s0+$0x10660];
	v57 =	vadd.f32 v35, v19  }
0x2f7: {  	v34 =	vadd.f32 v41, v51;
	v51 =	vadd.f32 v36, v32;
	v52 =	vld [tilespmem:s0+$0x10670];
	v36 =	vmul.f32 v38, v56  }
0x2f8: {  	s31 =	sadd.s32 $0x200, s31;
	v41 =	vsub.f32 v53, v54;
	v35 =	vmul.f32 v38, v58;
	v32 =	vadd.f32 v42, v55;
	[tilespmem:s29+$0x18670] =	vst v57  }
0x2f9: {  	v42 =	vadd.f32 v33, v43  }
0x2fa: {  	v43 =	vadd.f32 v45, v40;
	v44 =	vadd.f32 v46, v44  }
0x2fb: {  	v45 =	vadd.f32 v48, v47;
	v60 =	vadd.f32 v32, v34  }
0x2fc: {  	v47 =	vmul.f32 v34, v34;
	v62 =	vmul.f32 v32, v32;
	v33 =	vadd.f32 v50, v49  }
0x2fd: {  	v61 =	vadd.f32 v43, v42;
	v57 =	vmul.f32 v42, v42;
	v58 =	vmul.f32 v43, v43  }
0x2fe: {  	v54 =	vmul.f32 v44, v44;
	v40 =	vadd.f32 v52, v51;
	v63 =	vadd.f32 v45, v44  }
0x2ff: {  	v59 =	vmul.f32 v45, v45;
	v47 =	vadd.f32 v62, v47;
	v46 =	vadd.f32 v61, v60  }
0x300: {  	v55 =	vmul.f32 v33, v33;
	v53 =	vadd.f32 v40, v33;
	v60 =	vmul.f32 v40, v40  }
0x301: {  	v61 =	vadd.f32 v58, v57;
	v48 =	vadd.f32 v59, v54  }
0x302: {  	v50 =	vadd.f32 v53, v63;
	v62 =	vadd.f32 v60, v55  }
0x303: {  	v47 =	vadd.f32 v61, v47  }
0x304: {  	v46 =	vadd.f32 v50, v46;
	v48 =	vadd.f32 v62, v48;
	_ =	sdelay $0x1  }
0x305: {  	v63 =	vperm.xlane v46, v0;
	v47 =	vadd.f32 v48, v47;
	_ =	sdelay $0x1  }
0x306: {  	v46 =	vadd.f32 v46, v63;
	v48 =	vperm.xlane v47, v0;
	_ =	sdelay $0x1  }
0x307: {  	v49 =	vperm.xlane v46, v1;
	v47 =	vadd.f32 v48, v47;
	_ =	sdelay $0x1  }
0x308: {  	v46 =	vadd.f32 v46, v49;
	v48 =	vperm.xlane v47, v1;
	_ =	sdelay $0x1  }
0x309: {  	v49 =	vperm.xlane v46, v2;
	v47 =	vadd.f32 v48, v47  }
0x30a: {  	v41 =	vadd.f32 $9.999999960e-13, v41  }
0x30b: {  	v46 =	vadd.f32 v46, v49;
	v48 =	vperm.xlane v47, v2  }
0x30c: {  	v52 =	vshra.s32 v41, $0x1  }
0x30d: {  	v41 =	vmul.f32 $5.000000000e-01, v41;
	v53 =	vperm.xlane v46, v3;
	v47 =	vadd.f32 v48, v47  }
0x30e: {  	v49 =	vsub.s32 $0x5F3759DF, v52  }
0x30f: {  	v54 =	vmul.f32 v49, v41;
	v46 =	vadd.f32 v46, v53;
	v55 =	vperm.xlane v47, v3;
	_ =	sdelay $0x1  }
0x310: {  	v48 =	vmul.f32 v49, v54;
	v46 =	vmul.f32 $7.812500000e-03, v46;
	v47 =	vadd.f32 v55, v47;
	_ =	sdelay $0x1  }
0x311: {  	v48 =	vsub.f32 $1.500000000e+00, v48;
	v47 =	vmul.f32 $7.812500000e-03, v47;
	v56 =	vmul.f32 v46, v46;
	_ =	sdelay $0x1  }
0x312: {  	v48 =	vmul.f32 v49, v48;
	v47 =	vsub.f32 v47, v56;
	_ =	sdelay $0x1  }
0x313: {  	v49 =	vmul.f32 v48, v41;
	v47 =	vadd.f32 $9.999999960e-13, v47;
	_ =	sdelay $0x1  }
0x314: {  	v49 =	vmul.f32 v49, v48;
	v57 =	vshra.s32 v47, $0x1;
	v47 =	vmul.f32 $5.000000000e-01, v47  }
0x315: {  	v50 =	vsub.s32 $0x5F3759DF, v57  }
0x316: {  	v49 =	vsub.f32 $1.500000000e+00, v49;
	v58 =	vmul.f32 v50, v47  }
0x317: {  	v29 =	vmul.f32 v38, v29;
	v30 =	vmul.f32 v38, v30  }
0x318: {  	v48 =	vmul.f32 v49, v48;
	v59 =	vmul.f32 v50, v58  }
0x319: {  	v31 =	vmul.f32 v38, v31;
	v37 =	vmul.f32 v37, v4;
	v24 =	vsub.f32 v24, v28  }
0x31a: {  	v27 =	vsub.f32 v27, v28;
	v41 =	vmul.f32 v48, v41;
	v38 =	vsub.f32 $1.500000000e+00, v59  }
0x31b: {  	v39 =	vmul.f32 v39, v5;
	v25 =	vsub.f32 v25, v28;
	v22 =	vsub.f32 v22, v28  }
0x31c: {  	v26 =	vsub.f32 v26, v28;
	v41 =	vmul.f32 v41, v48;
	v38 =	vmul.f32 v50, v38  }
0x31d: {  	v36 =	vmul.f32 v36, v6;
	v21 =	vsub.f32 v21, v28;
	v23 =	vsub.f32 v23, v28  }
0x31e: {  	v35 =	vmul.f32 v35, v7;
	v41 =	vsub.f32 $1.500000000e+00, v41;
	v60 =	vmul.f32 v38, v47  }
0x31f: {  	v20 =	vsub.f32 v20, v28;
	v29 =	vmul.f32 v29, v8;
	v28 =	vmul.f32 v31, v10  }
0x320: {  	v37 =	vadd.f32 v37, v12;
	v41 =	vmul.f32 v41, v48;
	v31 =	vmul.f32 v60, v38  }
0x321: {  	v30 =	vmul.f32 v30, v9;
	v39 =	vadd.f32 v39, v13;
	v36 =	vadd.f32 v36, v14  }
0x322: {  	v35 =	vadd.f32 v35, v15;
	v23 =	vmul.f32 v41, v23;
	v31 =	vsub.f32 $1.500000000e+00, v31  }
0x323: {  	v29 =	vadd.f32 v29, v16;
	v24 =	vmul.f32 v41, v24;
	v27 =	vmul.f32 v41, v27  }
0x324: {  	[tilespmem:s29+$0x18600] =	vst v37;
	v30 =	vadd.f32 v30, v17;
	v25 =	vmul.f32 v41, v25;
	v31 =	vmul.f32 v31, v38  }
0x325: {  	[tilespmem:s29+$0x18610] =	vst v39;
	v28 =	vadd.f32 v28, v18;
	v22 =	vmul.f32 v41, v22;
	v26 =	vmul.f32 v41, v26  }
0x326: {  	[tilespmem:s29+$0x18620] =	vst v36;
	v62 =	vsub.f32 v34, v46;
	v21 =	vmul.f32 v41, v21;
	v61 =	vmul.f32 v31, v47  }
0x327: {  	[tilespmem:s29+$0x18630] =	vst v35;
	v63 =	vsub.f32 v32, v46;
	v20 =	vmul.f32 v41, v20;
	v23 =	vmul.f32 v23, v11  }
0x328: {  	[tilespmem:s29+$0x18640] =	vst v29;
	v29 =	vsub.f32 v42, v46;
	v24 =	vmul.f32 v24, v4;
	v41 =	vmul.f32 v61, v31  }
0x329: {  	[tilespmem:s29+$0x18650] =	vst v30;
	v43 =	vsub.f32 v43, v46;
	v25 =	vmul.f32 v25, v6;
	v23 =	vadd.f32 v23, v19  }
0x32a: {  	[tilespmem:s29+$0x18660] =	vst v28;
	v27 =	vmul.f32 v27, v5;
	v24 =	vadd.f32 v24, v12;
	v35 =	vsub.f32 $1.500000000e+00, v41  }
0x32b: {  	v22 =	vmul.f32 v22, v7;
	v26 =	vmul.f32 v26, v8;
	v25 =	vadd.f32 v25, v14;
	[tilespmem:s30+$0x18670] =	vst v23  }
0x32c: {  	v23 =	vadd.f32 v27, v13;
	[tilespmem:s30+$0x18600] =	vst v24;
	v27 =	vmul.f32 v35, v31;
	v31 =	vsub.f32 v40, v46  }
0x32d: {  	v30 =	vsub.f32 v44, v46;
	v21 =	vmul.f32 v21, v9;
	v22 =	vadd.f32 v22, v15;
	[tilespmem:s30+$0x18620] =	vst v25  }
0x32e: {  	v20 =	vmul.f32 v20, v10;
	v24 =	vadd.f32 v26, v16;
	[tilespmem:s30+$0x18610] =	vst v23;
	v23 =	vmul.f32 v27, v31  }
0x32f: {  	v28 =	vsub.f32 v45, v46;
	v21 =	vadd.f32 v21, v17;
	[tilespmem:s30+$0x18630] =	vst v22;
	v25 =	vmul.f32 v27, v62  }
0x330: {  	v20 =	vadd.f32 v20, v18;
	[tilespmem:s30+$0x18640] =	vst v24;
	v24 =	vmul.f32 v27, v29;
	v22 =	vmul.f32 v23, v11  }
0x331: {  	v33 =	vsub.f32 v33, v46;
	[tilespmem:s30+$0x18650] =	vst v21;
	v23 =	vmul.f32 v27, v63;
	v25 =	vmul.f32 v25, v4  }
0x332: {  	[tilespmem:s30+$0x18660] =	vst v20;
	v20 =	vmul.f32 v27, v30;
	v24 =	vmul.f32 v24, v6;
	v21 =	vadd.f32 v22, v19  }
0x333: {  	v22 =	vmul.f32 v27, v43;
	v23 =	vmul.f32 v23, v5;
	v25 =	vadd.f32 v25, v12  }
0x334: {  	v20 =	vmul.f32 v20, v8;
	v24 =	vadd.f32 v24, v14;
	[tilespmem:s0+$0x18670] =	vst v21;
	v21 =	vmul.f32 v27, v28  }
0x335: {  	v26 =	vmul.f32 v27, v33;
	v22 =	vmul.f32 v22, v7;
	v23 =	vadd.f32 v23, v13;
	[tilespmem:s0+$0x18600] =	vst v25  }
0x336: {  	v20 =	vadd.f32 v20, v16;
	[tilespmem:s0+$0x18620] =	vst v24;
	v21 =	vmul.f32 v21, v9  }
0x337: {  	v22 =	vadd.f32 v22, v15;
	[tilespmem:s0+$0x18610] =	vst v23;
	v23 =	vmul.f32 v26, v10  }
0x338: {  	s15 =	rddreg [dreg:$0x18];
	[tilespmem:s0+$0x18640] =	vst v20;
	v21 =	vadd.f32 v21, v17  }
0x339: {  	s15 =	sadd.s32 s28, s15;
	[tilespmem:s0+$0x18630] =	vst v22;
	v22 =	vadd.f32 v23, v18  }
0x33a: {  	s15 =	sshll.u32 s15, $0x4;
	[tilespmem:s0+$0x18650] =	vst v21  }
0x33b: {  	s31 =	simm.s32 $0x18600;
	s15 =	sadd.s32 s6, s15;
	[tilespmem:s0+$0x18660] =	vst v22  }
0x33c: {  	[hbm4b:s15+s7] =	stream.linear.scatter [tilespmem:s31], [sflag:$0xD], $0x2000, $0x38;
	[tilespmem:$0x1C700] =	vst v63  }
0x33d: {  	_ =	swait.ge [sflag:s5], $0x2000  }
0x33e: {  	[sflag:s5] =	ssyncset.done $0x0  }
0x33f: {  	[sflag:s5] =	ssyncadd.s32 $0xFFFFE000  }
0x340: {  	_ =	swait.ge [sflag:s11], $0x2000  }
0x341: {  	[sflag:s11] =	ssyncset.done $0x0  }
0x342: {  	[sflag:s11] =	ssyncadd.s32 $0xFFFFE000  }
0x343: {  	_ =	swait.ge [sflag:s24], $0x2000  }
0x344: {  	[sflag:s24] =	ssyncset.done $0x0  }
0x345: {  	s0 =	simm.s32 @!p0 $0x11;
	[sflag:s24] =	ssyncadd.s32 $0xFFFFE000  }
0x346: {  	_ =	swait.ge @!p0 [sflag:s0], $0x40  }
0x347: {  	[sflag:s0] =	ssyncset.done @!p0 $0x0  }
0x348: {  	[sflag:s0] =	ssyncadd.s32 @!p0 $0xFFFFFFC0  }
0x349: {  	_ =	swait.ge @!p0 [sflag:s0], $0x40  }
0x34a: {  	[sflag:s0] =	ssyncset.done @!p0 $0x0  }
0x34b: {  	[sflag:s0] =	ssyncadd.s32 @!p0 $0xFFFFFFC0  }
0x34c: {  	_ =	swait.ge @!p0 [sflag:s0], $0x40  }
0x34d: {  	s29 =	simm.s32 @!p0 $0xC600;
	[sflag:s0] =	ssyncset.done @!p0 $0x0  }
0x34e: {  	s15 =	simm.s32 @!p0 $0x300;
	[sflag:s0] =	ssyncadd.s32 @!p0 $0xFFFFFFC0;
	s0 =	simm.s32 @!p0 $0x40  }
0x34f: {  	[tilespmem:s29], [sflag:$0x7] =	stream.indirect.gather @!p0 [hbm4b:s1+s0], $0x80, s15, s0, $0xb8;
	[tilespmem:$0x1C700] =	vst v63  }
0x350: {  	s15 =	simm.s32 @!p0 $0x380;
	s29 =	simm.s32 @!p0 $0xE600  }
0x351: {  	[tilespmem:s29], [sflag:$0x8] =	stream.indirect.gather @!p0 [hbm4b:s2+s0], $0x80, s15, s0, $0xb8;
	[tilespmem:$0x1C700] =	vst v63  }
0x352: {  	s15 =	simm.s32 @!p0 $0x400;
	s29 =	simm.s32 @!p0 $0x10600  }
0x353: {  	[tilespmem:s29], [sflag:$0x9] =	stream.indirect.gather @!p0 [hbm4b:s2+s0], $0x80, s15, s0, $0xb8;
	[tilespmem:$0x1C700] =	vst v63  }
0x354: {  	s0 =	rddreg [dreg:$0x19]  }
0x355: {  	s0 =	sadd.s32 @!p0 s28, s0  }
0x356: {  	s0 =	sshrl.u32 @!p0 s0, $0x3  }
0x357: {  	s29 =	simm.s32 @!p0 $0x480;
	s28 =	simm.s32 @!p0 $0x0;
	s15 =	sadd.s32 @!p0 s8, s0  }
0x358: {  	[tilespmem:s29], [sflag:$0x12] =	stream.linear.gather @!p0 [hbm4b:s15+s28], $0x40, $0x38;
	[tilespmem:$0x1C700] =	vst v63  }
0x359: {  	s15 =	sadd.s32 @!p0 s9, s0;
	s29 =	simm.s32 @!p0 $0x500  }
0x35a: {  	[tilespmem:s29], [sflag:$0x12] =	stream.linear.gather @!p0 [hbm4b:s15+s28], $0x40, $0x38;
	[tilespmem:$0x1C700] =	vst v63  }
0x35b: {  	s0 =	sadd.s32 @!p0 s10, s0;
	s15 =	simm.s32 @!p0 $0x580  }
0x35c: {  	[tilespmem:s15], [sflag:$0x12] =	stream.linear.gather @!p0 [hbm4b:s0+s28], $0x40, $0x38;
	[tilespmem:$0x1C700] =	vst v63  }
0x35d: {  	_ =	swait.ge [sflag:s25], $0x2000  }
0x35e: {  	[sflag:s25] =	ssyncset.done $0x0  }
0x35f: {  	s28 =	simm.s32 $0x0;
	[sflag:s25] =	ssyncadd.s32 $0xFFFFE000  }
0x360: {  	v20 =	vld [tilespmem:s28+$0x16600]  }
0x361: {  	v21 =	vld [tilespmem:s28+$0x16610]  }
0x362: {  	v22 =	vld [tilespmem:s28+$0x16620]  }
0x363: {  	v23 =	vld [tilespmem:s28+$0x12600]  }
0x364: {  	v24 =	vld [tilespmem:s28+$0x14600]  }
0x365: {  	v25 =	vld [tilespmem:s28+$0x12610]  }
0x366: {  	v26 =	vld [tilespmem:s28+$0x14610]  }
0x367: {  	v27 =	vld [tilespmem:s28+$0x12620]  }
0x368: {  	v28 =	vld [tilespmem:s28+$0x14620]  }
0x369: {  	v29 =	vld [tilespmem:s28+$0x12630]  }
0x36a: {  	v30 =	vld [tilespmem:s28+$0x14630]  }
0x36b: {  	v31 =	vld [tilespmem:s28+$0x12640]  }
0x36c: {  	v44 =	vld [tilespmem:s28+$0x14640]  }
0x36d: {  	v45 =	vld [tilespmem:s28+$0x12650]  }
0x36e: {  	v46 =	vld [tilespmem:s28+$0x14650]  }
0x36f: {  	v47 =	vld [tilespmem:s28+$0x12660]  }
0x370: {  	v48 =	vld [tilespmem:s28+$0x14660]  }
0x371: {  	v49 =	vld [tilespmem:s28+$0x12670]  }
0x372: {  	v50 =	vld [tilespmem:s28+$0x14670]  }
0x373: {  	v51 =	vld [tilespmem:s28+$0x16630]  }
0x374: {  	v53 =	vld [tilespmem:s28+$0x16670];
	v23 =	vadd.f32 v24, v23  }
0x375: {  	v24 =	vld [tilespmem:s28+$0x16640];
	v25 =	vadd.f32 v26, v25;
	v26 =	vadd.f32 v28, v27  }
0x376: {  	v27 =	vld [tilespmem:s28+$0x16650];
	v28 =	vadd.f32 v30, v29;
	v29 =	vadd.f32 v44, v31  }
0x377: {  	v31 =	vld [tilespmem:s28+$0x16660];
	v30 =	vadd.f32 v46, v45;
	v52 =	vadd.f32 v48, v47  }
0x378: {  	v36 =	vadd.f32 v20, v23;
	v20 =	vadd.f32 v50, v49  }
0x379: {  	v34 =	vadd.f32 v21, v25;
	v35 =	vadd.f32 v22, v26  }
0x37a: {  	v32 =	vadd.f32 v51, v28;
	v28 =	vadd.f32 v53, v20  }
0x37b: {  	v20 =	vadd.f32 v34, v36;
	v29 =	vadd.f32 v24, v29  }
0x37c: {  	v21 =	vmul.f32 v36, v36;
	v30 =	vadd.f32 v27, v30;
	v31 =	vadd.f32 v31, v52  }
0x37d: {  	v22 =	vadd.f32 v32, v35;
	v23 =	vmul.f32 v34, v34;
	v25 =	vmul.f32 v35, v35  }
0x37e: {  	v26 =	vmul.f32 v32, v32;
	v24 =	vadd.f32 v30, v29;
	v27 =	vadd.f32 v28, v31  }
0x37f: {  	v20 =	vadd.f32 v22, v20;
	v54 =	vmul.f32 v29, v29;
	v22 =	vmul.f32 v30, v30  }
0x380: {  	v55 =	vmul.f32 v31, v31;
	v24 =	vadd.f32 v27, v24;
	v27 =	vmul.f32 v28, v28  }
0x381: {  	v21 =	vadd.f32 v23, v21;
	v23 =	vadd.f32 v26, v25  }
0x382: {  	v22 =	vadd.f32 v22, v54;
	v26 =	vadd.f32 v27, v55  }
0x383: {  	v21 =	vadd.f32 v23, v21  }
0x384: {  	s29 =	simm.s32 $0x80;
	v20 =	vadd.f32 v24, v20;
	v22 =	vadd.f32 v26, v22  }
0x385: {  	v33 =	vld [tilespmem:s29+$0x16620]  }
0x386: {  	v38 =	vld [tilespmem:s29+$0x12620];
	v24 =	vperm.xlane v20, v0;
	v21 =	vadd.f32 v22, v21  }
0x387: {  	v58 =	vld [tilespmem:s29+$0x14620]  }
0x388: {  	v37 =	vld [tilespmem:s29+$0x12630];
	v20 =	vadd.f32 v20, v24;
	v56 =	vperm.xlane v21, v0  }
0x389: {  	v39 =	vld [tilespmem:s29+$0x14630]  }
0x38a: {  	v42 =	vld [tilespmem:s29+$0x12640];
	v57 =	vperm.xlane v20, v1;
	v21 =	vadd.f32 v56, v21  }
0x38b: {  	v62 =	vld [tilespmem:s29+$0x12650]  }
0x38c: {  	v63 =	vld [tilespmem:s29+$0x14650];
	v20 =	vadd.f32 v20, v57;
	v59 =	vperm.xlane v21, v1  }
0x38d: {  	v38 =	vadd.f32 v58, v38;
	v58 =	vld [tilespmem:s29+$0x16630]  }
0x38e: {  	v23 =	vld [tilespmem:s29+$0x12600];
	v60 =	vperm.xlane v20, v2;
	v21 =	vadd.f32 v59, v21  }
0x38f: {  	v26 =	vld [tilespmem:s29+$0x14600]  }
0x390: {  	v25 =	vld [tilespmem:s29+$0x16600];
	v20 =	vadd.f32 v20, v60;
	v52 =	vperm.xlane v21, v2  }
0x391: {  	v22 =	vld [tilespmem:s29+$0x12610]  }
0x392: {  	v24 =	vld [tilespmem:s29+$0x14610];
	v54 =	vperm.xlane v20, v3;
	v21 =	vadd.f32 v52, v21  }
0x393: {  	v27 =	vld [tilespmem:s29+$0x16610]  }
0x394: {  	v23 =	vadd.f32 v26, v23;
	v26 =	vld [tilespmem:s29+$0x14670];
	v20 =	vadd.f32 v20, v54;
	v57 =	vperm.xlane v21, v3  }
0x395: {  	v37 =	vadd.f32 v39, v37;
	v56 =	vld [tilespmem:s29+$0x12670]  }
0x396: {  	v61 =	vld [tilespmem:s29+$0x14640];
	v41 =	vadd.f32 v63, v62;
	v49 =	vmul.f32 $7.812500000e-03, v20;
	v20 =	vadd.f32 v57, v21  }
0x397: {  	v62 =	vld [tilespmem:s29+$0x16660];
	v22 =	vadd.f32 v24, v22;
	v24 =	vadd.f32 v25, v23  }
0x398: {  	v48 =	vld [tilespmem:s29+$0x16670];
	v25 =	vadd.f32 v33, v38;
	v63 =	vmul.f32 v49, v49;
	v20 =	vmul.f32 $7.812500000e-03, v20  }
0x399: {  	v53 =	vld [tilespmem:s29+$0x12660];
	v27 =	vadd.f32 v27, v22;
	v22 =	vadd.f32 v58, v37  }
0x39a: {  	v55 =	vld [tilespmem:s29+$0x14660];
	v23 =	vadd.f32 v26, v56;
	v20 =	vsub.f32 v20, v63  }
0x39b: {  	v59 =	vld [tilespmem:s29+$0x16640];
	v40 =	vadd.f32 v22, v25;
	v52 =	vadd.f32 v27, v24  }
0x39c: {  	v60 =	vld [tilespmem:s29+$0x16650];
	v50 =	vadd.f32 $9.999999960e-13, v20  }
0x39d: {  	v56 =	vmul.f32 v27, v27;
	v23 =	vadd.f32 v48, v23;
	v33 =	vadd.f32 v40, v52  }
0x39e: {  	v21 =	vadd.f32 v61, v42;
	v51 =	vshra.s32 v50, $0x1;
	v38 =	vmul.f32 $5.000000000e-01, v50  }
0x39f: {  	v61 =	vadd.f32 v55, v53;
	v53 =	vmul.f32 v24, v24;
	v37 =	vsub.s32 $0x5F3759DF, v51  }
0x3a0: {  	v55 =	vmul.f32 v23, v23;
	v26 =	vadd.f32 v59, v21;
	v57 =	vmul.f32 v37, v38  }
0x3a1: {  	v21 =	vadd.f32 v60, v41;
	v59 =	vmul.f32 v25, v25;
	v20 =	vadd.f32 v62, v61  }
0x3a2: {  	v60 =	vmul.f32 v22, v22;
	v39 =	vadd.f32 v56, v53;
	v42 =	vmul.f32 v37, v57  }
0x3a3: {  	v58 =	vadd.f32 v21, v26;
	v63 =	vmul.f32 v21, v21;
	v61 =	vadd.f32 v23, v20  }
0x3a4: {  	v62 =	vmul.f32 v26, v26;
	v54 =	vmul.f32 v20, v20;
	v42 =	vsub.f32 $1.500000000e+00, v42  }
0x3a5: {  	s0 =	simm.s32 $0x100;
	v56 =	vadd.f32 v60, v59;
	v43 =	vadd.f32 v61, v58  }
0x3a6: {  	v44 =	vld [tilespmem:s0+$0x12600];
	v40 =	vadd.f32 v63, v62;
	v57 =	vadd.f32 v55, v54;
	v37 =	vmul.f32 v37, v42  }
0x3a7: {  	v46 =	vld [tilespmem:s0+$0x14600];
	v43 =	vadd.f32 v43, v33  }
0x3a8: {  	v45 =	vld [tilespmem:s0+$0x14610];
	v39 =	vadd.f32 v56, v39;
	v40 =	vadd.f32 v57, v40;
	v58 =	vmul.f32 v37, v38  }
0x3a9: {  	v47 =	vld [tilespmem:s0+$0x14630];
	v59 =	vperm.xlane v43, v0  }
0x3aa: {  	v41 =	vld [tilespmem:s0+$0x12610];
	v39 =	vadd.f32 v40, v39;
	v60 =	vmul.f32 v58, v37  }
0x3ab: {  	v48 =	vld [tilespmem:s0+$0x12620];
	v43 =	vadd.f32 v43, v59  }
0x3ac: {  	v52 =	vld [tilespmem:s0+$0x12670];
	v61 =	vperm.xlane v39, v0;
	v40 =	vsub.f32 $1.500000000e+00, v60  }
0x3ad: {  	v53 =	vld [tilespmem:s0+$0x12640];
	v62 =	vperm.xlane v43, v1  }
0x3ae: {  	v56 =	vld [tilespmem:s0+$0x14650];
	v39 =	vadd.f32 v61, v39;
	v37 =	vmul.f32 v40, v37  }
0x3af: {  	v41 =	vadd.f32 v45, v41;
	v45 =	vld [tilespmem:s0+$0x16630];
	v43 =	vadd.f32 v43, v62  }
0x3b0: {  	v36 =	vsub.f32 v36, v49;
	v63 =	vld [tilespmem:s0+$0x14620];
	v59 =	vperm.xlane v39, v1;
	v38 =	vmul.f32 v37, v38  }
0x3b1: {  	v34 =	vsub.f32 v34, v49;
	v35 =	vsub.f32 v35, v49;
	v50 =	vld [tilespmem:s0+$0x12650];
	v60 =	vperm.xlane v43, v2  }
0x3b2: {  	v55 =	vsub.f32 v32, v49;
	v32 =	vld [tilespmem:s0+$0x14640];
	v39 =	vadd.f32 v59, v39;
	v38 =	vmul.f32 v38, v37  }
0x3b3: {  	v29 =	vsub.f32 v29, v49;
	v42 =	vld [tilespmem:s0+$0x16610];
	v54 =	vadd.f32 v43, v60  }
0x3b4: {  	v30 =	vsub.f32 v30, v49;
	v40 =	vld [tilespmem:s0+$0x12630];
	v61 =	vperm.xlane v39, v2;
	v38 =	vsub.f32 $1.500000000e+00, v38  }
0x3b5: {  	v31 =	vsub.f32 v31, v49;
	v57 =	vadd.f32 v46, v44;
	v58 =	vld [tilespmem:s0+$0x12660];
	v44 =	vperm.xlane v54, v3  }
0x3b6: {  	v28 =	vsub.f32 v28, v49;
	v59 =	vld [tilespmem:s0+$0x14660];
	v39 =	vadd.f32 v61, v39;
	v38 =	vmul.f32 v38, v37  }
0x3b7: {  	v51 =	vld [tilespmem:s0+$0x16600];
	v43 =	vadd.f32 v63, v48;
	v62 =	vadd.f32 v54, v44  }
0x3b8: {  	v60 =	vld [tilespmem:s0+$0x14670];
	v44 =	vadd.f32 v32, v53;
	v63 =	vperm.xlane v39, v3;
	v61 =	vmul.f32 v38, v28  }
0x3b9: {  	v33 =	vld [tilespmem:s0+$0x16620];
	v32 =	vadd.f32 v42, v41;
	v40 =	vadd.f32 v47, v40  }
0x3ba: {  	v46 =	vld [tilespmem:s0+$0x16640];
	v28 =	vmul.f32 $7.812500000e-03, v62;
	v62 =	vadd.f32 v63, v39;
	v63 =	vmul.f32 v61, v11  }
0x3bb: {  	v48 =	vld [tilespmem:s0+$0x16650];
	v47 =	vadd.f32 v56, v50;
	v49 =	vadd.f32 v59, v58;
	v37 =	vmul.f32 v38, v36  }
0x3bc: {  	v50 =	vld [tilespmem:s0+$0x16660];
	v61 =	vmul.f32 $7.812500000e-03, v62;
	v62 =	vmul.f32 v28, v28;
	v63 =	vadd.f32 v63, v19  }
0x3bd: {  	v39 =	vmul.f32 v38, v34;
	v34 =	vadd.f32 v51, v57;
	v51 =	vadd.f32 v60, v52;
	v52 =	vld [tilespmem:s0+$0x16670]  }
0x3be: {  	s30 =	simm.s32 $0x600;
	v36 =	vmul.f32 v38, v35;
	v35 =	vmul.f32 v38, v55;
	v41 =	vsub.f32 v61, v62;
	[tilespmem:s28+$0x1A670] =	vst v63  }
.LBB2_12:
0x3bf: {  	p0 =	sne.s32 s30, $0x7E00;
	v43 =	vadd.f32 v33, v43;
	v45 =	vadd.f32 v45, v40;
	v53 =	vmul.f32 v38, v29  }
0x3c0: {  	v44 =	vadd.f32 v46, v44;
	v46 =	vmul.f32 v38, v30;
	v29 =	vadd.f32 $9.999999960e-13, v41  }
0x3c1: {  	v38 =	vmul.f32 v38, v31;
	v47 =	vadd.f32 v48, v47;
	v48 =	vadd.f32 v50, v49  }
0x3c2: {  	v40 =	vadd.f32 v52, v51;
	v30 =	vshra.s32 v29, $0x1;
	v49 =	vmul.f32 $5.000000000e-01, v29  }
0x3c3: {  	v31 =	vmul.f32 v34, v34;
	v29 =	vadd.f32 v32, v34;
	v30 =	vsub.s32 $0x5F3759DF, v30  }
0x3c4: {  	v41 =	vmul.f32 v32, v32;
	v33 =	vadd.f32 v45, v43;
	v42 =	vmul.f32 v30, v49  }
0x3c5: {  	v50 =	vadd.f32 v47, v44;
	v51 =	vmul.f32 v43, v43;
	v52 =	vmul.f32 v45, v45  }
0x3c6: {  	v55 =	vmul.f32 v44, v44;
	v54 =	vadd.f32 v40, v48;
	v42 =	vmul.f32 v30, v42  }
0x3c7: {  	v56 =	vmul.f32 v48, v48;
	v29 =	vadd.f32 v33, v29;
	v33 =	vmul.f32 v47, v47  }
0x3c8: {  	v50 =	vadd.f32 v54, v50;
	v54 =	vmul.f32 v40, v40;
	v42 =	vsub.f32 $1.500000000e+00, v42  }
0x3c9: {  	s15 =	sshra.s32 s30, $0x2;
	v37 =	vmul.f32 v37, v4;
	v31 =	vadd.f32 v41, v31;
	v51 =	vadd.f32 v52, v51  }
0x3ca: {  	v52 =	vadd.f32 v33, v55;
	v54 =	vadd.f32 v54, v56;
	v41 =	vld [tilespmem:s15+$0x16600];
	v55 =	vmul.f32 v30, v42  }
0x3cb: {  	v39 =	vmul.f32 v39, v5;
	v29 =	vadd.f32 v50, v29;
	v50 =	vsub.f32 v24, v28;
	v24 =	vmovc v34;
	v42 =	vld [tilespmem:s15+$0x16610]  }
0x3cc: {  	v30 =	vadd.f32 v51, v31;
	v31 =	vadd.f32 v54, v52;
	v33 =	vld [tilespmem:s15+$0x16620];
	v34 =	vmul.f32 v55, v49  }
0x3cd: {  	v56 =	vsub.f32 v25, v28;
	v25 =	vmovc v43;
	v52 =	vperm.xlane v29, v0;
	v54 =	vsub.f32 v27, v28;
	v51 =	vld [tilespmem:s15+$0x12600]  }
0x3ce: {  	v58 =	vsub.f32 v22, v28;
	v22 =	vmovc v45;
	v57 =	vadd.f32 v31, v30;
	v43 =	vld [tilespmem:s15+$0x14600];
	v31 =	vmul.f32 v34, v55  }
0x3cf: {  	v36 =	vmul.f32 v36, v6;
	v45 =	vadd.f32 v29, v52;
	v29 =	vsub.f32 v26, v28;
	v26 =	vmovc v44;
	v34 =	vld [tilespmem:s15+$0x12610]  }
0x3d0: {  	v27 =	vmovc v32;
	v30 =	vsub.f32 v21, v28;
	v21 =	vmovc v47;
	v52 =	vperm.xlane v57, v0;
	v44 =	vld [tilespmem:s15+$0x14610];
	v59 =	vsub.f32 $1.500000000e+00, v31  }
0x3d1: {  	v35 =	vmul.f32 v35, v7;
	v47 =	vperm.xlane v45, v1;
	v31 =	vsub.f32 v20, v28;
	v20 =	vmovc v48;
	v32 =	vld [tilespmem:s15+$0x12620]  }
0x3d2: {  	v53 =	vmul.f32 v53, v8;
	v52 =	vadd.f32 v52, v57;
	v48 =	vld [tilespmem:s15+$0x14620];
	v55 =	vmul.f32 v59, v55  }
0x3d3: {  	v46 =	vmul.f32 v46, v9;
	v38 =	vmul.f32 v38, v10;
	v45 =	vadd.f32 v45, v47;
	v57 =	vld [tilespmem:s15+$0x12630]  }
0x3d4: {  	v37 =	vadd.f32 v37, v12;
	v59 =	vperm.xlane v52, v1;
	v47 =	vld [tilespmem:s15+$0x14630];
	v49 =	vmul.f32 v55, v49  }
0x3d5: {  	v39 =	vadd.f32 v39, v13;
	v36 =	vadd.f32 v36, v14;
	v61 =	vperm.xlane v45, v2;
	v60 =	vld [tilespmem:s15+$0x12640]  }
0x3d6: {  	v35 =	vadd.f32 v35, v15;
	v52 =	vadd.f32 v59, v52;
	v62 =	vld [tilespmem:s15+$0x14640];
	v49 =	vmul.f32 v49, v55;
	[tilespmem:s28+$0x1A600] =	vst v37  }
0x3d7: {  	v37 =	vadd.f32 v45, v61;
	v59 =	vld [tilespmem:s15+$0x12650];
	[tilespmem:s28+$0x1A610] =	vst v39;
	v39 =	vadd.f32 v53, v16  }
0x3d8: {  	v45 =	vperm.xlane v52, v2;
	v53 =	vld [tilespmem:s15+$0x14650];
	v49 =	vsub.f32 $1.500000000e+00, v49;
	[tilespmem:s28+$0x1A620] =	vst v36;
	v36 =	vadd.f32 v46, v17  }
0x3d9: {  	v51 =	vadd.f32 v43, v51;
	v46 =	vperm.xlane v37, v3;
	v61 =	vld [tilespmem:s15+$0x12660];
	[tilespmem:s28+$0x1A630] =	vst v35;
	v35 =	vadd.f32 v38, v18  }
0x3da: {  	v28 =	vsub.f32 v23, v28;
	v52 =	vadd.f32 v45, v52;
	v63 =	vld [tilespmem:s15+$0x14660];
	v38 =	vmul.f32 v49, v55;
	[tilespmem:s28+$0x1A640] =	vst v39  }
0x3db: {  	v23 =	vmov v40;
	v43 =	vadd.f32 v48, v32;
	v55 =	vadd.f32 v44, v34;
	v32 =	vld [tilespmem:s15+$0x12670];
	[tilespmem:s28+$0x1A650] =	vst v36  }
0x3dc: {  	v34 =	vadd.f32 v37, v46;
	v39 =	vperm.xlane v52, v3;
	v36 =	vld [tilespmem:s15+$0x14670];
	v48 =	vmul.f32 v38, v28;
	[tilespmem:s28+$0x1A660] =	vst v35;
	s28 =	smov.u32 s29;
	s29 =	smov.u32 s0;
	s0 =	smov.u32 s15  }
0x3dd: {  	v40 =	vadd.f32 v47, v57;
	v44 =	vadd.f32 v62, v60;
	v37 =	vmul.f32 v38, v50;
	v45 =	vld [tilespmem:s0+$0x16630]  }
.Ltmp5:
0x3de: {  	v28 =	vmul.f32 $7.812500000e-03, v34;
	v34 =	vadd.f32 v39, v52;
	v46 =	vld [tilespmem:s0+$0x16640];
	v35 =	vmul.f32 v48, v11;
	(pc) =	sbr.rel @p0 .LBB2_12-.Ltmp5, $4  }
0x3df: {  	v39 =	vmul.f32 v38, v54;
	v47 =	vadd.f32 v53, v59;
	v48 =	vld [tilespmem:s0+$0x16650];
	v49 =	vadd.f32 v63, v61  }
0x3e0: {  	v53 =	vmul.f32 $7.812500000e-03, v34;
	v54 =	vmul.f32 v28, v28;
	v50 =	vld [tilespmem:s0+$0x16660];
	v57 =	vadd.f32 v35, v19  }
0x3e1: {  	v34 =	vadd.f32 v41, v51;
	v51 =	vadd.f32 v36, v32;
	v52 =	vld [tilespmem:s0+$0x16670];
	v36 =	vmul.f32 v38, v56  }
0x3e2: {  	s30 =	sadd.s32 $0x200, s30;
	v41 =	vsub.f32 v53, v54;
	v35 =	vmul.f32 v38, v58;
	v32 =	vadd.f32 v42, v55;
	[tilespmem:s28+$0x1A670] =	vst v57  }
0x3e3: {  	v42 =	vadd.f32 v33, v43  }
0x3e4: {  	v43 =	vadd.f32 v45, v40;
	v44 =	vadd.f32 v46, v44  }
0x3e5: {  	v45 =	vadd.f32 v48, v47;
	v58 =	vadd.f32 v32, v34  }
0x3e6: {  	v47 =	vmul.f32 v34, v34;
	v60 =	vmul.f32 v32, v32;
	v33 =	vadd.f32 v50, v49  }
0x3e7: {  	v59 =	vadd.f32 v43, v42;
	v62 =	vmul.f32 v42, v42;
	v63 =	vmul.f32 v43, v43  }
0x3e8: {  	v54 =	vmul.f32 v44, v44;
	v40 =	vadd.f32 v52, v51;
	v61 =	vadd.f32 v45, v44  }
0x3e9: {  	v57 =	vmul.f32 v45, v45;
	v47 =	vadd.f32 v60, v47;
	v46 =	vadd.f32 v59, v58  }
0x3ea: {  	v55 =	vmul.f32 v33, v33;
	v53 =	vadd.f32 v40, v33;
	v58 =	vmul.f32 v40, v40  }
0x3eb: {  	v59 =	vadd.f32 v63, v62;
	v48 =	vadd.f32 v57, v54  }
0x3ec: {  	v50 =	vadd.f32 v53, v61;
	v60 =	vadd.f32 v58, v55  }
0x3ed: {  	v47 =	vadd.f32 v59, v47  }
0x3ee: {  	v46 =	vadd.f32 v50, v46;
	v48 =	vadd.f32 v60, v48;
	_ =	sdelay $0x1  }
0x3ef: {  	v61 =	vperm.xlane v46, v0;
	v47 =	vadd.f32 v48, v47;
	_ =	sdelay $0x1  }
0x3f0: {  	v46 =	vadd.f32 v46, v61;
	v48 =	vperm.xlane v47, v0;
	_ =	sdelay $0x1  }
0x3f1: {  	v49 =	vperm.xlane v46, v1;
	v47 =	vadd.f32 v48, v47;
	_ =	sdelay $0x1  }
0x3f2: {  	v46 =	vadd.f32 v46, v49;
	v48 =	vperm.xlane v47, v1;
	_ =	sdelay $0x1  }
0x3f3: {  	v49 =	vperm.xlane v46, v2;
	v47 =	vadd.f32 v48, v47;
	_ =	sdelay $0x1  }
0x3f4: {  	v46 =	vadd.f32 v46, v49;
	v48 =	vperm.xlane v47, v2  }
0x3f5: {  	v41 =	vadd.f32 $9.999999960e-13, v41  }
0x3f6: {  	v63 =	vperm.xlane v46, v3;
	v47 =	vadd.f32 v48, v47  }
0x3f7: {  	v62 =	vshra.s32 v41, $0x1;
	v41 =	vmul.f32 $5.000000000e-01, v41  }
0x3f8: {  	v49 =	vsub.s32 $0x5F3759DF, v62;
	v46 =	vadd.f32 v46, v63;
	v53 =	vperm.xlane v47, v3  }
0x3f9: {  	v52 =	vmul.f32 v49, v41  }
0x3fa: {  	v46 =	vmul.f32 $7.812500000e-03, v46;
	v47 =	vadd.f32 v53, v47  }
0x3fb: {  	v48 =	vmul.f32 v49, v52  }
0x3fc: {  	v47 =	vmul.f32 $7.812500000e-03, v47;
	v54 =	vmul.f32 v46, v46  }
0x3fd: {  	v48 =	vsub.f32 $1.500000000e+00, v48  }
0x3fe: {  	v47 =	vsub.f32 v47, v54  }
0x3ff: {  	v48 =	vmul.f32 v49, v48  }
0x400: {  	v47 =	vadd.f32 $9.999999960e-13, v47  }
0x401: {  	v49 =	vmul.f32 v48, v41  }
0x402: {  	v55 =	vshra.s32 v47, $0x1;
	v47 =	vmul.f32 $5.000000000e-01, v47  }
0x403: {  	v49 =	vmul.f32 v49, v48;
	v50 =	vsub.s32 $0x5F3759DF, v55  }
0x404: {  	v56 =	vmul.f32 v50, v47  }
0x405: {  	v29 =	vmul.f32 v38, v29;
	v30 =	vmul.f32 v38, v30;
	v49 =	vsub.f32 $1.500000000e+00, v49  }
0x406: {  	v31 =	vmul.f32 v38, v31;
	v57 =	vmul.f32 v50, v56  }
0x407: {  	v37 =	vmul.f32 v37, v4;
	v24 =	vsub.f32 v24, v28;
	v48 =	vmul.f32 v49, v48  }
0x408: {  	v39 =	vmul.f32 v39, v5;
	v27 =	vsub.f32 v27, v28;
	v38 =	vsub.f32 $1.500000000e+00, v57  }
0x409: {  	v25 =	vsub.f32 v25, v28;
	v22 =	vsub.f32 v22, v28;
	v41 =	vmul.f32 v48, v41  }
0x40a: {  	v26 =	vsub.f32 v26, v28;
	v36 =	vmul.f32 v36, v6;
	v38 =	vmul.f32 v50, v38  }
0x40b: {  	v21 =	vsub.f32 v21, v28;
	v23 =	vsub.f32 v23, v28;
	v41 =	vmul.f32 v41, v48  }
0x40c: {  	v20 =	vsub.f32 v20, v28;
	v35 =	vmul.f32 v35, v7;
	v58 =	vmul.f32 v38, v47  }
0x40d: {  	v29 =	vmul.f32 v29, v8;
	v30 =	vmul.f32 v30, v9;
	v41 =	vsub.f32 $1.500000000e+00, v41  }
0x40e: {  	v37 =	vadd.f32 v37, v12;
	v39 =	vadd.f32 v39, v13;
	v60 =	vmul.f32 v58, v38  }
0x40f: {  	v36 =	vadd.f32 v36, v14;
	v35 =	vadd.f32 v35, v15;
	v41 =	vmul.f32 v41, v48  }
0x410: {  	v29 =	vadd.f32 v29, v16;
	v59 =	vmul.f32 v31, v10;
	v31 =	vsub.f32 $1.500000000e+00, v60  }
0x411: {  	v30 =	vadd.f32 v30, v17;
	v23 =	vmul.f32 v41, v23;
	v24 =	vmul.f32 v41, v24  }
0x412: {  	v28 =	vadd.f32 v59, v18;
	v27 =	vmul.f32 v41, v27;
	v31 =	vmul.f32 v31, v38  }
0x413: {  	[tilespmem:s28+$0x1A600] =	vst v37;
	v62 =	vsub.f32 v34, v46;
	v25 =	vmul.f32 v41, v25;
	v22 =	vmul.f32 v41, v22  }
0x414: {  	[tilespmem:s28+$0x1A610] =	vst v39;
	v63 =	vsub.f32 v32, v46;
	v26 =	vmul.f32 v41, v26;
	v61 =	vmul.f32 v31, v47  }
0x415: {  	[tilespmem:s28+$0x1A620] =	vst v36;
	v42 =	vsub.f32 v42, v46;
	v21 =	vmul.f32 v41, v21;
	v20 =	vmul.f32 v41, v20  }
0x416: {  	[tilespmem:s28+$0x1A630] =	vst v35;
	v43 =	vsub.f32 v43, v46;
	v23 =	vmul.f32 v23, v11;
	v41 =	vmul.f32 v61, v31  }
0x417: {  	[tilespmem:s28+$0x1A640] =	vst v29;
	v51 =	vsub.f32 v40, v46;
	v33 =	vsub.f32 v33, v46;
	v24 =	vmul.f32 v24, v4  }
0x418: {  	[tilespmem:s28+$0x1A650] =	vst v30;
	v27 =	vmul.f32 v27, v5;
	v23 =	vadd.f32 v23, v19;
	v35 =	vsub.f32 $1.500000000e+00, v41  }
0x419: {  	[tilespmem:s28+$0x1A660] =	vst v28;
	v48 =	vsub.f32 v45, v46;
	v25 =	vmul.f32 v25, v6;
	v24 =	vadd.f32 v24, v12  }
0x41a: {  	v22 =	vmul.f32 v22, v7;
	v49 =	vadd.f32 v27, v13;
	[tilespmem:s29+$0x1A670] =	vst v23;
	v50 =	vmul.f32 v35, v31  }
0x41b: {  	v26 =	vmul.f32 v26, v8;
	v21 =	vmul.f32 v21, v9;
	v25 =	vadd.f32 v25, v14;
	[tilespmem:s29+$0x1A600] =	vst v24  }
0x41c: {  	v20 =	vmul.f32 v20, v10;
	v22 =	vadd.f32 v22, v15;
	[tilespmem:s29+$0x1A610] =	vst v49;
	v52 =	vmul.f32 v50, v51  }
0x41d: {  	v53 =	vadd.f32 v26, v16;
	v21 =	vadd.f32 v21, v17;
	[tilespmem:s29+$0x1A620] =	vst v25;
	v54 =	vmul.f32 v50, v62  }
0x41e: {  	v20 =	vadd.f32 v20, v18;
	[tilespmem:s29+$0x1A630] =	vst v22;
	v56 =	vmul.f32 v50, v63;
	v55 =	vmul.f32 v52, v11  }
0x41f: {  	[tilespmem:s29+$0x1A640] =	vst v53;
	v47 =	vsub.f32 v44, v46;
	v57 =	vmul.f32 v50, v42;
	v25 =	vmul.f32 v54, v4  }
0x420: {  	[tilespmem:s29+$0x1A650] =	vst v21;
	v59 =	vmul.f32 v50, v43;
	v23 =	vmul.f32 v56, v5;
	v58 =	vadd.f32 v55, v19  }
0x421: {  	[tilespmem:s29+$0x1A660] =	vst v20;
	v20 =	vmul.f32 v50, v47;
	v24 =	vmul.f32 v57, v6;
	v25 =	vadd.f32 v25, v12  }
0x422: {  	v60 =	vmul.f32 v50, v48;
	v22 =	vmul.f32 v59, v7;
	v23 =	vadd.f32 v23, v13;
	[tilespmem:s0+$0x1A670] =	vst v58  }
0x423: {  	v61 =	vmul.f32 v50, v33;
	v20 =	vmul.f32 v20, v8;
	v24 =	vadd.f32 v24, v14;
	[tilespmem:s0+$0x1A600] =	vst v25  }
0x424: {  	s23 =	sadd.s32 $0x1, s23;
	v21 =	vmul.f32 v60, v9;
	v22 =	vadd.f32 v22, v15;
	[tilespmem:s0+$0x1A610] =	vst v23  }
0x425: {  	p0 =	sne.s32 s23, $0x64;
	v62 =	vmul.f32 v61, v10;
	v20 =	vadd.f32 v20, v16;
	[tilespmem:s0+$0x1A620] =	vst v24  }
.Ltmp6:
0x426: {  	s15 =	rddreg [dreg:$0x1b];
	v21 =	vadd.f32 v21, v17;
	[tilespmem:s0+$0x1A630] =	vst v22;
	(pc) =	sbr.rel @p0 .LBB2_2-.Ltmp6, $4  }
0x427: {  	s15 =	sadd.s32 s26, s15;
	v63 =	vadd.f32 v62, v18;
	[tilespmem:s0+$0x1A640] =	vst v20  }
0x428: {  	s15 =	sshrl.u32 s15, $0x3;
	[tilespmem:s0+$0x1A650] =	vst v21  }
0x429: {  	s31 =	simm.s32 $0x1A600;
	s30 =	sadd.s32 s6, s15;
	[tilespmem:s0+$0x1A660] =	vst v63  }
0x42a: {  	[hbm4b:s30+s7] =	stream.linear.scatter [tilespmem:s31], [sflag:$0xE], $0x2000, $0x38;
	[tilespmem:$0x1C700] =	vst v63  }
0x42b: {  	_ =	swait.ge [sflag:s4], $0x2000  }
0x42c: {  	[sflag:s4] =	ssyncset.done $0x0  }
0x42d: {  	[sflag:s4] =	ssyncadd.s32 $0xFFFFE000  }
0x42e: {  	_ =	swait.ge [sflag:s25], $0x2000  }
0x42f: {  	s15 =	rddreg [dreg:$0x1c]  }
0x430: {  	s0 =	rddreg [dreg:$0x1a];
	s15 =	sadd.s32 $0x1, s15  }
0x431: {  	p0 =	sne.s32 s15, s0  }
.Ltmp7:
0x432: {  	_ = 	snop;
	(pc) =	sbr.rel @p0 .LBB2_1-.Ltmp7, $3  }
0x433: {  	_ =	sdelay $0x1  }
0x434: {  	[sflag:s25] =	ssyncset.done $0x0  }
0x435: {  	[sflag:s25] =	ssyncadd.s32 $0xFFFFE000  }
0x436: {  	_ =	sfence.sel $0x180000  }
0x437: {  	[bflag:$0x0] =	sbarrier.arrive $0xFFFF  }
0x438: {  	_ =	strace $0x90000047  }
0x439: {  	s0 =	stileid.u32;
	[bflag:$0x2] =	sbarrier.arrive $0xFFFF  }
0x43a: {  	p0 =	sne.s32 s0, $0x0;
	s0 =	rddreg [dreg:$0x6]  }
0x43b: {  	s0 =	sadd.s32 @!p0 $0x100000, s0  }
0x43c: {  	[sflag:s0] =	ssyncadd.tile.s32 @!p0 $0x1;
	_ =	shalt  }
.Lfunc_end2:
_tile_overlayer_lowered:
.L_overlay_start_2:
0x43d: {  	(tag) =	ssettag $0x2  }
0x43e: {  	s0 =	rddreg [dreg:$0x0];
	s2 =	stileid.u32  }
0x43f: {  	s1 =	rddreg [dreg:$0x1];
	p0 =	sne.s32 s2, $0x0  }
0x440: {  	s3 =	rddreg [dreg:$0x2];
	[bflag:$0x3] =	sbarrier.arrive $0xFFFF;
	s2 =	simm.s32 @!p0 $0x1C13  }
0x441: {  	[timem:s3], [sflag:s2] =	dma.local @!p0 [hbm:s0], s1  }
0x442: {  	s0 =	simm.s32 @!p0 $0x13  }
0x443: {  	_ =	swait.ge @!p0 [sflag:s0], s1  }
0x444: {  	s1 =	ssub.s32 @!p0 $0x0, s1;
	[sflag:s0] =	ssyncset.done @!p0 $0x0  }
0x445: {  	[sflag:s0] =	ssyncadd.s32 @!p0 s1  }
0x446: {  	[bflag:$0x3] =	sbarrier.arrive $0xFFFF  }
0x447: {  	_ =	shalt  }

</sc_bundles>
